<compile_context>
chip_gen: v7x
topology: tpu7x:2x2x1
jax: 0.10.2.dev20260603
libtpu: 0.0.44.dev20260713+nightly
codegen_flags: <defaults>
</compile_context>

<pallas_src>
import functools

import jax
import jax.numpy as jnp
from jax import lax
from jax.experimental import pallas as pl
from jax.experimental.pallas import tpu as pltpu
from jax.experimental.pallas import tpu_sc as plsc

B = 64
V = 4096
R = 512
C = 512

NC = 2
NS = 16
NW = NC * NS

BG = 8
BPG = B // BG
IC = NW // BG
NBR = R // 8
BRPC = NBR // IC

LANES = 16
JV = C // LANES


def _sc_gather(x, mask):
    mesh = plsc.VectorSubcoreMesh(core_axis_name="c", subcore_axis_name="s")

    @functools.partial(
        pl.kernel,
        mesh=mesh,
        compiler_params=pltpu.CompilerParams(needs_layout_passes=False),
        out_type=jax.ShapeDtypeStruct((B, R, C), jnp.float32),
        scratch_types=[
            pltpu.VMEM((BPG * V,), jnp.float32),
            pltpu.VMEM((8, C), jnp.int32),
            pltpu.VMEM((8, C), jnp.int32),
            pltpu.VMEM((BPG, 8, C), jnp.float32),
            pltpu.VMEM((BPG, 8, C), jnp.float32),
            pltpu.SemaphoreType.DMA,
            pltpu.SemaphoreType.DMA,
            pltpu.SemaphoreType.DMA,
            pltpu.SemaphoreType.DMA,
        ],
    )
    def k(x_hbm, mask_hbm, out_hbm, x_v, idx0, idx1, out0, out1,
          si0, si1, so0, so1):
        wid = lax.axis_index("s") * NC + lax.axis_index("c")
        g = wid // IC
        c = wid % IC
        row0 = g * BPG
        br0 = c * BRPC

        idxb = (idx0, idx1)
        outb = (out0, out1)
        sib = (si0, si1)
        sob = (so0, so1)

        def in_copy(s, par):
            return pltpu.make_async_copy(
                mask_hbm.at[pl.ds((br0 + s) * 8, 8)], idxb[par], sib[par])

        def out_copy(s, par, b):
            return pltpu.make_async_copy(
                outb[par].at[b],
                out_hbm.at[row0 + b, pl.ds((br0 + s) * 8, 8)],
                sob[par])

        in_copy(0, 0).start()
        in_copy(1, 1).start()

        def x_copy(r):
            return pltpu.make_async_copy(
                x_hbm.at[row0 + r], x_v.at[pl.ds(r * V, V)], so0)

        for r in range(BPG):
            x_copy(r).start()
        for r in range(BPG):
            x_copy(r).wait()

        def step2(i, carry):
            for par in range(2):
                s = 2 * i + par
                in_copy(s, par).wait()

                @pl.when(s >= 2)
                def _drain():
                    for b in range(BPG):
                        out_copy(0, par, b).wait()

                @plsc.parallel_loop(0, 8 * JV, unroll=2)
                def _vbody(v):
                    ii = v >> 5
                    j0 = (v & 31) * LANES
                    idx = idxb[par][ii, pl.ds(j0, LANES)]
                    for b in range(BPG):
                        outb[par][b, ii, pl.ds(j0, LANES)] = (
                            plsc.load_gather(x_v, [idx + b * V]))

                @pl.when(s + 2 < BRPC)
                def _prefetch():
                    in_copy(s + 2, par).start()

                for b in range(BPG):
                    out_copy(s, par, b).start()
            return carry

        lax.fori_loop(0, BRPC // 2, step2, 0)
        for par in range(2):
            for b in range(BPG):
                out_copy(0, par, b).wait()

    return k(x, mask)


def kernel(x, mask):
    return _sc_gather(x, mask)

# --- scband reference (transcript-rebuilt; emitter-appended) ---
"""Pipeline reference for scband-expand-coeff-38414187495603 (READ-ONLY COPY).

The authoritative reference and input builder live on the scoring server;
editing this copy changes nothing except your own understanding.
"""

import jax, jax.numpy as jnp
import numpy as np


def setup_inputs(seed: int = 0) -> dict:
    key = jax.random.key(seed)
    k1, k2 = jax.random.split(key)
    x = jax.random.normal(k1, (64, 4096), dtype=jnp.float32)
    mask = jax.random.randint(k2, (512, 512), 0, 4096, dtype=jnp.int32)
    return {"x": x, "mask": mask}


def reference(x, mask):
    # _coeff_expand: expand flat coefficients x along last axis into the
    # structured layout described by the integer index array `mask`.
    # out[..., i, j] = x[..., mask[i, j]]  (pure gather / embedding lookup)
    return jnp.take(x, mask, axis=-1)

if __name__ == "__main__":
    import jax
    _d = setup_inputs()
    print(jax.jit(kernel)(*tuple(_d.values())))

</pallas_src>

<mosaic_0001>
#map = affine_map<(d0, d1) -> (0, 0)>
#map1 = affine_map<(d0, d1) -> (0, 0, 0)>
module attributes {stable_mosaic.version = 14 : i64} {
  func.func @k(%arg0: i32, %arg1: i32, %arg2: memref<64x4096xf32, #tpu.memory_space<hbm>>, %arg3: memref<512x512xi32, #tpu.memory_space<hbm>>, %arg4: memref<64x512x512xf32, #tpu.memory_space<hbm>>, %arg5: memref<32768xf32, #tpu.memory_space<vmem>>, %arg6: memref<8x512xi32, #tpu.memory_space<vmem>>, %arg7: memref<8x512xi32, #tpu.memory_space<vmem>>, %arg8: memref<8x8x512xf32, #tpu.memory_space<vmem>>, %arg9: memref<8x8x512xf32, #tpu.memory_space<vmem>>, %arg10: memref<!tpu.dma_semaphore, #tpu.memory_space<semaphore_mem>>, %arg11: memref<!tpu.dma_semaphore, #tpu.memory_space<semaphore_mem>>, %arg12: memref<!tpu.dma_semaphore, #tpu.memory_space<semaphore_mem>>, %arg13: memref<!tpu.dma_semaphore, #tpu.memory_space<semaphore_mem>>) attributes {dimension_semantics = [#tpu.dimension_semantics<core_parallel>, #tpu.dimension_semantics<subcore_parallel>], iteration_bounds = array<i64: 2, 16>, scalar_prefetch = 0 : i64, scratch_operands = 9 : i64, tpu.core_type = #tpu.core_type<sc_vector_subcore>, window_params = [{transform_indices = #map}, {transform_indices = #map}, {transform_indices = #map1}]} {
    %mul3A = arith.constant 2 : i32
    %mul3A_0 = arith.muli %arg1, %mul3A : i32
    %add3A = arith.addi %mul3A_0, %arg0 : i32
    %jit3A = arith.constant 4 : i32
    %div3A = arith.divsi %add3A, %jit3A : i32
    %sign3A = arith.constant 0 : i32
    %sign3A_1 = arith.cmpi sgt, %add3A, %sign3A : i32
    %sign3A_2 = arith.extui %sign3A_1 : i1 to i32
    %sign3A_3 = arith.constant 0 : i32
    %sign3A_4 = arith.cmpi slt, %add3A, %sign3A_3 : i32
    %sign3A_5 = arith.extui %sign3A_4 : i1 to i32
    %sign3A_6 = arith.subi %sign3A_2, %sign3A_5 : i32
    %sign3A_7 = arith.constant 0 : i32
    %sign3A_8 = arith.cmpi sgt, %jit3A, %sign3A_7 : i32
    %sign3A_9 = arith.extui %sign3A_8 : i1 to i32
    %sign3A_10 = arith.constant 0 : i32
    %sign3A_11 = arith.cmpi slt, %jit3A, %sign3A_10 : i32
    %sign3A_12 = arith.extui %sign3A_11 : i1 to i32
    %sign3A_13 = arith.subi %sign3A_9, %sign3A_12 : i32
    %ne3A = arith.cmpi ne, %sign3A_6, %sign3A_13 : i32
    %rem3A = arith.remsi %add3A, %jit3A : i32
    %ne3A_14 = arith.constant 0 : i32
    %ne3A_15 = arith.cmpi ne, %rem3A, %ne3A_14 : i32
    %and3A = arith.andi %ne3A, %ne3A_15 : i1
    %sub3A = arith.constant 1 : i32
    %sub3A_16 = arith.subi %div3A, %sub3A : i32
    %select_n3A = arith.select %and3A, %sub3A_16, %div3A : i32
    %jit3A_17 = arith.constant 4 : i32
    %eq3A = arith.constant 0 : i32
    %eq3A_18 = arith.cmpi eq, %jit3A_17, %eq3A : i32
    %jit3A_19 = arith.constant 1 : i32
    %select_n3A_20 = arith.select %eq3A_18, %jit3A_19, %jit3A_17 : i32
    %rem3A_21 = arith.remsi %add3A, %select_n3A_20 : i32
    %ne3A_22 = arith.constant 0 : i32
    %ne3A_23 = arith.cmpi ne, %rem3A_21, %ne3A_22 : i32
    %lt3A = arith.constant 0 : i32
    %lt3A_24 = arith.cmpi slt, %rem3A_21, %lt3A : i32
    %lt3A_25 = arith.constant 0 : i32
    %lt3A_26 = arith.cmpi slt, %select_n3A_20, %lt3A_25 : i32
    %ne3A_27 = arith.xori %lt3A_24, %lt3A_26 : i1
    %and3A_28 = arith.andi %ne3A_27, %ne3A_23 : i1
    %add3A_29 = arith.addi %rem3A_21, %select_n3A_20 : i32
    %select_n3A_30 = arith.select %and3A_28, %add3A_29, %rem3A_21 : i32
    %mul3A_31 = arith.constant 8 : i32
    %mul3A_32 = arith.muli %select_n3A, %mul3A_31 : i32
    %mul3A_33 = arith.constant 16 : i32
    %mul3A_34 = arith.muli %select_n3A_30, %mul3A_33 : i32
    %add3A_35 = arith.constant 0 : i32
    %add3A_36 = arith.addi %mul3A_34, %add3A_35 : i32
    %mul3A_37 = arith.constant 8 : i32
    %mul3A_38 = arith.muli %add3A_36, %mul3A_37 : i32
    %dma_start3A = arith.constant 0 : i32
    %dma_start3A_39 = tpu.memref_slice %arg3[%mul3A_38, %dma_start3A] : memref<512x512xi32, #tpu.memory_space<hbm>> -> memref<8x512xi32, #tpu.memory_space<hbm>>
    %dma_start3A_40 = arith.constant 0 : i32
    %dma_start3A_41 = tpu.memref_slice %arg3[%mul3A_38, %dma_start3A_40] : memref<512x512xi32, #tpu.memory_space<hbm>> -> memref<8x512xi32, #tpu.memory_space<hbm>>
    tpu.enqueue_dma source(%dma_start3A_41 : memref<8x512xi32, #tpu.memory_space<hbm>>) target(%arg6 : memref<8x512xi32, #tpu.memory_space<vmem>>) target_semaphore(%arg10 : memref<!tpu.dma_semaphore, #tpu.memory_space<semaphore_mem>>)
    %add3A_42 = arith.constant 1 : i32
    %add3A_43 = arith.addi %mul3A_34, %add3A_42 : i32
    %mul3A_44 = arith.constant 8 : i32
    %mul3A_45 = arith.muli %add3A_43, %mul3A_44 : i32
    %dma_start3A_46 = arith.constant 0 : i32
    %dma_start3A_47 = tpu.memref_slice %arg3[%mul3A_45, %dma_start3A_46] : memref<512x512xi32, #tpu.memory_space<hbm>> -> memref<8x512xi32, #tpu.memory_space<hbm>>
    %dma_start3A_48 = arith.constant 0 : i32
    %dma_start3A_49 = tpu.memref_slice %arg3[%mul3A_45, %dma_start3A_48] : memref<512x512xi32, #tpu.memory_space<hbm>> -> memref<8x512xi32, #tpu.memory_space<hbm>>
    tpu.enqueue_dma source(%dma_start3A_49 : memref<8x512xi32, #tpu.memory_space<hbm>>) target(%arg7 : memref<8x512xi32, #tpu.memory_space<vmem>>) target_semaphore(%arg11 : memref<!tpu.dma_semaphore, #tpu.memory_space<semaphore_mem>>)
    %add3A_50 = arith.constant 0 : i32
    %add3A_51 = arith.addi %mul3A_32, %add3A_50 : i32
    %dma_start3A_52 = arith.constant 0 : i32
    %dma_start3A_53 = tpu.memref_slice %arg5[%dma_start3A_52] : memref<32768xf32, #tpu.memory_space<vmem>> -> memref<4096xf32, #tpu.memory_space<vmem>>
    %dma_start3A_54 = arith.constant 0 : i32
    %dma_start3A_55 = tpu.memref_slice %arg2[%add3A_51, %dma_start3A_54] : memref<64x4096xf32, #tpu.memory_space<hbm>> -> memref<1x4096xf32, #tpu.memory_space<hbm>>
    %dma_start3A_56 = tpu.memref_squeeze %dma_start3A_55 : memref<1x4096xf32, #tpu.memory_space<hbm>> -> memref<4096xf32, #tpu.memory_space<hbm>>
    %dma_start3A_57 = arith.constant 0 : i32
    %dma_start3A_58 = tpu.memref_slice %arg5[%dma_start3A_57] : memref<32768xf32, #tpu.memory_space<vmem>> -> memref<4096xf32, #tpu.memory_space<vmem>>
    %dma_start3A_59 = arith.constant 0 : i32
    %dma_start3A_60 = tpu.memref_slice %arg2[%add3A_51, %dma_start3A_59] : memref<64x4096xf32, #tpu.memory_space<hbm>> -> memref<1x4096xf32, #tpu.memory_space<hbm>>
    %dma_start3A_61 = tpu.memref_squeeze %dma_start3A_60 : memref<1x4096xf32, #tpu.memory_space<hbm>> -> memref<4096xf32, #tpu.memory_space<hbm>>
    tpu.enqueue_dma source(%dma_start3A_61 : memref<4096xf32, #tpu.memory_space<hbm>>) target(%dma_start3A_58 : memref<4096xf32, #tpu.memory_space<vmem>>) target_semaphore(%arg12 : memref<!tpu.dma_semaphore, #tpu.memory_space<semaphore_mem>>)
    %add3A_62 = arith.constant 1 : i32
    %add3A_63 = arith.addi %mul3A_32, %add3A_62 : i32
    %dma_start3A_64 = arith.constant 4096 : i32
    %dma_start3A_65 = tpu.memref_slice %arg5[%dma_start3A_64] : memref<32768xf32, #tpu.memory_space<vmem>> -> memref<4096xf32, #tpu.memory_space<vmem>>
    %dma_start3A_66 = arith.constant 0 : i32
    %dma_start3A_67 = tpu.memref_slice %arg2[%add3A_63, %dma_start3A_66] : memref<64x4096xf32, #tpu.memory_space<hbm>> -> memref<1x4096xf32, #tpu.memory_space<hbm>>
    %dma_start3A_68 = tpu.memref_squeeze %dma_start3A_67 : memref<1x4096xf32, #tpu.memory_space<hbm>> -> memref<4096xf32, #tpu.memory_space<hbm>>
    %dma_start3A_69 = arith.constant 4096 : i32
    %dma_start3A_70 = tpu.memref_slice %arg5[%dma_start3A_69] : memref<32768xf32, #tpu.memory_space<vmem>> -> memref<4096xf32, #tpu.memory_space<vmem>>
    %dma_start3A_71 = arith.constant 0 : i32
    %dma_start3A_72 = tpu.memref_slice %arg2[%add3A_63, %dma_start3A_71] : memref<64x4096xf32, #tpu.memory_space<hbm>> -> memref<1x4096xf32, #tpu.memory_space<hbm>>
    %dma_start3A_73 = tpu.memref_squeeze %dma_start3A_72 : memref<1x4096xf32, #tpu.memory_space<hbm>> -> memref<4096xf32, #tpu.memory_space<hbm>>
    tpu.enqueue_dma source(%dma_start3A_73 : memref<4096xf32, #tpu.memory_space<hbm>>) target(%dma_start3A_70 : memref<4096xf32, #tpu.memory_space<vmem>>) target_semaphore(%arg12 : memref<!tpu.dma_semaphore, #tpu.memory_space<semaphore_mem>>)
    %add3A_74 = arith.constant 2 : i32
    %add3A_75 = arith.addi %mul3A_32, %add3A_74 : i32
    %dma_start3A_76 = arith.constant 8192 : i32
    %dma_start3A_77 = tpu.memref_slice %arg5[%dma_start3A_76] : memref<32768xf32, #tpu.memory_space<vmem>> -> memref<4096xf32, #tpu.memory_space<vmem>>
    %dma_start3A_78 = arith.constant 0 : i32
    %dma_start3A_79 = tpu.memref_slice %arg2[%add3A_75, %dma_start3A_78] : memref<64x4096xf32, #tpu.memory_space<hbm>> -> memref<1x4096xf32, #tpu.memory_space<hbm>>
    %dma_start3A_80 = tpu.memref_squeeze %dma_start3A_79 : memref<1x4096xf32, #tpu.memory_space<hbm>> -> memref<4096xf32, #tpu.memory_space<hbm>>
    %dma_start3A_81 = arith.constant 8192 : i32
    %dma_start3A_82 = tpu.memref_slice %arg5[%dma_start3A_81] : memref<32768xf32, #tpu.memory_space<vmem>> -> memref<4096xf32, #tpu.memory_space<vmem>>
    %dma_start3A_83 = arith.constant 0 : i32
    %dma_start3A_84 = tpu.memref_slice %arg2[%add3A_75, %dma_start3A_83] : memref<64x4096xf32, #tpu.memory_space<hbm>> -> memref<1x4096xf32, #tpu.memory_space<hbm>>
    %dma_start3A_85 = tpu.memref_squeeze %dma_start3A_84 : memref<1x4096xf32, #tpu.memory_space<hbm>> -> memref<4096xf32, #tpu.memory_space<hbm>>
    tpu.enqueue_dma source(%dma_start3A_85 : memref<4096xf32, #tpu.memory_space<hbm>>) target(%dma_start3A_82 : memref<4096xf32, #tpu.memory_space<vmem>>) target_semaphore(%arg12 : memref<!tpu.dma_semaphore, #tpu.memory_space<semaphore_mem>>)
    %add3A_86 = arith.constant 3 : i32
    %add3A_87 = arith.addi %mul3A_32, %add3A_86 : i32
    %dma_start3A_88 = arith.constant 12288 : i32
    %dma_start3A_89 = tpu.memref_slice %arg5[%dma_start3A_88] : memref<32768xf32, #tpu.memory_space<vmem>> -> memref<4096xf32, #tpu.memory_space<vmem>>
    %dma_start3A_90 = arith.constant 0 : i32
    %dma_start3A_91 = tpu.memref_slice %arg2[%add3A_87, %dma_start3A_90] : memref<64x4096xf32, #tpu.memory_space<hbm>> -> memref<1x4096xf32, #tpu.memory_space<hbm>>
    %dma_start3A_92 = tpu.memref_squeeze %dma_start3A_91 : memref<1x4096xf32, #tpu.memory_space<hbm>> -> memref<4096xf32, #tpu.memory_space<hbm>>
    %dma_start3A_93 = arith.constant 12288 : i32
    %dma_start3A_94 = tpu.memref_slice %arg5[%dma_start3A_93] : memref<32768xf32, #tpu.memory_space<vmem>> -> memref<4096xf32, #tpu.memory_space<vmem>>
    %dma_start3A_95 = arith.constant 0 : i32
    %dma_start3A_96 = tpu.memref_slice %arg2[%add3A_87, %dma_start3A_95] : memref<64x4096xf32, #tpu.memory_space<hbm>> -> memref<1x4096xf32, #tpu.memory_space<hbm>>
    %dma_start3A_97 = tpu.memref_squeeze %dma_start3A_96 : memref<1x4096xf32, #tpu.memory_space<hbm>> -> memref<4096xf32, #tpu.memory_space<hbm>>
    tpu.enqueue_dma source(%dma_start3A_97 : memref<4096xf32, #tpu.memory_space<hbm>>) target(%dma_start3A_94 : memref<4096xf32, #tpu.memory_space<vmem>>) target_semaphore(%arg12 : memref<!tpu.dma_semaphore, #tpu.memory_space<semaphore_mem>>)
    %add3A_98 = arith.constant 4 : i32
    %add3A_99 = arith.addi %mul3A_32, %add3A_98 : i32
    %dma_start3A_100 = arith.constant 16384 : i32
    %dma_start3A_101 = tpu.memref_slice %arg5[%dma_start3A_100] : memref<32768xf32, #tpu.memory_space<vmem>> -> memref<4096xf32, #tpu.memory_space<vmem>>
    %dma_start3A_102 = arith.constant 0 : i32
    %dma_start3A_103 = tpu.memref_slice %arg2[%add3A_99, %dma_start3A_102] : memref<64x4096xf32, #tpu.memory_space<hbm>> -> memref<1x4096xf32, #tpu.memory_space<hbm>>
    %dma_start3A_104 = tpu.memref_squeeze %dma_start3A_103 : memref<1x4096xf32, #tpu.memory_space<hbm>> -> memref<4096xf32, #tpu.memory_space<hbm>>
    %dma_start3A_105 = arith.constant 16384 : i32
    %dma_start3A_106 = tpu.memref_slice %arg5[%dma_start3A_105] : memref<32768xf32, #tpu.memory_space<vmem>> -> memref<4096xf32, #tpu.memory_space<vmem>>
    %dma_start3A_107 = arith.constant 0 : i32
    %dma_start3A_108 = tpu.memref_slice %arg2[%add3A_99, %dma_start3A_107] : memref<64x4096xf32, #tpu.memory_space<hbm>> -> memref<1x4096xf32, #tpu.memory_space<hbm>>
    %dma_start3A_109 = tpu.memref_squeeze %dma_start3A_108 : memref<1x4096xf32, #tpu.memory_space<hbm>> -> memref<4096xf32, #tpu.memory_space<hbm>>
    tpu.enqueue_dma source(%dma_start3A_109 : memref<4096xf32, #tpu.memory_space<hbm>>) target(%dma_start3A_106 : memref<4096xf32, #tpu.memory_space<vmem>>) target_semaphore(%arg12 : memref<!tpu.dma_semaphore, #tpu.memory_space<semaphore_mem>>)
    %add3A_110 = arith.constant 5 : i32
    %add3A_111 = arith.addi %mul3A_32, %add3A_110 : i32
    %dma_start3A_112 = arith.constant 20480 : i32
    %dma_start3A_113 = tpu.memref_slice %arg5[%dma_start3A_112] : memref<32768xf32, #tpu.memory_space<vmem>> -> memref<4096xf32, #tpu.memory_space<vmem>>
    %dma_start3A_114 = arith.constant 0 : i32
    %dma_start3A_115 = tpu.memref_slice %arg2[%add3A_111, %dma_start3A_114] : memref<64x4096xf32, #tpu.memory_space<hbm>> -> memref<1x4096xf32, #tpu.memory_space<hbm>>
    %dma_start3A_116 = tpu.memref_squeeze %dma_start3A_115 : memref<1x4096xf32, #tpu.memory_space<hbm>> -> memref<4096xf32, #tpu.memory_space<hbm>>
    %dma_start3A_117 = arith.constant 20480 : i32
    %dma_start3A_118 = tpu.memref_slice %arg5[%dma_start3A_117] : memref<32768xf32, #tpu.memory_space<vmem>> -> memref<4096xf32, #tpu.memory_space<vmem>>
    %dma_start3A_119 = arith.constant 0 : i32
    %dma_start3A_120 = tpu.memref_slice %arg2[%add3A_111, %dma_start3A_119] : memref<64x4096xf32, #tpu.memory_space<hbm>> -> memref<1x4096xf32, #tpu.memory_space<hbm>>
    %dma_start3A_121 = tpu.memref_squeeze %dma_start3A_120 : memref<1x4096xf32, #tpu.memory_space<hbm>> -> memref<4096xf32, #tpu.memory_space<hbm>>
    tpu.enqueue_dma source(%dma_start3A_121 : memref<4096xf32, #tpu.memory_space<hbm>>) target(%dma_start3A_118 : memref<4096xf32, #tpu.memory_space<vmem>>) target_semaphore(%arg12 : memref<!tpu.dma_semaphore, #tpu.memory_space<semaphore_mem>>)
    %add3A_122 = arith.constant 6 : i32
    %add3A_123 = arith.addi %mul3A_32, %add3A_122 : i32
    %dma_start3A_124 = arith.constant 24576 : i32
    %dma_start3A_125 = tpu.memref_slice %arg5[%dma_start3A_124] : memref<32768xf32, #tpu.memory_space<vmem>> -> memref<4096xf32, #tpu.memory_space<vmem>>
    %dma_start3A_126 = arith.constant 0 : i32
    %dma_start3A_127 = tpu.memref_slice %arg2[%add3A_123, %dma_start3A_126] : memref<64x4096xf32, #tpu.memory_space<hbm>> -> memref<1x4096xf32, #tpu.memory_space<hbm>>
    %dma_start3A_128 = tpu.memref_squeeze %dma_start3A_127 : memref<1x4096xf32, #tpu.memory_space<hbm>> -> memref<4096xf32, #tpu.memory_space<hbm>>
    %dma_start3A_129 = arith.constant 24576 : i32
    %dma_start3A_130 = tpu.memref_slice %arg5[%dma_start3A_129] : memref<32768xf32, #tpu.memory_space<vmem>> -> memref<4096xf32, #tpu.memory_space<vmem>>
    %dma_start3A_131 = arith.constant 0 : i32
    %dma_start3A_132 = tpu.memref_slice %arg2[%add3A_123, %dma_start3A_131] : memref<64x4096xf32, #tpu.memory_space<hbm>> -> memref<1x4096xf32, #tpu.memory_space<hbm>>
    %dma_start3A_133 = tpu.memref_squeeze %dma_start3A_132 : memref<1x4096xf32, #tpu.memory_space<hbm>> -> memref<4096xf32, #tpu.memory_space<hbm>>
    tpu.enqueue_dma source(%dma_start3A_133 : memref<4096xf32, #tpu.memory_space<hbm>>) target(%dma_start3A_130 : memref<4096xf32, #tpu.memory_space<vmem>>) target_semaphore(%arg12 : memref<!tpu.dma_semaphore, #tpu.memory_space<semaphore_mem>>)
    %add3A_134 = arith.constant 7 : i32
    %add3A_135 = arith.addi %mul3A_32, %add3A_134 : i32
    %dma_start3A_136 = arith.constant 28672 : i32
    %dma_start3A_137 = tpu.memref_slice %arg5[%dma_start3A_136] : memref<32768xf32, #tpu.memory_space<vmem>> -> memref<4096xf32, #tpu.memory_space<vmem>>
    %dma_start3A_138 = arith.constant 0 : i32
    %dma_start3A_139 = tpu.memref_slice %arg2[%add3A_135, %dma_start3A_138] : memref<64x4096xf32, #tpu.memory_space<hbm>> -> memref<1x4096xf32, #tpu.memory_space<hbm>>
    %dma_start3A_140 = tpu.memref_squeeze %dma_start3A_139 : memref<1x4096xf32, #tpu.memory_space<hbm>> -> memref<4096xf32, #tpu.memory_space<hbm>>
    %dma_start3A_141 = arith.constant 28672 : i32
    %dma_start3A_142 = tpu.memref_slice %arg5[%dma_start3A_141] : memref<32768xf32, #tpu.memory_space<vmem>> -> memref<4096xf32, #tpu.memory_space<vmem>>
    %dma_start3A_143 = arith.constant 0 : i32
    %dma_start3A_144 = tpu.memref_slice %arg2[%add3A_135, %dma_start3A_143] : memref<64x4096xf32, #tpu.memory_space<hbm>> -> memref<1x4096xf32, #tpu.memory_space<hbm>>
    %dma_start3A_145 = tpu.memref_squeeze %dma_start3A_144 : memref<1x4096xf32, #tpu.memory_space<hbm>> -> memref<4096xf32, #tpu.memory_space<hbm>>
    tpu.enqueue_dma source(%dma_start3A_145 : memref<4096xf32, #tpu.memory_space<hbm>>) target(%dma_start3A_142 : memref<4096xf32, #tpu.memory_space<vmem>>) target_semaphore(%arg12 : memref<!tpu.dma_semaphore, #tpu.memory_space<semaphore_mem>>)
    %add3A_146 = arith.constant 0 : i32
    %add3A_147 = arith.addi %mul3A_32, %add3A_146 : i32
    %dma_wait3A = arith.constant 0 : i32
    %dma_wait3A_148 = tpu.memref_slice %arg5[%dma_wait3A] : memref<32768xf32, #tpu.memory_space<vmem>> -> memref<4096xf32, #tpu.memory_space<vmem>>
    %dma_wait3A_149 = arith.constant 0 : i32
    %dma_wait3A_150 = tpu.memref_slice %arg2[%add3A_147, %dma_wait3A_149] : memref<64x4096xf32, #tpu.memory_space<hbm>> -> memref<1x4096xf32, #tpu.memory_space<hbm>>
    %dma_wait3A_151 = tpu.memref_squeeze %dma_wait3A_150 : memref<1x4096xf32, #tpu.memory_space<hbm>> -> memref<4096xf32, #tpu.memory_space<hbm>>
    %dma_wait3A_152 = arith.constant 0 : i32
    %dma_wait3A_153 = tpu.memref_slice %arg5[%dma_wait3A_152] : memref<32768xf32, #tpu.memory_space<vmem>> -> memref<4096xf32, #tpu.memory_space<vmem>>
    %dma_wait3A_154 = arith.constant 0 : i32
    %dma_wait3A_155 = tpu.memref_slice %arg2[%add3A_147, %dma_wait3A_154] : memref<64x4096xf32, #tpu.memory_space<hbm>> -> memref<1x4096xf32, #tpu.memory_space<hbm>>
    %dma_wait3A_156 = tpu.memref_squeeze %dma_wait3A_155 : memref<1x4096xf32, #tpu.memory_space<hbm>> -> memref<4096xf32, #tpu.memory_space<hbm>>
    tpu.wait_dma2 semaphore(%arg12 : memref<!tpu.dma_semaphore, #tpu.memory_space<semaphore_mem>>) src(%dma_wait3A_156 : memref<4096xf32, #tpu.memory_space<hbm>>) dst(%dma_wait3A_153 : memref<4096xf32, #tpu.memory_space<vmem>>)
    %add3A_157 = arith.constant 1 : i32
    %add3A_158 = arith.addi %mul3A_32, %add3A_157 : i32
    %dma_wait3A_159 = arith.constant 4096 : i32
    %dma_wait3A_160 = tpu.memref_slice %arg5[%dma_wait3A_159] : memref<32768xf32, #tpu.memory_space<vmem>> -> memref<4096xf32, #tpu.memory_space<vmem>>
    %dma_wait3A_161 = arith.constant 0 : i32
    %dma_wait3A_162 = tpu.memref_slice %arg2[%add3A_158, %dma_wait3A_161] : memref<64x4096xf32, #tpu.memory_space<hbm>> -> memref<1x4096xf32, #tpu.memory_space<hbm>>
    %dma_wait3A_163 = tpu.memref_squeeze %dma_wait3A_162 : memref<1x4096xf32, #tpu.memory_space<hbm>> -> memref<4096xf32, #tpu.memory_space<hbm>>
    %dma_wait3A_164 = arith.constant 4096 : i32
    %dma_wait3A_165 = tpu.memref_slice %arg5[%dma_wait3A_164] : memref<32768xf32, #tpu.memory_space<vmem>> -> memref<4096xf32, #tpu.memory_space<vmem>>
    %dma_wait3A_166 = arith.constant 0 : i32
    %dma_wait3A_167 = tpu.memref_slice %arg2[%add3A_158, %dma_wait3A_166] : memref<64x4096xf32, #tpu.memory_space<hbm>> -> memref<1x4096xf32, #tpu.memory_space<hbm>>
    %dma_wait3A_168 = tpu.memref_squeeze %dma_wait3A_167 : memref<1x4096xf32, #tpu.memory_space<hbm>> -> memref<4096xf32, #tpu.memory_space<hbm>>
    tpu.wait_dma2 semaphore(%arg12 : memref<!tpu.dma_semaphore, #tpu.memory_space<semaphore_mem>>) src(%dma_wait3A_168 : memref<4096xf32, #tpu.memory_space<hbm>>) dst(%dma_wait3A_165 : memref<4096xf32, #tpu.memory_space<vmem>>)
    %add3A_169 = arith.constant 2 : i32
    %add3A_170 = arith.addi %mul3A_32, %add3A_169 : i32
    %dma_wait3A_171 = arith.constant 8192 : i32
    %dma_wait3A_172 = tpu.memref_slice %arg5[%dma_wait3A_171] : memref<32768xf32, #tpu.memory_space<vmem>> -> memref<4096xf32, #tpu.memory_space<vmem>>
    %dma_wait3A_173 = arith.constant 0 : i32
    %dma_wait3A_174 = tpu.memref_slice %arg2[%add3A_170, %dma_wait3A_173] : memref<64x4096xf32, #tpu.memory_space<hbm>> -> memref<1x4096xf32, #tpu.memory_space<hbm>>
    %dma_wait3A_175 = tpu.memref_squeeze %dma_wait3A_174 : memref<1x4096xf32, #tpu.memory_space<hbm>> -> memref<4096xf32, #tpu.memory_space<hbm>>
    %dma_wait3A_176 = arith.constant 8192 : i32
    %dma_wait3A_177 = tpu.memref_slice %arg5[%dma_wait3A_176] : memref<32768xf32, #tpu.memory_space<vmem>> -> memref<4096xf32, #tpu.memory_space<vmem>>
    %dma_wait3A_178 = arith.constant 0 : i32
    %dma_wait3A_179 = tpu.memref_slice %arg2[%add3A_170, %dma_wait3A_178] : memref<64x4096xf32, #tpu.memory_space<hbm>> -> memref<1x4096xf32, #tpu.memory_space<hbm>>
    %dma_wait3A_180 = tpu.memref_squeeze %dma_wait3A_179 : memref<1x4096xf32, #tpu.memory_space<hbm>> -> memref<4096xf32, #tpu.memory_space<hbm>>
    tpu.wait_dma2 semaphore(%arg12 : memref<!tpu.dma_semaphore, #tpu.memory_space<semaphore_mem>>) src(%dma_wait3A_180 : memref<4096xf32, #tpu.memory_space<hbm>>) dst(%dma_wait3A_177 : memref<4096xf32, #tpu.memory_space<vmem>>)
    %add3A_181 = arith.constant 3 : i32
    %add3A_182 = arith.addi %mul3A_32, %add3A_181 : i32
    %dma_wait3A_183 = arith.constant 12288 : i32
    %dma_wait3A_184 = tpu.memref_slice %arg5[%dma_wait3A_183] : memref<32768xf32, #tpu.memory_space<vmem>> -> memref<4096xf32, #tpu.memory_space<vmem>>
    %dma_wait3A_185 = arith.constant 0 : i32
    %dma_wait3A_186 = tpu.memref_slice %arg2[%add3A_182, %dma_wait3A_185] : memref<64x4096xf32, #tpu.memory_space<hbm>> -> memref<1x4096xf32, #tpu.memory_space<hbm>>
    %dma_wait3A_187 = tpu.memref_squeeze %dma_wait3A_186 : memref<1x4096xf32, #tpu.memory_space<hbm>> -> memref<4096xf32, #tpu.memory_space<hbm>>
    %dma_wait3A_188 = arith.constant 12288 : i32
    %dma_wait3A_189 = tpu.memref_slice %arg5[%dma_wait3A_188] : memref<32768xf32, #tpu.memory_space<vmem>> -> memref<4096xf32, #tpu.memory_space<vmem>>
    %dma_wait3A_190 = arith.constant 0 : i32
    %dma_wait3A_191 = tpu.memref_slice %arg2[%add3A_182, %dma_wait3A_190] : memref<64x4096xf32, #tpu.memory_space<hbm>> -> memref<1x4096xf32, #tpu.memory_space<hbm>>
    %dma_wait3A_192 = tpu.memref_squeeze %dma_wait3A_191 : memref<1x4096xf32, #tpu.memory_space<hbm>> -> memref<4096xf32, #tpu.memory_space<hbm>>
    tpu.wait_dma2 semaphore(%arg12 : memref<!tpu.dma_semaphore, #tpu.memory_space<semaphore_mem>>) src(%dma_wait3A_192 : memref<4096xf32, #tpu.memory_space<hbm>>) dst(%dma_wait3A_189 : memref<4096xf32, #tpu.memory_space<vmem>>)
    %add3A_193 = arith.constant 4 : i32
    %add3A_194 = arith.addi %mul3A_32, %add3A_193 : i32
    %dma_wait3A_195 = arith.constant 16384 : i32
    %dma_wait3A_196 = tpu.memref_slice %arg5[%dma_wait3A_195] : memref<32768xf32, #tpu.memory_space<vmem>> -> memref<4096xf32, #tpu.memory_space<vmem>>
    %dma_wait3A_197 = arith.constant 0 : i32
    %dma_wait3A_198 = tpu.memref_slice %arg2[%add3A_194, %dma_wait3A_197] : memref<64x4096xf32, #tpu.memory_space<hbm>> -> memref<1x4096xf32, #tpu.memory_space<hbm>>
    %dma_wait3A_199 = tpu.memref_squeeze %dma_wait3A_198 : memref<1x4096xf32, #tpu.memory_space<hbm>> -> memref<4096xf32, #tpu.memory_space<hbm>>
    %dma_wait3A_200 = arith.constant 16384 : i32
    %dma_wait3A_201 = tpu.memref_slice %arg5[%dma_wait3A_200] : memref<32768xf32, #tpu.memory_space<vmem>> -> memref<4096xf32, #tpu.memory_space<vmem>>
    %dma_wait3A_202 = arith.constant 0 : i32
    %dma_wait3A_203 = tpu.memref_slice %arg2[%add3A_194, %dma_wait3A_202] : memref<64x4096xf32, #tpu.memory_space<hbm>> -> memref<1x4096xf32, #tpu.memory_space<hbm>>
    %dma_wait3A_204 = tpu.memref_squeeze %dma_wait3A_203 : memref<1x4096xf32, #tpu.memory_space<hbm>> -> memref<4096xf32, #tpu.memory_space<hbm>>
    tpu.wait_dma2 semaphore(%arg12 : memref<!tpu.dma_semaphore, #tpu.memory_space<semaphore_mem>>) src(%dma_wait3A_204 : memref<4096xf32, #tpu.memory_space<hbm>>) dst(%dma_wait3A_201 : memref<4096xf32, #tpu.memory_space<vmem>>)
    %add3A_205 = arith.constant 5 : i32
    %add3A_206 = arith.addi %mul3A_32, %add3A_205 : i32
    %dma_wait3A_207 = arith.constant 20480 : i32
    %dma_wait3A_208 = tpu.memref_slice %arg5[%dma_wait3A_207] : memref<32768xf32, #tpu.memory_space<vmem>> -> memref<4096xf32, #tpu.memory_space<vmem>>
    %dma_wait3A_209 = arith.constant 0 : i32
    %dma_wait3A_210 = tpu.memref_slice %arg2[%add3A_206, %dma_wait3A_209] : memref<64x4096xf32, #tpu.memory_space<hbm>> -> memref<1x4096xf32, #tpu.memory_space<hbm>>
    %dma_wait3A_211 = tpu.memref_squeeze %dma_wait3A_210 : memref<1x4096xf32, #tpu.memory_space<hbm>> -> memref<4096xf32, #tpu.memory_space<hbm>>
    %dma_wait3A_212 = arith.constant 20480 : i32
    %dma_wait3A_213 = tpu.memref_slice %arg5[%dma_wait3A_212] : memref<32768xf32, #tpu.memory_space<vmem>> -> memref<4096xf32, #tpu.memory_space<vmem>>
    %dma_wait3A_214 = arith.constant 0 : i32
    %dma_wait3A_215 = tpu.memref_slice %arg2[%add3A_206, %dma_wait3A_214] : memref<64x4096xf32, #tpu.memory_space<hbm>> -> memref<1x4096xf32, #tpu.memory_space<hbm>>
    %dma_wait3A_216 = tpu.memref_squeeze %dma_wait3A_215 : memref<1x4096xf32, #tpu.memory_space<hbm>> -> memref<4096xf32, #tpu.memory_space<hbm>>
    tpu.wait_dma2 semaphore(%arg12 : memref<!tpu.dma_semaphore, #tpu.memory_space<semaphore_mem>>) src(%dma_wait3A_216 : memref<4096xf32, #tpu.memory_space<hbm>>) dst(%dma_wait3A_213 : memref<4096xf32, #tpu.memory_space<vmem>>)
    %add3A_217 = arith.constant 6 : i32
    %add3A_218 = arith.addi %mul3A_32, %add3A_217 : i32
    %dma_wait3A_219 = arith.constant 24576 : i32
    %dma_wait3A_220 = tpu.memref_slice %arg5[%dma_wait3A_219] : memref<32768xf32, #tpu.memory_space<vmem>> -> memref<4096xf32, #tpu.memory_space<vmem>>
    %dma_wait3A_221 = arith.constant 0 : i32
    %dma_wait3A_222 = tpu.memref_slice %arg2[%add3A_218, %dma_wait3A_221] : memref<64x4096xf32, #tpu.memory_space<hbm>> -> memref<1x4096xf32, #tpu.memory_space<hbm>>
    %dma_wait3A_223 = tpu.memref_squeeze %dma_wait3A_222 : memref<1x4096xf32, #tpu.memory_space<hbm>> -> memref<4096xf32, #tpu.memory_space<hbm>>
    %dma_wait3A_224 = arith.constant 24576 : i32
    %dma_wait3A_225 = tpu.memref_slice %arg5[%dma_wait3A_224] : memref<32768xf32, #tpu.memory_space<vmem>> -> memref<4096xf32, #tpu.memory_space<vmem>>
    %dma_wait3A_226 = arith.constant 0 : i32
    %dma_wait3A_227 = tpu.memref_slice %arg2[%add3A_218, %dma_wait3A_226] : memref<64x4096xf32, #tpu.memory_space<hbm>> -> memref<1x4096xf32, #tpu.memory_space<hbm>>
    %dma_wait3A_228 = tpu.memref_squeeze %dma_wait3A_227 : memref<1x4096xf32, #tpu.memory_space<hbm>> -> memref<4096xf32, #tpu.memory_space<hbm>>
    tpu.wait_dma2 semaphore(%arg12 : memref<!tpu.dma_semaphore, #tpu.memory_space<semaphore_mem>>) src(%dma_wait3A_228 : memref<4096xf32, #tpu.memory_space<hbm>>) dst(%dma_wait3A_225 : memref<4096xf32, #tpu.memory_space<vmem>>)
    %add3A_229 = arith.constant 7 : i32
    %add3A_230 = arith.addi %mul3A_32, %add3A_229 : i32
    %dma_wait3A_231 = arith.constant 28672 : i32
    %dma_wait3A_232 = tpu.memref_slice %arg5[%dma_wait3A_231] : memref<32768xf32, #tpu.memory_space<vmem>> -> memref<4096xf32, #tpu.memory_space<vmem>>
    %dma_wait3A_233 = arith.constant 0 : i32
    %dma_wait3A_234 = tpu.memref_slice %arg2[%add3A_230, %dma_wait3A_233] : memref<64x4096xf32, #tpu.memory_space<hbm>> -> memref<1x4096xf32, #tpu.memory_space<hbm>>
    %dma_wait3A_235 = tpu.memref_squeeze %dma_wait3A_234 : memref<1x4096xf32, #tpu.memory_space<hbm>> -> memref<4096xf32, #tpu.memory_space<hbm>>
    %dma_wait3A_236 = arith.constant 28672 : i32
    %dma_wait3A_237 = tpu.memref_slice %arg5[%dma_wait3A_236] : memref<32768xf32, #tpu.memory_space<vmem>> -> memref<4096xf32, #tpu.memory_space<vmem>>
    %dma_wait3A_238 = arith.constant 0 : i32
    %dma_wait3A_239 = tpu.memref_slice %arg2[%add3A_230, %dma_wait3A_238] : memref<64x4096xf32, #tpu.memory_space<hbm>> -> memref<1x4096xf32, #tpu.memory_space<hbm>>
    %dma_wait3A_240 = tpu.memref_squeeze %dma_wait3A_239 : memref<1x4096xf32, #tpu.memory_space<hbm>> -> memref<4096xf32, #tpu.memory_space<hbm>>
    tpu.wait_dma2 semaphore(%arg12 : memref<!tpu.dma_semaphore, #tpu.memory_space<semaphore_mem>>) src(%dma_wait3A_240 : memref<4096xf32, #tpu.memory_space<hbm>>) dst(%dma_wait3A_237 : memref<4096xf32, #tpu.memory_space<vmem>>)
    %scan3A = arith.constant 0 : i32
    %scan3A_241 = arith.constant 0 : i32
    %scan3A_242 = arith.constant 8 : i32
    %scan3A_243 = arith.addi %scan3A_241, %scan3A_242 : i32
    %scan3A_244 = arith.constant 1 : i32
    scf.for %scan3A_582 = %scan3A_241 to %scan3A_243 step %scan3A_244  : i32 {
      %mul3A_583 = arith.constant 2 : i32
      %mul3A_584 = arith.muli %mul3A_583, %scan3A_582 : i32
      %add3A_585 = arith.constant 0 : i32
      %add3A_586 = arith.addi %mul3A_584, %add3A_585 : i32
      %add3A_587 = arith.addi %mul3A_34, %add3A_586 : i32
      %mul3A_588 = arith.constant 8 : i32
      %mul3A_589 = arith.muli %add3A_587, %mul3A_588 : i32
      %dma_wait3A_590 = arith.constant 0 : i32
      %dma_wait3A_591 = tpu.memref_slice %arg3[%mul3A_589, %dma_wait3A_590] : memref<512x512xi32, #tpu.memory_space<hbm>> -> memref<8x512xi32, #tpu.memory_space<hbm>>
      %dma_wait3A_592 = arith.constant 0 : i32
      %dma_wait3A_593 = tpu.memref_slice %arg3[%mul3A_589, %dma_wait3A_592] : memref<512x512xi32, #tpu.memory_space<hbm>> -> memref<8x512xi32, #tpu.memory_space<hbm>>
      tpu.wait_dma2 semaphore(%arg10 : memref<!tpu.dma_semaphore, #tpu.memory_space<semaphore_mem>>) src(%dma_wait3A_593 : memref<8x512xi32, #tpu.memory_space<hbm>>) dst(%arg6 : memref<8x512xi32, #tpu.memory_space<vmem>>)
      %ge3A = arith.constant 2 : i32
      %ge3A_594 = arith.cmpi sge, %add3A_586, %ge3A : i32
      %convert_element_type3A = arith.extui %ge3A_594 : i1 to i32
      %cond3A = arith.constant 0 : i32
      %cond3A_595 = arith.cmpi ne, %convert_element_type3A, %cond3A : i32
      scf.if %cond3A_595 {
        %add3A_951 = arith.constant 0 : i32
        %add3A_952 = arith.addi %mul3A_32, %add3A_951 : i32
        %add3A_953 = arith.constant 0 : i32
        %add3A_954 = arith.addi %mul3A_34, %add3A_953 : i32
        %mul3A_955 = arith.constant 8 : i32
        %mul3A_956 = arith.muli %add3A_954, %mul3A_955 : i32
        %dma_wait3A_957 = arith.constant 0 : i32
        %dma_wait3A_958 = arith.constant 0 : i32
        %dma_wait3A_959 = arith.constant 0 : i32
        %dma_wait3A_960 = tpu.memref_slice %arg8[%dma_wait3A_957, %dma_wait3A_958, %dma_wait3A_959] : memref<8x8x512xf32, #tpu.memory_space<vmem>> -> memref<1x8x512xf32, #tpu.memory_space<vmem>>
        %dma_wait3A_961 = tpu.memref_squeeze %dma_wait3A_960 : memref<1x8x512xf32, #tpu.memory_space<vmem>> -> memref<8x512xf32, #tpu.memory_space<vmem>>
        %dma_wait3A_962 = arith.constant 0 : i32
        %dma_wait3A_963 = tpu.memref_slice %arg4[%add3A_952, %mul3A_956, %dma_wait3A_962] : memref<64x512x512xf32, #tpu.memory_space<hbm>> -> memref<1x8x512xf32, #tpu.memory_space<hbm>>
        %dma_wait3A_964 = tpu.memref_squeeze %dma_wait3A_963 : memref<1x8x512xf32, #tpu.memory_space<hbm>> -> memref<8x512xf32, #tpu.memory_space<hbm>>
        %dma_wait3A_965 = arith.constant 0 : i32
        %dma_wait3A_966 = tpu.memref_slice %arg4[%add3A_952, %mul3A_956, %dma_wait3A_965] : memref<64x512x512xf32, #tpu.memory_space<hbm>> -> memref<1x8x512xf32, #tpu.memory_space<hbm>>
        %dma_wait3A_967 = tpu.memref_squeeze %dma_wait3A_966 : memref<1x8x512xf32, #tpu.memory_space<hbm>> -> memref<8x512xf32, #tpu.memory_space<hbm>>
        %dma_wait3A_968 = arith.constant 0 : i32
        %dma_wait3A_969 = arith.constant 0 : i32
        %dma_wait3A_970 = tpu.memref_slice %arg8[%dma_wait3A_957, %dma_wait3A_968, %dma_wait3A_969] : memref<8x8x512xf32, #tpu.memory_space<vmem>> -> memref<1x8x512xf32, #tpu.memory_space<vmem>>
        %dma_wait3A_971 = tpu.memref_squeeze %dma_wait3A_970 : memref<1x8x512xf32, #tpu.memory_space<vmem>> -> memref<8x512xf32, #tpu.memory_space<vmem>>
        tpu.wait_dma2 semaphore(%arg12 : memref<!tpu.dma_semaphore, #tpu.memory_space<semaphore_mem>>) src(%dma_wait3A_971 : memref<8x512xf32, #tpu.memory_space<vmem>>) dst(%dma_wait3A_967 : memref<8x512xf32, #tpu.memory_space<hbm>>)
        %add3A_972 = arith.constant 1 : i32
        %add3A_973 = arith.addi %mul3A_32, %add3A_972 : i32
        %add3A_974 = arith.constant 0 : i32
        %add3A_975 = arith.addi %mul3A_34, %add3A_974 : i32
        %mul3A_976 = arith.constant 8 : i32
        %mul3A_977 = arith.muli %add3A_975, %mul3A_976 : i32
        %dma_wait3A_978 = arith.constant 1 : i32
        %dma_wait3A_979 = arith.constant 0 : i32
        %dma_wait3A_980 = arith.constant 0 : i32
        %dma_wait3A_981 = tpu.memref_slice %arg8[%dma_wait3A_978, %dma_wait3A_979, %dma_wait3A_980] : memref<8x8x512xf32, #tpu.memory_space<vmem>> -> memref<1x8x512xf32, #tpu.memory_space<vmem>>
        %dma_wait3A_982 = tpu.memref_squeeze %dma_wait3A_981 : memref<1x8x512xf32, #tpu.memory_space<vmem>> -> memref<8x512xf32, #tpu.memory_space<vmem>>
        %dma_wait3A_983 = arith.constant 0 : i32
        %dma_wait3A_984 = tpu.memref_slice %arg4[%add3A_973, %mul3A_977, %dma_wait3A_983] : memref<64x512x512xf32, #tpu.memory_space<hbm>> -> memref<1x8x512xf32, #tpu.memory_space<hbm>>
        %dma_wait3A_985 = tpu.memref_squeeze %dma_wait3A_984 : memref<1x8x512xf32, #tpu.memory_space<hbm>> -> memref<8x512xf32, #tpu.memory_space<hbm>>
        %dma_wait3A_986 = arith.constant 0 : i32
        %dma_wait3A_987 = tpu.memref_slice %arg4[%add3A_973, %mul3A_977, %dma_wait3A_986] : memref<64x512x512xf32, #tpu.memory_space<hbm>> -> memref<1x8x512xf32, #tpu.memory_space<hbm>>
        %dma_wait3A_988 = tpu.memref_squeeze %dma_wait3A_987 : memref<1x8x512xf32, #tpu.memory_space<hbm>> -> memref<8x512xf32, #tpu.memory_space<hbm>>
        %dma_wait3A_989 = arith.constant 0 : i32
        %dma_wait3A_990 = arith.constant 0 : i32
        %dma_wait3A_991 = tpu.memref_slice %arg8[%dma_wait3A_978, %dma_wait3A_989, %dma_wait3A_990] : memref<8x8x512xf32, #tpu.memory_space<vmem>> -> memref<1x8x512xf32, #tpu.memory_space<vmem>>
        %dma_wait3A_992 = tpu.memref_squeeze %dma_wait3A_991 : memref<1x8x512xf32, #tpu.memory_space<vmem>> -> memref<8x512xf32, #tpu.memory_space<vmem>>
        tpu.wait_dma2 semaphore(%arg12 : memref<!tpu.dma_semaphore, #tpu.memory_space<semaphore_mem>>) src(%dma_wait3A_992 : memref<8x512xf32, #tpu.memory_space<vmem>>) dst(%dma_wait3A_988 : memref<8x512xf32, #tpu.memory_space<hbm>>)
        %add3A_993 = arith.constant 2 : i32
        %add3A_994 = arith.addi %mul3A_32, %add3A_993 : i32
        %add3A_995 = arith.constant 0 : i32
        %add3A_996 = arith.addi %mul3A_34, %add3A_995 : i32
        %mul3A_997 = arith.constant 8 : i32
        %mul3A_998 = arith.muli %add3A_996, %mul3A_997 : i32
        %dma_wait3A_999 = arith.constant 2 : i32
        %dma_wait3A_1000 = arith.constant 0 : i32
        %dma_wait3A_1001 = arith.constant 0 : i32
        %dma_wait3A_1002 = tpu.memref_slice %arg8[%dma_wait3A_999, %dma_wait3A_1000, %dma_wait3A_1001] : memref<8x8x512xf32, #tpu.memory_space<vmem>> -> memref<1x8x512xf32, #tpu.memory_space<vmem>>
        %dma_wait3A_1003 = tpu.memref_squeeze %dma_wait3A_1002 : memref<1x8x512xf32, #tpu.memory_space<vmem>> -> memref<8x512xf32, #tpu.memory_space<vmem>>
        %dma_wait3A_1004 = arith.constant 0 : i32
        %dma_wait3A_1005 = tpu.memref_slice %arg4[%add3A_994, %mul3A_998, %dma_wait3A_1004] : memref<64x512x512xf32, #tpu.memory_space<hbm>> -> memref<1x8x512xf32, #tpu.memory_space<hbm>>
        %dma_wait3A_1006 = tpu.memref_squeeze %dma_wait3A_1005 : memref<1x8x512xf32, #tpu.memory_space<hbm>> -> memref<8x512xf32, #tpu.memory_space<hbm>>
        %dma_wait3A_1007 = arith.constant 0 : i32
        %dma_wait3A_1008 = tpu.memref_slice %arg4[%add3A_994, %mul3A_998, %dma_wait3A_1007] : memref<64x512x512xf32, #tpu.memory_space<hbm>> -> memref<1x8x512xf32, #tpu.memory_space<hbm>>
        %dma_wait3A_1009 = tpu.memref_squeeze %dma_wait3A_1008 : memref<1x8x512xf32, #tpu.memory_space<hbm>> -> memref<8x512xf32, #tpu.memory_space<hbm>>
        %dma_wait3A_1010 = arith.constant 0 : i32
        %dma_wait3A_1011 = arith.constant 0 : i32
        %dma_wait3A_1012 = tpu.memref_slice %arg8[%dma_wait3A_999, %dma_wait3A_1010, %dma_wait3A_1011] : memref<8x8x512xf32, #tpu.memory_space<vmem>> -> memref<1x8x512xf32, #tpu.memory_space<vmem>>
        %dma_wait3A_1013 = tpu.memref_squeeze %dma_wait3A_1012 : memref<1x8x512xf32, #tpu.memory_space<vmem>> -> memref<8x512xf32, #tpu.memory_space<vmem>>
        tpu.wait_dma2 semaphore(%arg12 : memref<!tpu.dma_semaphore, #tpu.memory_space<semaphore_mem>>) src(%dma_wait3A_1013 : memref<8x512xf32, #tpu.memory_space<vmem>>) dst(%dma_wait3A_1009 : memref<8x512xf32, #tpu.memory_space<hbm>>)
        %add3A_1014 = arith.constant 3 : i32
        %add3A_1015 = arith.addi %mul3A_32, %add3A_1014 : i32
        %add3A_1016 = arith.constant 0 : i32
        %add3A_1017 = arith.addi %mul3A_34, %add3A_1016 : i32
        %mul3A_1018 = arith.constant 8 : i32
        %mul3A_1019 = arith.muli %add3A_1017, %mul3A_1018 : i32
        %dma_wait3A_1020 = arith.constant 3 : i32
        %dma_wait3A_1021 = arith.constant 0 : i32
        %dma_wait3A_1022 = arith.constant 0 : i32
        %dma_wait3A_1023 = tpu.memref_slice %arg8[%dma_wait3A_1020, %dma_wait3A_1021, %dma_wait3A_1022] : memref<8x8x512xf32, #tpu.memory_space<vmem>> -> memref<1x8x512xf32, #tpu.memory_space<vmem>>
        %dma_wait3A_1024 = tpu.memref_squeeze %dma_wait3A_1023 : memref<1x8x512xf32, #tpu.memory_space<vmem>> -> memref<8x512xf32, #tpu.memory_space<vmem>>
        %dma_wait3A_1025 = arith.constant 0 : i32
        %dma_wait3A_1026 = tpu.memref_slice %arg4[%add3A_1015, %mul3A_1019, %dma_wait3A_1025] : memref<64x512x512xf32, #tpu.memory_space<hbm>> -> memref<1x8x512xf32, #tpu.memory_space<hbm>>
        %dma_wait3A_1027 = tpu.memref_squeeze %dma_wait3A_1026 : memref<1x8x512xf32, #tpu.memory_space<hbm>> -> memref<8x512xf32, #tpu.memory_space<hbm>>
        %dma_wait3A_1028 = arith.constant 0 : i32
        %dma_wait3A_1029 = tpu.memref_slice %arg4[%add3A_1015, %mul3A_1019, %dma_wait3A_1028] : memref<64x512x512xf32, #tpu.memory_space<hbm>> -> memref<1x8x512xf32, #tpu.memory_space<hbm>>
        %dma_wait3A_1030 = tpu.memref_squeeze %dma_wait3A_1029 : memref<1x8x512xf32, #tpu.memory_space<hbm>> -> memref<8x512xf32, #tpu.memory_space<hbm>>
        %dma_wait3A_1031 = arith.constant 0 : i32
        %dma_wait3A_1032 = arith.constant 0 : i32
        %dma_wait3A_1033 = tpu.memref_slice %arg8[%dma_wait3A_1020, %dma_wait3A_1031, %dma_wait3A_1032] : memref<8x8x512xf32, #tpu.memory_space<vmem>> -> memref<1x8x512xf32, #tpu.memory_space<vmem>>
        %dma_wait3A_1034 = tpu.memref_squeeze %dma_wait3A_1033 : memref<1x8x512xf32, #tpu.memory_space<vmem>> -> memref<8x512xf32, #tpu.memory_space<vmem>>
        tpu.wait_dma2 semaphore(%arg12 : memref<!tpu.dma_semaphore, #tpu.memory_space<semaphore_mem>>) src(%dma_wait3A_1034 : memref<8x512xf32, #tpu.memory_space<vmem>>) dst(%dma_wait3A_1030 : memref<8x512xf32, #tpu.memory_space<hbm>>)
        %add3A_1035 = arith.constant 4 : i32
        %add3A_1036 = arith.addi %mul3A_32, %add3A_1035 : i32
        %add3A_1037 = arith.constant 0 : i32
        %add3A_1038 = arith.addi %mul3A_34, %add3A_1037 : i32
        %mul3A_1039 = arith.constant 8 : i32
        %mul3A_1040 = arith.muli %add3A_1038, %mul3A_1039 : i32
        %dma_wait3A_1041 = arith.constant 4 : i32
        %dma_wait3A_1042 = arith.constant 0 : i32
        %dma_wait3A_1043 = arith.constant 0 : i32
        %dma_wait3A_1044 = tpu.memref_slice %arg8[%dma_wait3A_1041, %dma_wait3A_1042, %dma_wait3A_1043] : memref<8x8x512xf32, #tpu.memory_space<vmem>> -> memref<1x8x512xf32, #tpu.memory_space<vmem>>
        %dma_wait3A_1045 = tpu.memref_squeeze %dma_wait3A_1044 : memref<1x8x512xf32, #tpu.memory_space<vmem>> -> memref<8x512xf32, #tpu.memory_space<vmem>>
        %dma_wait3A_1046 = arith.constant 0 : i32
        %dma_wait3A_1047 = tpu.memref_slice %arg4[%add3A_1036, %mul3A_1040, %dma_wait3A_1046] : memref<64x512x512xf32, #tpu.memory_space<hbm>> -> memref<1x8x512xf32, #tpu.memory_space<hbm>>
        %dma_wait3A_1048 = tpu.memref_squeeze %dma_wait3A_1047 : memref<1x8x512xf32, #tpu.memory_space<hbm>> -> memref<8x512xf32, #tpu.memory_space<hbm>>
        %dma_wait3A_1049 = arith.constant 0 : i32
        %dma_wait3A_1050 = tpu.memref_slice %arg4[%add3A_1036, %mul3A_1040, %dma_wait3A_1049] : memref<64x512x512xf32, #tpu.memory_space<hbm>> -> memref<1x8x512xf32, #tpu.memory_space<hbm>>
        %dma_wait3A_1051 = tpu.memref_squeeze %dma_wait3A_1050 : memref<1x8x512xf32, #tpu.memory_space<hbm>> -> memref<8x512xf32, #tpu.memory_space<hbm>>
        %dma_wait3A_1052 = arith.constant 0 : i32
        %dma_wait3A_1053 = arith.constant 0 : i32
        %dma_wait3A_1054 = tpu.memref_slice %arg8[%dma_wait3A_1041, %dma_wait3A_1052, %dma_wait3A_1053] : memref<8x8x512xf32, #tpu.memory_space<vmem>> -> memref<1x8x512xf32, #tpu.memory_space<vmem>>
        %dma_wait3A_1055 = tpu.memref_squeeze %dma_wait3A_1054 : memref<1x8x512xf32, #tpu.memory_space<vmem>> -> memref<8x512xf32, #tpu.memory_space<vmem>>
        tpu.wait_dma2 semaphore(%arg12 : memref<!tpu.dma_semaphore, #tpu.memory_space<semaphore_mem>>) src(%dma_wait3A_1055 : memref<8x512xf32, #tpu.memory_space<vmem>>) dst(%dma_wait3A_1051 : memref<8x512xf32, #tpu.memory_space<hbm>>)
        %add3A_1056 = arith.constant 5 : i32
        %add3A_1057 = arith.addi %mul3A_32, %add3A_1056 : i32
        %add3A_1058 = arith.constant 0 : i32
        %add3A_1059 = arith.addi %mul3A_34, %add3A_1058 : i32
        %mul3A_1060 = arith.constant 8 : i32
        %mul3A_1061 = arith.muli %add3A_1059, %mul3A_1060 : i32
        %dma_wait3A_1062 = arith.constant 5 : i32
        %dma_wait3A_1063 = arith.constant 0 : i32
        %dma_wait3A_1064 = arith.constant 0 : i32
        %dma_wait3A_1065 = tpu.memref_slice %arg8[%dma_wait3A_1062, %dma_wait3A_1063, %dma_wait3A_1064] : memref<8x8x512xf32, #tpu.memory_space<vmem>> -> memref<1x8x512xf32, #tpu.memory_space<vmem>>
        %dma_wait3A_1066 = tpu.memref_squeeze %dma_wait3A_1065 : memref<1x8x512xf32, #tpu.memory_space<vmem>> -> memref<8x512xf32, #tpu.memory_space<vmem>>
        %dma_wait3A_1067 = arith.constant 0 : i32
        %dma_wait3A_1068 = tpu.memref_slice %arg4[%add3A_1057, %mul3A_1061, %dma_wait3A_1067] : memref<64x512x512xf32, #tpu.memory_space<hbm>> -> memref<1x8x512xf32, #tpu.memory_space<hbm>>
        %dma_wait3A_1069 = tpu.memref_squeeze %dma_wait3A_1068 : memref<1x8x512xf32, #tpu.memory_space<hbm>> -> memref<8x512xf32, #tpu.memory_space<hbm>>
        %dma_wait3A_1070 = arith.constant 0 : i32
        %dma_wait3A_1071 = tpu.memref_slice %arg4[%add3A_1057, %mul3A_1061, %dma_wait3A_1070] : memref<64x512x512xf32, #tpu.memory_space<hbm>> -> memref<1x8x512xf32, #tpu.memory_space<hbm>>
        %dma_wait3A_1072 = tpu.memref_squeeze %dma_wait3A_1071 : memref<1x8x512xf32, #tpu.memory_space<hbm>> -> memref<8x512xf32, #tpu.memory_space<hbm>>
        %dma_wait3A_1073 = arith.constant 0 : i32
        %dma_wait3A_1074 = arith.constant 0 : i32
        %dma_wait3A_1075 = tpu.memref_slice %arg8[%dma_wait3A_1062, %dma_wait3A_1073, %dma_wait3A_1074] : memref<8x8x512xf32, #tpu.memory_space<vmem>> -> memref<1x8x512xf32, #tpu.memory_space<vmem>>
        %dma_wait3A_1076 = tpu.memref_squeeze %dma_wait3A_1075 : memref<1x8x512xf32, #tpu.memory_space<vmem>> -> memref<8x512xf32, #tpu.memory_space<vmem>>
        tpu.wait_dma2 semaphore(%arg12 : memref<!tpu.dma_semaphore, #tpu.memory_space<semaphore_mem>>) src(%dma_wait3A_1076 : memref<8x512xf32, #tpu.memory_space<vmem>>) dst(%dma_wait3A_1072 : memref<8x512xf32, #tpu.memory_space<hbm>>)
        %add3A_1077 = arith.constant 6 : i32
        %add3A_1078 = arith.addi %mul3A_32, %add3A_1077 : i32
        %add3A_1079 = arith.constant 0 : i32
        %add3A_1080 = arith.addi %mul3A_34, %add3A_1079 : i32
        %mul3A_1081 = arith.constant 8 : i32
        %mul3A_1082 = arith.muli %add3A_1080, %mul3A_1081 : i32
        %dma_wait3A_1083 = arith.constant 6 : i32
        %dma_wait3A_1084 = arith.constant 0 : i32
        %dma_wait3A_1085 = arith.constant 0 : i32
        %dma_wait3A_1086 = tpu.memref_slice %arg8[%dma_wait3A_1083, %dma_wait3A_1084, %dma_wait3A_1085] : memref<8x8x512xf32, #tpu.memory_space<vmem>> -> memref<1x8x512xf32, #tpu.memory_space<vmem>>
        %dma_wait3A_1087 = tpu.memref_squeeze %dma_wait3A_1086 : memref<1x8x512xf32, #tpu.memory_space<vmem>> -> memref<8x512xf32, #tpu.memory_space<vmem>>
        %dma_wait3A_1088 = arith.constant 0 : i32
        %dma_wait3A_1089 = tpu.memref_slice %arg4[%add3A_1078, %mul3A_1082, %dma_wait3A_1088] : memref<64x512x512xf32, #tpu.memory_space<hbm>> -> memref<1x8x512xf32, #tpu.memory_space<hbm>>
        %dma_wait3A_1090 = tpu.memref_squeeze %dma_wait3A_1089 : memref<1x8x512xf32, #tpu.memory_space<hbm>> -> memref<8x512xf32, #tpu.memory_space<hbm>>
        %dma_wait3A_1091 = arith.constant 0 : i32
        %dma_wait3A_1092 = tpu.memref_slice %arg4[%add3A_1078, %mul3A_1082, %dma_wait3A_1091] : memref<64x512x512xf32, #tpu.memory_space<hbm>> -> memref<1x8x512xf32, #tpu.memory_space<hbm>>
        %dma_wait3A_1093 = tpu.memref_squeeze %dma_wait3A_1092 : memref<1x8x512xf32, #tpu.memory_space<hbm>> -> memref<8x512xf32, #tpu.memory_space<hbm>>
        %dma_wait3A_1094 = arith.constant 0 : i32
        %dma_wait3A_1095 = arith.constant 0 : i32
        %dma_wait3A_1096 = tpu.memref_slice %arg8[%dma_wait3A_1083, %dma_wait3A_1094, %dma_wait3A_1095] : memref<8x8x512xf32, #tpu.memory_space<vmem>> -> memref<1x8x512xf32, #tpu.memory_space<vmem>>
        %dma_wait3A_1097 = tpu.memref_squeeze %dma_wait3A_1096 : memref<1x8x512xf32, #tpu.memory_space<vmem>> -> memref<8x512xf32, #tpu.memory_space<vmem>>
        tpu.wait_dma2 semaphore(%arg12 : memref<!tpu.dma_semaphore, #tpu.memory_space<semaphore_mem>>) src(%dma_wait3A_1097 : memref<8x512xf32, #tpu.memory_space<vmem>>) dst(%dma_wait3A_1093 : memref<8x512xf32, #tpu.memory_space<hbm>>)
        %add3A_1098 = arith.constant 7 : i32
        %add3A_1099 = arith.addi %mul3A_32, %add3A_1098 : i32
        %add3A_1100 = arith.constant 0 : i32
        %add3A_1101 = arith.addi %mul3A_34, %add3A_1100 : i32
        %mul3A_1102 = arith.constant 8 : i32
        %mul3A_1103 = arith.muli %add3A_1101, %mul3A_1102 : i32
        %dma_wait3A_1104 = arith.constant 7 : i32
        %dma_wait3A_1105 = arith.constant 0 : i32
        %dma_wait3A_1106 = arith.constant 0 : i32
        %dma_wait3A_1107 = tpu.memref_slice %arg8[%dma_wait3A_1104, %dma_wait3A_1105, %dma_wait3A_1106] : memref<8x8x512xf32, #tpu.memory_space<vmem>> -> memref<1x8x512xf32, #tpu.memory_space<vmem>>
        %dma_wait3A_1108 = tpu.memref_squeeze %dma_wait3A_1107 : memref<1x8x512xf32, #tpu.memory_space<vmem>> -> memref<8x512xf32, #tpu.memory_space<vmem>>
        %dma_wait3A_1109 = arith.constant 0 : i32
        %dma_wait3A_1110 = tpu.memref_slice %arg4[%add3A_1099, %mul3A_1103, %dma_wait3A_1109] : memref<64x512x512xf32, #tpu.memory_space<hbm>> -> memref<1x8x512xf32, #tpu.memory_space<hbm>>
        %dma_wait3A_1111 = tpu.memref_squeeze %dma_wait3A_1110 : memref<1x8x512xf32, #tpu.memory_space<hbm>> -> memref<8x512xf32, #tpu.memory_space<hbm>>
        %dma_wait3A_1112 = arith.constant 0 : i32
        %dma_wait3A_1113 = tpu.memref_slice %arg4[%add3A_1099, %mul3A_1103, %dma_wait3A_1112] : memref<64x512x512xf32, #tpu.memory_space<hbm>> -> memref<1x8x512xf32, #tpu.memory_space<hbm>>
        %dma_wait3A_1114 = tpu.memref_squeeze %dma_wait3A_1113 : memref<1x8x512xf32, #tpu.memory_space<hbm>> -> memref<8x512xf32, #tpu.memory_space<hbm>>
        %dma_wait3A_1115 = arith.constant 0 : i32
        %dma_wait3A_1116 = arith.constant 0 : i32
        %dma_wait3A_1117 = tpu.memref_slice %arg8[%dma_wait3A_1104, %dma_wait3A_1115, %dma_wait3A_1116] : memref<8x8x512xf32, #tpu.memory_space<vmem>> -> memref<1x8x512xf32, #tpu.memory_space<vmem>>
        %dma_wait3A_1118 = tpu.memref_squeeze %dma_wait3A_1117 : memref<1x8x512xf32, #tpu.memory_space<vmem>> -> memref<8x512xf32, #tpu.memory_space<vmem>>
        tpu.wait_dma2 semaphore(%arg12 : memref<!tpu.dma_semaphore, #tpu.memory_space<semaphore_mem>>) src(%dma_wait3A_1118 : memref<8x512xf32, #tpu.memory_space<vmem>>) dst(%dma_wait3A_1114 : memref<8x512xf32, #tpu.memory_space<hbm>>)
      } else {
      }
      %parallel_loop3A = arith.constant 0 : i32
      %parallel_loop3A_596 = arith.constant 256 : i32
      %parallel_loop3A_597 = arith.constant 1 : i32
      scf.for %parallel_loop3A_951 = %parallel_loop3A to %parallel_loop3A_596 step %parallel_loop3A_597  : i32 {
        %parallel_loop3A_952 = arith.constant 5 : i32
        %parallel_loop3A_953 = arith.shrsi %parallel_loop3A_951, %parallel_loop3A_952 : i32
        %parallel_loop3A_954 = arith.constant 31 : i32
        %parallel_loop3A_955 = arith.andi %parallel_loop3A_951, %parallel_loop3A_954 : i32
        %parallel_loop3A_956 = arith.constant 16 : i32
        %parallel_loop3A_957 = arith.muli %parallel_loop3A_955, %parallel_loop3A_956 : i32
        %parallel_loop3A_958 = arith.index_cast %parallel_loop3A_953 : i32 to index
        %parallel_loop3A_959 = arith.index_cast %parallel_loop3A_957 : i32 to index
        %parallel_loop3A_960 = tpu.vector_load %arg6[%parallel_loop3A_958, %parallel_loop3A_959] {strides = array<i32>} : memref<8x512xi32, #tpu.memory_space<vmem>>, vector<16xi32>,
        %parallel_loop3A_961 = arith.constant 0 : i32
        %parallel_loop3A_962 = vector.broadcast %parallel_loop3A_961 : i32 to vector<16xi32>
        %parallel_loop3A_963 = arith.addi %parallel_loop3A_960, %parallel_loop3A_962 : vector<16xi32>
        %parallel_loop3A_964 = tpu.vector_load_idx %arg5[%parallel_loop3A_963] : memref<32768xf32, #tpu.memory_space<vmem>>[vector<16xi32>], vector<16xf32>,
        %parallel_loop3A_965 = arith.constant 0 : i32
        %parallel_loop3A_966 = arith.index_cast %parallel_loop3A_965 : i32 to index
        %parallel_loop3A_967 = arith.index_cast %parallel_loop3A_953 : i32 to index
        %parallel_loop3A_968 = arith.index_cast %parallel_loop3A_957 : i32 to index
        %parallel_loop3A_969 = tpu.vector_load %arg8[%parallel_loop3A_966, %parallel_loop3A_967, %parallel_loop3A_968] {strides = array<i32>} : memref<8x8x512xf32, #tpu.memory_space<vmem>>, vector<16xf32>,
        tpu.vector_store %arg8[%parallel_loop3A_966, %parallel_loop3A_967, %parallel_loop3A_968], %parallel_loop3A_964 {strides = array<i32>} : memref<8x8x512xf32, #tpu.memory_space<vmem>>, vector<16xf32>,
        %parallel_loop3A_970 = arith.constant 4096 : i32
        %parallel_loop3A_971 = vector.broadcast %parallel_loop3A_970 : i32 to vector<16xi32>
        %parallel_loop3A_972 = arith.addi %parallel_loop3A_960, %parallel_loop3A_971 : vector<16xi32>
        %parallel_loop3A_973 = tpu.vector_load_idx %arg5[%parallel_loop3A_972] : memref<32768xf32, #tpu.memory_space<vmem>>[vector<16xi32>], vector<16xf32>,
        %parallel_loop3A_974 = arith.constant 1 : i32
        %parallel_loop3A_975 = arith.index_cast %parallel_loop3A_974 : i32 to index
        %parallel_loop3A_976 = arith.index_cast %parallel_loop3A_953 : i32 to index
        %parallel_loop3A_977 = arith.index_cast %parallel_loop3A_957 : i32 to index
        %parallel_loop3A_978 = tpu.vector_load %arg8[%parallel_loop3A_975, %parallel_loop3A_976, %parallel_loop3A_977] {strides = array<i32>} : memref<8x8x512xf32, #tpu.memory_space<vmem>>, vector<16xf32>,
        tpu.vector_store %arg8[%parallel_loop3A_975, %parallel_loop3A_976, %parallel_loop3A_977], %parallel_loop3A_973 {strides = array<i32>} : memref<8x8x512xf32, #tpu.memory_space<vmem>>, vector<16xf32>,
        %parallel_loop3A_979 = arith.constant 8192 : i32
        %parallel_loop3A_980 = vector.broadcast %parallel_loop3A_979 : i32 to vector<16xi32>
        %parallel_loop3A_981 = arith.addi %parallel_loop3A_960, %parallel_loop3A_980 : vector<16xi32>
        %parallel_loop3A_982 = tpu.vector_load_idx %arg5[%parallel_loop3A_981] : memref<32768xf32, #tpu.memory_space<vmem>>[vector<16xi32>], vector<16xf32>,
        %parallel_loop3A_983 = arith.constant 2 : i32
        %parallel_loop3A_984 = arith.index_cast %parallel_loop3A_983 : i32 to index
        %parallel_loop3A_985 = arith.index_cast %parallel_loop3A_953 : i32 to index
        %parallel_loop3A_986 = arith.index_cast %parallel_loop3A_957 : i32 to index
        %parallel_loop3A_987 = tpu.vector_load %arg8[%parallel_loop3A_984, %parallel_loop3A_985, %parallel_loop3A_986] {strides = array<i32>} : memref<8x8x512xf32, #tpu.memory_space<vmem>>, vector<16xf32>,
        tpu.vector_store %arg8[%parallel_loop3A_984, %parallel_loop3A_985, %parallel_loop3A_986], %parallel_loop3A_982 {strides = array<i32>} : memref<8x8x512xf32, #tpu.memory_space<vmem>>, vector<16xf32>,
        %parallel_loop3A_988 = arith.constant 12288 : i32
        %parallel_loop3A_989 = vector.broadcast %parallel_loop3A_988 : i32 to vector<16xi32>
        %parallel_loop3A_990 = arith.addi %parallel_loop3A_960, %parallel_loop3A_989 : vector<16xi32>
        %parallel_loop3A_991 = tpu.vector_load_idx %arg5[%parallel_loop3A_990] : memref<32768xf32, #tpu.memory_space<vmem>>[vector<16xi32>], vector<16xf32>,
        %parallel_loop3A_992 = arith.constant 3 : i32
        %parallel_loop3A_993 = arith.index_cast %parallel_loop3A_992 : i32 to index
        %parallel_loop3A_994 = arith.index_cast %parallel_loop3A_953 : i32 to index
        %parallel_loop3A_995 = arith.index_cast %parallel_loop3A_957 : i32 to index
        %parallel_loop3A_996 = tpu.vector_load %arg8[%parallel_loop3A_993, %parallel_loop3A_994, %parallel_loop3A_995] {strides = array<i32>} : memref<8x8x512xf32, #tpu.memory_space<vmem>>, vector<16xf32>,
        tpu.vector_store %arg8[%parallel_loop3A_993, %parallel_loop3A_994, %parallel_loop3A_995], %parallel_loop3A_991 {strides = array<i32>} : memref<8x8x512xf32, #tpu.memory_space<vmem>>, vector<16xf32>,
        %parallel_loop3A_997 = arith.constant 16384 : i32
        %parallel_loop3A_998 = vector.broadcast %parallel_loop3A_997 : i32 to vector<16xi32>
        %parallel_loop3A_999 = arith.addi %parallel_loop3A_960, %parallel_loop3A_998 : vector<16xi32>
        %parallel_loop3A_1000 = tpu.vector_load_idx %arg5[%parallel_loop3A_999] : memref<32768xf32, #tpu.memory_space<vmem>>[vector<16xi32>], vector<16xf32>,
        %parallel_loop3A_1001 = arith.constant 4 : i32
        %parallel_loop3A_1002 = arith.index_cast %parallel_loop3A_1001 : i32 to index
        %parallel_loop3A_1003 = arith.index_cast %parallel_loop3A_953 : i32 to index
        %parallel_loop3A_1004 = arith.index_cast %parallel_loop3A_957 : i32 to index
        %parallel_loop3A_1005 = tpu.vector_load %arg8[%parallel_loop3A_1002, %parallel_loop3A_1003, %parallel_loop3A_1004] {strides = array<i32>} : memref<8x8x512xf32, #tpu.memory_space<vmem>>, vector<16xf32>,
        tpu.vector_store %arg8[%parallel_loop3A_1002, %parallel_loop3A_1003, %parallel_loop3A_1004], %parallel_loop3A_1000 {strides = array<i32>} : memref<8x8x512xf32, #tpu.memory_space<vmem>>, vector<16xf32>,
        %parallel_loop3A_1006 = arith.constant 20480 : i32
        %parallel_loop3A_1007 = vector.broadcast %parallel_loop3A_1006 : i32 to vector<16xi32>
        %parallel_loop3A_1008 = arith.addi %parallel_loop3A_960, %parallel_loop3A_1007 : vector<16xi32>
        %parallel_loop3A_1009 = tpu.vector_load_idx %arg5[%parallel_loop3A_1008] : memref<32768xf32, #tpu.memory_space<vmem>>[vector<16xi32>], vector<16xf32>,
        %parallel_loop3A_1010 = arith.constant 5 : i32
        %parallel_loop3A_1011 = arith.index_cast %parallel_loop3A_1010 : i32 to index
        %parallel_loop3A_1012 = arith.index_cast %parallel_loop3A_953 : i32 to index
        %parallel_loop3A_1013 = arith.index_cast %parallel_loop3A_957 : i32 to index
        %parallel_loop3A_1014 = tpu.vector_load %arg8[%parallel_loop3A_1011, %parallel_loop3A_1012, %parallel_loop3A_1013] {strides = array<i32>} : memref<8x8x512xf32, #tpu.memory_space<vmem>>, vector<16xf32>,
        tpu.vector_store %arg8[%parallel_loop3A_1011, %parallel_loop3A_1012, %parallel_loop3A_1013], %parallel_loop3A_1009 {strides = array<i32>} : memref<8x8x512xf32, #tpu.memory_space<vmem>>, vector<16xf32>,
        %parallel_loop3A_1015 = arith.constant 24576 : i32
        %parallel_loop3A_1016 = vector.broadcast %parallel_loop3A_1015 : i32 to vector<16xi32>
        %parallel_loop3A_1017 = arith.addi %parallel_loop3A_960, %parallel_loop3A_1016 : vector<16xi32>
        %parallel_loop3A_1018 = tpu.vector_load_idx %arg5[%parallel_loop3A_1017] : memref<32768xf32, #tpu.memory_space<vmem>>[vector<16xi32>], vector<16xf32>,
        %parallel_loop3A_1019 = arith.constant 6 : i32
        %parallel_loop3A_1020 = arith.index_cast %parallel_loop3A_1019 : i32 to index
        %parallel_loop3A_1021 = arith.index_cast %parallel_loop3A_953 : i32 to index
        %parallel_loop3A_1022 = arith.index_cast %parallel_loop3A_957 : i32 to index
        %parallel_loop3A_1023 = tpu.vector_load %arg8[%parallel_loop3A_1020, %parallel_loop3A_1021, %parallel_loop3A_1022] {strides = array<i32>} : memref<8x8x512xf32, #tpu.memory_space<vmem>>, vector<16xf32>,
        tpu.vector_store %arg8[%parallel_loop3A_1020, %parallel_loop3A_1021, %parallel_loop3A_1022], %parallel_loop3A_1018 {strides = array<i32>} : memref<8x8x512xf32, #tpu.memory_space<vmem>>, vector<16xf32>,
        %parallel_loop3A_1024 = arith.constant 28672 : i32
        %parallel_loop3A_1025 = vector.broadcast %parallel_loop3A_1024 : i32 to vector<16xi32>
        %parallel_loop3A_1026 = arith.addi %parallel_loop3A_960, %parallel_loop3A_1025 : vector<16xi32>
        %parallel_loop3A_1027 = tpu.vector_load_idx %arg5[%parallel_loop3A_1026] : memref<32768xf32, #tpu.memory_space<vmem>>[vector<16xi32>], vector<16xf32>,
        %parallel_loop3A_1028 = arith.constant 7 : i32
        %parallel_loop3A_1029 = arith.index_cast %parallel_loop3A_1028 : i32 to index
        %parallel_loop3A_1030 = arith.index_cast %parallel_loop3A_953 : i32 to index
        %parallel_loop3A_1031 = arith.index_cast %parallel_loop3A_957 : i32 to index
        %parallel_loop3A_1032 = tpu.vector_load %arg8[%parallel_loop3A_1029, %parallel_loop3A_1030, %parallel_loop3A_1031] {strides = array<i32>} : memref<8x8x512xf32, #tpu.memory_space<vmem>>, vector<16xf32>,
        tpu.vector_store %arg8[%parallel_loop3A_1029, %parallel_loop3A_1030, %parallel_loop3A_1031], %parallel_loop3A_1027 {strides = array<i32>} : memref<8x8x512xf32, #tpu.memory_space<vmem>>, vector<16xf32>,
      } {sc.loop_unroll_factor = 2 : i64, sc.parallel_access}
      %add3A_598 = arith.constant 2 : i32
      %add3A_599 = arith.addi %add3A_586, %add3A_598 : i32
      %lt3A_600 = arith.constant 16 : i32
      %lt3A_601 = arith.cmpi slt, %add3A_599, %lt3A_600 : i32
      %convert_element_type3A_602 = arith.extui %lt3A_601 : i1 to i32
      %cond3A_603 = arith.constant 0 : i32
      %cond3A_604 = arith.cmpi ne, %convert_element_type3A_602, %cond3A_603 : i32
      scf.if %cond3A_604 {
        %add3A_951 = arith.constant 2 : i32
        %add3A_952 = arith.addi %add3A_586, %add3A_951 : i32
        %add3A_953 = arith.addi %mul3A_34, %add3A_952 : i32
        %mul3A_954 = arith.constant 8 : i32
        %mul3A_955 = arith.muli %add3A_953, %mul3A_954 : i32
        %dma_start3A_956 = arith.constant 0 : i32
        %dma_start3A_957 = tpu.memref_slice %arg3[%mul3A_955, %dma_start3A_956] : memref<512x512xi32, #tpu.memory_space<hbm>> -> memref<8x512xi32, #tpu.memory_space<hbm>>
        %dma_start3A_958 = arith.constant 0 : i32
        %dma_start3A_959 = tpu.memref_slice %arg3[%mul3A_955, %dma_start3A_958] : memref<512x512xi32, #tpu.memory_space<hbm>> -> memref<8x512xi32, #tpu.memory_space<hbm>>
        tpu.enqueue_dma source(%dma_start3A_959 : memref<8x512xi32, #tpu.memory_space<hbm>>) target(%arg6 : memref<8x512xi32, #tpu.memory_space<vmem>>) target_semaphore(%arg10 : memref<!tpu.dma_semaphore, #tpu.memory_space<semaphore_mem>>)
      } else {
      }
      %add3A_605 = arith.constant 0 : i32
      %add3A_606 = arith.addi %mul3A_32, %add3A_605 : i32
      %add3A_607 = arith.addi %mul3A_34, %add3A_586 : i32
      %mul3A_608 = arith.constant 8 : i32
      %mul3A_609 = arith.muli %add3A_607, %mul3A_608 : i32
      %dma_start3A_610 = arith.constant 0 : i32
      %dma_start3A_611 = arith.constant 0 : i32
      %dma_start3A_612 = arith.constant 0 : i32
      %dma_start3A_613 = tpu.memref_slice %arg8[%dma_start3A_610, %dma_start3A_611, %dma_start3A_612] : memref<8x8x512xf32, #tpu.memory_space<vmem>> -> memref<1x8x512xf32, #tpu.memory_space<vmem>>
      %dma_start3A_614 = tpu.memref_squeeze %dma_start3A_613 : memref<1x8x512xf32, #tpu.memory_space<vmem>> -> memref<8x512xf32, #tpu.memory_space<vmem>>
      %dma_start3A_615 = arith.constant 0 : i32
      %dma_start3A_616 = tpu.memref_slice %arg4[%add3A_606, %mul3A_609, %dma_start3A_615] : memref<64x512x512xf32, #tpu.memory_space<hbm>> -> memref<1x8x512xf32, #tpu.memory_space<hbm>>
      %dma_start3A_617 = tpu.memref_squeeze %dma_start3A_616 : memref<1x8x512xf32, #tpu.memory_space<hbm>> -> memref<8x512xf32, #tpu.memory_space<hbm>>
      %dma_start3A_618 = arith.constant 0 : i32
      %dma_start3A_619 = tpu.memref_slice %arg4[%add3A_606, %mul3A_609, %dma_start3A_618] : memref<64x512x512xf32, #tpu.memory_space<hbm>> -> memref<1x8x512xf32, #tpu.memory_space<hbm>>
      %dma_start3A_620 = tpu.memref_squeeze %dma_start3A_619 : memref<1x8x512xf32, #tpu.memory_space<hbm>> -> memref<8x512xf32, #tpu.memory_space<hbm>>
      %dma_start3A_621 = arith.constant 0 : i32
      %dma_start3A_622 = arith.constant 0 : i32
      %dma_start3A_623 = tpu.memref_slice %arg8[%dma_start3A_610, %dma_start3A_621, %dma_start3A_622] : memref<8x8x512xf32, #tpu.memory_space<vmem>> -> memref<1x8x512xf32, #tpu.memory_space<vmem>>
      %dma_start3A_624 = tpu.memref_squeeze %dma_start3A_623 : memref<1x8x512xf32, #tpu.memory_space<vmem>> -> memref<8x512xf32, #tpu.memory_space<vmem>>
      tpu.enqueue_dma source(%dma_start3A_624 : memref<8x512xf32, #tpu.memory_space<vmem>>) target(%dma_start3A_620 : memref<8x512xf32, #tpu.memory_space<hbm>>) target_semaphore(%arg12 : memref<!tpu.dma_semaphore, #tpu.memory_space<semaphore_mem>>)
      %add3A_625 = arith.constant 1 : i32
      %add3A_626 = arith.addi %mul3A_32, %add3A_625 : i32
      %add3A_627 = arith.addi %mul3A_34, %add3A_586 : i32
      %mul3A_628 = arith.constant 8 : i32
      %mul3A_629 = arith.muli %add3A_627, %mul3A_628 : i32
      %dma_start3A_630 = arith.constant 1 : i32
      %dma_start3A_631 = arith.constant 0 : i32
      %dma_start3A_632 = arith.constant 0 : i32
      %dma_start3A_633 = tpu.memref_slice %arg8[%dma_start3A_630, %dma_start3A_631, %dma_start3A_632] : memref<8x8x512xf32, #tpu.memory_space<vmem>> -> memref<1x8x512xf32, #tpu.memory_space<vmem>>
      %dma_start3A_634 = tpu.memref_squeeze %dma_start3A_633 : memref<1x8x512xf32, #tpu.memory_space<vmem>> -> memref<8x512xf32, #tpu.memory_space<vmem>>
      %dma_start3A_635 = arith.constant 0 : i32
      %dma_start3A_636 = tpu.memref_slice %arg4[%add3A_626, %mul3A_629, %dma_start3A_635] : memref<64x512x512xf32, #tpu.memory_space<hbm>> -> memref<1x8x512xf32, #tpu.memory_space<hbm>>
      %dma_start3A_637 = tpu.memref_squeeze %dma_start3A_636 : memref<1x8x512xf32, #tpu.memory_space<hbm>> -> memref<8x512xf32, #tpu.memory_space<hbm>>
      %dma_start3A_638 = arith.constant 0 : i32
      %dma_start3A_639 = tpu.memref_slice %arg4[%add3A_626, %mul3A_629, %dma_start3A_638] : memref<64x512x512xf32, #tpu.memory_space<hbm>> -> memref<1x8x512xf32, #tpu.memory_space<hbm>>
      %dma_start3A_640 = tpu.memref_squeeze %dma_start3A_639 : memref<1x8x512xf32, #tpu.memory_space<hbm>> -> memref<8x512xf32, #tpu.memory_space<hbm>>
      %dma_start3A_641 = arith.constant 0 : i32
      %dma_start3A_642 = arith.constant 0 : i32
      %dma_start3A_643 = tpu.memref_slice %arg8[%dma_start3A_630, %dma_start3A_641, %dma_start3A_642] : memref<8x8x512xf32, #tpu.memory_space<vmem>> -> memref<1x8x512xf32, #tpu.memory_space<vmem>>
      %dma_start3A_644 = tpu.memref_squeeze %dma_start3A_643 : memref<1x8x512xf32, #tpu.memory_space<vmem>> -> memref<8x512xf32, #tpu.memory_space<vmem>>
      tpu.enqueue_dma source(%dma_start3A_644 : memref<8x512xf32, #tpu.memory_space<vmem>>) target(%dma_start3A_640 : memref<8x512xf32, #tpu.memory_space<hbm>>) target_semaphore(%arg12 : memref<!tpu.dma_semaphore, #tpu.memory_space<semaphore_mem>>)
      %add3A_645 = arith.constant 2 : i32
      %add3A_646 = arith.addi %mul3A_32, %add3A_645 : i32
      %add3A_647 = arith.addi %mul3A_34, %add3A_586 : i32
      %mul3A_648 = arith.constant 8 : i32
      %mul3A_649 = arith.muli %add3A_647, %mul3A_648 : i32
      %dma_start3A_650 = arith.constant 2 : i32
      %dma_start3A_651 = arith.constant 0 : i32
      %dma_start3A_652 = arith.constant 0 : i32
      %dma_start3A_653 = tpu.memref_slice %arg8[%dma_start3A_650, %dma_start3A_651, %dma_start3A_652] : memref<8x8x512xf32, #tpu.memory_space<vmem>> -> memref<1x8x512xf32, #tpu.memory_space<vmem>>
      %dma_start3A_654 = tpu.memref_squeeze %dma_start3A_653 : memref<1x8x512xf32, #tpu.memory_space<vmem>> -> memref<8x512xf32, #tpu.memory_space<vmem>>
      %dma_start3A_655 = arith.constant 0 : i32
      %dma_start3A_656 = tpu.memref_slice %arg4[%add3A_646, %mul3A_649, %dma_start3A_655] : memref<64x512x512xf32, #tpu.memory_space<hbm>> -> memref<1x8x512xf32, #tpu.memory_space<hbm>>
      %dma_start3A_657 = tpu.memref_squeeze %dma_start3A_656 : memref<1x8x512xf32, #tpu.memory_space<hbm>> -> memref<8x512xf32, #tpu.memory_space<hbm>>
      %dma_start3A_658 = arith.constant 0 : i32
      %dma_start3A_659 = tpu.memref_slice %arg4[%add3A_646, %mul3A_649, %dma_start3A_658] : memref<64x512x512xf32, #tpu.memory_space<hbm>> -> memref<1x8x512xf32, #tpu.memory_space<hbm>>
      %dma_start3A_660 = tpu.memref_squeeze %dma_start3A_659 : memref<1x8x512xf32, #tpu.memory_space<hbm>> -> memref<8x512xf32, #tpu.memory_space<hbm>>
      %dma_start3A_661 = arith.constant 0 : i32
      %dma_start3A_662 = arith.constant 0 : i32
      %dma_start3A_663 = tpu.memref_slice %arg8[%dma_start3A_650, %dma_start3A_661, %dma_start3A_662] : memref<8x8x512xf32, #tpu.memory_space<vmem>> -> memref<1x8x512xf32, #tpu.memory_space<vmem>>
      %dma_start3A_664 = tpu.memref_squeeze %dma_start3A_663 : memref<1x8x512xf32, #tpu.memory_space<vmem>> -> memref<8x512xf32, #tpu.memory_space<vmem>>
      tpu.enqueue_dma source(%dma_start3A_664 : memref<8x512xf32, #tpu.memory_space<vmem>>) target(%dma_start3A_660 : memref<8x512xf32, #tpu.memory_space<hbm>>) target_semaphore(%arg12 : memref<!tpu.dma_semaphore, #tpu.memory_space<semaphore_mem>>)
      %add3A_665 = arith.constant 3 : i32
      %add3A_666 = arith.addi %mul3A_32, %add3A_665 : i32
      %add3A_667 = arith.addi %mul3A_34, %add3A_586 : i32
      %mul3A_668 = arith.constant 8 : i32
      %mul3A_669 = arith.muli %add3A_667, %mul3A_668 : i32
      %dma_start3A_670 = arith.constant 3 : i32
      %dma_start3A_671 = arith.constant 0 : i32
      %dma_start3A_672 = arith.constant 0 : i32
      %dma_start3A_673 = tpu.memref_slice %arg8[%dma_start3A_670, %dma_start3A_671, %dma_start3A_672] : memref<8x8x512xf32, #tpu.memory_space<vmem>> -> memref<1x8x512xf32, #tpu.memory_space<vmem>>
      %dma_start3A_674 = tpu.memref_squeeze %dma_start3A_673 : memref<1x8x512xf32, #tpu.memory_space<vmem>> -> memref<8x512xf32, #tpu.memory_space<vmem>>
      %dma_start3A_675 = arith.constant 0 : i32
      %dma_start3A_676 = tpu.memref_slice %arg4[%add3A_666, %mul3A_669, %dma_start3A_675] : memref<64x512x512xf32, #tpu.memory_space<hbm>> -> memref<1x8x512xf32, #tpu.memory_space<hbm>>
      %dma_start3A_677 = tpu.memref_squeeze %dma_start3A_676 : memref<1x8x512xf32, #tpu.memory_space<hbm>> -> memref<8x512xf32, #tpu.memory_space<hbm>>
      %dma_start3A_678 = arith.constant 0 : i32
      %dma_start3A_679 = tpu.memref_slice %arg4[%add3A_666, %mul3A_669, %dma_start3A_678] : memref<64x512x512xf32, #tpu.memory_space<hbm>> -> memref<1x8x512xf32, #tpu.memory_space<hbm>>
      %dma_start3A_680 = tpu.memref_squeeze %dma_start3A_679 : memref<1x8x512xf32, #tpu.memory_space<hbm>> -> memref<8x512xf32, #tpu.memory_space<hbm>>
      %dma_start3A_681 = arith.constant 0 : i32
      %dma_start3A_682 = arith.constant 0 : i32
      %dma_start3A_683 = tpu.memref_slice %arg8[%dma_start3A_670, %dma_start3A_681, %dma_start3A_682] : memref<8x8x512xf32, #tpu.memory_space<vmem>> -> memref<1x8x512xf32, #tpu.memory_space<vmem>>
      %dma_start3A_684 = tpu.memref_squeeze %dma_start3A_683 : memref<1x8x512xf32, #tpu.memory_space<vmem>> -> memref<8x512xf32, #tpu.memory_space<vmem>>
      tpu.enqueue_dma source(%dma_start3A_684 : memref<8x512xf32, #tpu.memory_space<vmem>>) target(%dma_start3A_680 : memref<8x512xf32, #tpu.memory_space<hbm>>) target_semaphore(%arg12 : memref<!tpu.dma_semaphore, #tpu.memory_space<semaphore_mem>>)
      %add3A_685 = arith.constant 4 : i32
      %add3A_686 = arith.addi %mul3A_32, %add3A_685 : i32
      %add3A_687 = arith.addi %mul3A_34, %add3A_586 : i32
      %mul3A_688 = arith.constant 8 : i32
      %mul3A_689 = arith.muli %add3A_687, %mul3A_688 : i32
      %dma_start3A_690 = arith.constant 4 : i32
      %dma_start3A_691 = arith.constant 0 : i32
      %dma_start3A_692 = arith.constant 0 : i32
      %dma_start3A_693 = tpu.memref_slice %arg8[%dma_start3A_690, %dma_start3A_691, %dma_start3A_692] : memref<8x8x512xf32, #tpu.memory_space<vmem>> -> memref<1x8x512xf32, #tpu.memory_space<vmem>>
      %dma_start3A_694 = tpu.memref_squeeze %dma_start3A_693 : memref<1x8x512xf32, #tpu.memory_space<vmem>> -> memref<8x512xf32, #tpu.memory_space<vmem>>
      %dma_start3A_695 = arith.constant 0 : i32
      %dma_start3A_696 = tpu.memref_slice %arg4[%add3A_686, %mul3A_689, %dma_start3A_695] : memref<64x512x512xf32, #tpu.memory_space<hbm>> -> memref<1x8x512xf32, #tpu.memory_space<hbm>>
      %dma_start3A_697 = tpu.memref_squeeze %dma_start3A_696 : memref<1x8x512xf32, #tpu.memory_space<hbm>> -> memref<8x512xf32, #tpu.memory_space<hbm>>
      %dma_start3A_698 = arith.constant 0 : i32
      %dma_start3A_699 = tpu.memref_slice %arg4[%add3A_686, %mul3A_689, %dma_start3A_698] : memref<64x512x512xf32, #tpu.memory_space<hbm>> -> memref<1x8x512xf32, #tpu.memory_space<hbm>>
      %dma_start3A_700 = tpu.memref_squeeze %dma_start3A_699 : memref<1x8x512xf32, #tpu.memory_space<hbm>> -> memref<8x512xf32, #tpu.memory_space<hbm>>
      %dma_start3A_701 = arith.constant 0 : i32
      %dma_start3A_702 = arith.constant 0 : i32
      %dma_start3A_703 = tpu.memref_slice %arg8[%dma_start3A_690, %dma_start3A_701, %dma_start3A_702] : memref<8x8x512xf32, #tpu.memory_space<vmem>> -> memref<1x8x512xf32, #tpu.memory_space<vmem>>
      %dma_start3A_704 = tpu.memref_squeeze %dma_start3A_703 : memref<1x8x512xf32, #tpu.memory_space<vmem>> -> memref<8x512xf32, #tpu.memory_space<vmem>>
      tpu.enqueue_dma source(%dma_start3A_704 : memref<8x512xf32, #tpu.memory_space<vmem>>) target(%dma_start3A_700 : memref<8x512xf32, #tpu.memory_space<hbm>>) target_semaphore(%arg12 : memref<!tpu.dma_semaphore, #tpu.memory_space<semaphore_mem>>)
      %add3A_705 = arith.constant 5 : i32
      %add3A_706 = arith.addi %mul3A_32, %add3A_705 : i32
      %add3A_707 = arith.addi %mul3A_34, %add3A_586 : i32
      %mul3A_708 = arith.constant 8 : i32
      %mul3A_709 = arith.muli %add3A_707, %mul3A_708 : i32
      %dma_start3A_710 = arith.constant 5 : i32
      %dma_start3A_711 = arith.constant 0 : i32
      %dma_start3A_712 = arith.constant 0 : i32
      %dma_start3A_713 = tpu.memref_slice %arg8[%dma_start3A_710, %dma_start3A_711, %dma_start3A_712] : memref<8x8x512xf32, #tpu.memory_space<vmem>> -> memref<1x8x512xf32, #tpu.memory_space<vmem>>
      %dma_start3A_714 = tpu.memref_squeeze %dma_start3A_713 : memref<1x8x512xf32, #tpu.memory_space<vmem>> -> memref<8x512xf32, #tpu.memory_space<vmem>>
      %dma_start3A_715 = arith.constant 0 : i32
      %dma_start3A_716 = tpu.memref_slice %arg4[%add3A_706, %mul3A_709, %dma_start3A_715] : memref<64x512x512xf32, #tpu.memory_space<hbm>> -> memref<1x8x512xf32, #tpu.memory_space<hbm>>
      %dma_start3A_717 = tpu.memref_squeeze %dma_start3A_716 : memref<1x8x512xf32, #tpu.memory_space<hbm>> -> memref<8x512xf32, #tpu.memory_space<hbm>>
      %dma_start3A_718 = arith.constant 0 : i32
      %dma_start3A_719 = tpu.memref_slice %arg4[%add3A_706, %mul3A_709, %dma_start3A_718] : memref<64x512x512xf32, #tpu.memory_space<hbm>> -> memref<1x8x512xf32, #tpu.memory_space<hbm>>
      %dma_start3A_720 = tpu.memref_squeeze %dma_start3A_719 : memref<1x8x512xf32, #tpu.memory_space<hbm>> -> memref<8x512xf32, #tpu.memory_space<hbm>>
      %dma_start3A_721 = arith.constant 0 : i32
      %dma_start3A_722 = arith.constant 0 : i32
      %dma_start3A_723 = tpu.memref_slice %arg8[%dma_start3A_710, %dma_start3A_721, %dma_start3A_722] : memref<8x8x512xf32, #tpu.memory_space<vmem>> -> memref<1x8x512xf32, #tpu.memory_space<vmem>>
      %dma_start3A_724 = tpu.memref_squeeze %dma_start3A_723 : memref<1x8x512xf32, #tpu.memory_space<vmem>> -> memref<8x512xf32, #tpu.memory_space<vmem>>
      tpu.enqueue_dma source(%dma_start3A_724 : memref<8x512xf32, #tpu.memory_space<vmem>>) target(%dma_start3A_720 : memref<8x512xf32, #tpu.memory_space<hbm>>) target_semaphore(%arg12 : memref<!tpu.dma_semaphore, #tpu.memory_space<semaphore_mem>>)
      %add3A_725 = arith.constant 6 : i32
      %add3A_726 = arith.addi %mul3A_32, %add3A_725 : i32
      %add3A_727 = arith.addi %mul3A_34, %add3A_586 : i32
      %mul3A_728 = arith.constant 8 : i32
      %mul3A_729 = arith.muli %add3A_727, %mul3A_728 : i32
      %dma_start3A_730 = arith.constant 6 : i32
      %dma_start3A_731 = arith.constant 0 : i32
      %dma_start3A_732 = arith.constant 0 : i32
      %dma_start3A_733 = tpu.memref_slice %arg8[%dma_start3A_730, %dma_start3A_731, %dma_start3A_732] : memref<8x8x512xf32, #tpu.memory_space<vmem>> -> memref<1x8x512xf32, #tpu.memory_space<vmem>>
      %dma_start3A_734 = tpu.memref_squeeze %dma_start3A_733 : memref<1x8x512xf32, #tpu.memory_space<vmem>> -> memref<8x512xf32, #tpu.memory_space<vmem>>
      %dma_start3A_735 = arith.constant 0 : i32
      %dma_start3A_736 = tpu.memref_slice %arg4[%add3A_726, %mul3A_729, %dma_start3A_735] : memref<64x512x512xf32, #tpu.memory_space<hbm>> -> memref<1x8x512xf32, #tpu.memory_space<hbm>>
      %dma_start3A_737 = tpu.memref_squeeze %dma_start3A_736 : memref<1x8x512xf32, #tpu.memory_space<hbm>> -> memref<8x512xf32, #tpu.memory_space<hbm>>
      %dma_start3A_738 = arith.constant 0 : i32
      %dma_start3A_739 = tpu.memref_slice %arg4[%add3A_726, %mul3A_729, %dma_start3A_738] : memref<64x512x512xf32, #tpu.memory_space<hbm>> -> memref<1x8x512xf32, #tpu.memory_space<hbm>>
      %dma_start3A_740 = tpu.memref_squeeze %dma_start3A_739 : memref<1x8x512xf32, #tpu.memory_space<hbm>> -> memref<8x512xf32, #tpu.memory_space<hbm>>
      %dma_start3A_741 = arith.constant 0 : i32
      %dma_start3A_742 = arith.constant 0 : i32
      %dma_start3A_743 = tpu.memref_slice %arg8[%dma_start3A_730, %dma_start3A_741, %dma_start3A_742] : memref<8x8x512xf32, #tpu.memory_space<vmem>> -> memref<1x8x512xf32, #tpu.memory_space<vmem>>
      %dma_start3A_744 = tpu.memref_squeeze %dma_start3A_743 : memref<1x8x512xf32, #tpu.memory_space<vmem>> -> memref<8x512xf32, #tpu.memory_space<vmem>>
      tpu.enqueue_dma source(%dma_start3A_744 : memref<8x512xf32, #tpu.memory_space<vmem>>) target(%dma_start3A_740 : memref<8x512xf32, #tpu.memory_space<hbm>>) target_semaphore(%arg12 : memref<!tpu.dma_semaphore, #tpu.memory_space<semaphore_mem>>)
      %add3A_745 = arith.constant 7 : i32
      %add3A_746 = arith.addi %mul3A_32, %add3A_745 : i32
      %add3A_747 = arith.addi %mul3A_34, %add3A_586 : i32
      %mul3A_748 = arith.constant 8 : i32
      %mul3A_749 = arith.muli %add3A_747, %mul3A_748 : i32
      %dma_start3A_750 = arith.constant 7 : i32
      %dma_start3A_751 = arith.constant 0 : i32
      %dma_start3A_752 = arith.constant 0 : i32
      %dma_start3A_753 = tpu.memref_slice %arg8[%dma_start3A_750, %dma_start3A_751, %dma_start3A_752] : memref<8x8x512xf32, #tpu.memory_space<vmem>> -> memref<1x8x512xf32, #tpu.memory_space<vmem>>
      %dma_start3A_754 = tpu.memref_squeeze %dma_start3A_753 : memref<1x8x512xf32, #tpu.memory_space<vmem>> -> memref<8x512xf32, #tpu.memory_space<vmem>>
      %dma_start3A_755 = arith.constant 0 : i32
      %dma_start3A_756 = tpu.memref_slice %arg4[%add3A_746, %mul3A_749, %dma_start3A_755] : memref<64x512x512xf32, #tpu.memory_space<hbm>> -> memref<1x8x512xf32, #tpu.memory_space<hbm>>
      %dma_start3A_757 = tpu.memref_squeeze %dma_start3A_756 : memref<1x8x512xf32, #tpu.memory_space<hbm>> -> memref<8x512xf32, #tpu.memory_space<hbm>>
      %dma_start3A_758 = arith.constant 0 : i32
      %dma_start3A_759 = tpu.memref_slice %arg4[%add3A_746, %mul3A_749, %dma_start3A_758] : memref<64x512x512xf32, #tpu.memory_space<hbm>> -> memref<1x8x512xf32, #tpu.memory_space<hbm>>
      %dma_start3A_760 = tpu.memref_squeeze %dma_start3A_759 : memref<1x8x512xf32, #tpu.memory_space<hbm>> -> memref<8x512xf32, #tpu.memory_space<hbm>>
      %dma_start3A_761 = arith.constant 0 : i32
      %dma_start3A_762 = arith.constant 0 : i32
      %dma_start3A_763 = tpu.memref_slice %arg8[%dma_start3A_750, %dma_start3A_761, %dma_start3A_762] : memref<8x8x512xf32, #tpu.memory_space<vmem>> -> memref<1x8x512xf32, #tpu.memory_space<vmem>>
      %dma_start3A_764 = tpu.memref_squeeze %dma_start3A_763 : memref<1x8x512xf32, #tpu.memory_space<vmem>> -> memref<8x512xf32, #tpu.memory_space<vmem>>
      tpu.enqueue_dma source(%dma_start3A_764 : memref<8x512xf32, #tpu.memory_space<vmem>>) target(%dma_start3A_760 : memref<8x512xf32, #tpu.memory_space<hbm>>) target_semaphore(%arg12 : memref<!tpu.dma_semaphore, #tpu.memory_space<semaphore_mem>>)
      %mul3A_765 = arith.constant 2 : i32
      %mul3A_766 = arith.muli %mul3A_765, %scan3A_582 : i32
      %add3A_767 = arith.constant 1 : i32
      %add3A_768 = arith.addi %mul3A_766, %add3A_767 : i32
      %add3A_769 = arith.addi %mul3A_34, %add3A_768 : i32
      %mul3A_770 = arith.constant 8 : i32
      %mul3A_771 = arith.muli %add3A_769, %mul3A_770 : i32
      %dma_wait3A_772 = arith.constant 0 : i32
      %dma_wait3A_773 = tpu.memref_slice %arg3[%mul3A_771, %dma_wait3A_772] : memref<512x512xi32, #tpu.memory_space<hbm>> -> memref<8x512xi32, #tpu.memory_space<hbm>>
      %dma_wait3A_774 = arith.constant 0 : i32
      %dma_wait3A_775 = tpu.memref_slice %arg3[%mul3A_771, %dma_wait3A_774] : memref<512x512xi32, #tpu.memory_space<hbm>> -> memref<8x512xi32, #tpu.memory_space<hbm>>
      tpu.wait_dma2 semaphore(%arg11 : memref<!tpu.dma_semaphore, #tpu.memory_space<semaphore_mem>>) src(%dma_wait3A_775 : memref<8x512xi32, #tpu.memory_space<hbm>>) dst(%arg7 : memref<8x512xi32, #tpu.memory_space<vmem>>)
      %ge3A_776 = arith.constant 2 : i32
      %ge3A_777 = arith.cmpi sge, %add3A_768, %ge3A_776 : i32
      %convert_element_type3A_778 = arith.extui %ge3A_777 : i1 to i32
      %cond3A_779 = arith.constant 0 : i32
      %cond3A_780 = arith.cmpi ne, %convert_element_type3A_778, %cond3A_779 : i32
      scf.if %cond3A_780 {
        %add3A_951 = arith.constant 0 : i32
        %add3A_952 = arith.addi %mul3A_32, %add3A_951 : i32
        %add3A_953 = arith.constant 0 : i32
        %add3A_954 = arith.addi %mul3A_34, %add3A_953 : i32
        %mul3A_955 = arith.constant 8 : i32
        %mul3A_956 = arith.muli %add3A_954, %mul3A_955 : i32
        %dma_wait3A_957 = arith.constant 0 : i32
        %dma_wait3A_958 = arith.constant 0 : i32
        %dma_wait3A_959 = arith.constant 0 : i32
        %dma_wait3A_960 = tpu.memref_slice %arg9[%dma_wait3A_957, %dma_wait3A_958, %dma_wait3A_959] : memref<8x8x512xf32, #tpu.memory_space<vmem>> -> memref<1x8x512xf32, #tpu.memory_space<vmem>>
        %dma_wait3A_961 = tpu.memref_squeeze %dma_wait3A_960 : memref<1x8x512xf32, #tpu.memory_space<vmem>> -> memref<8x512xf32, #tpu.memory_space<vmem>>
        %dma_wait3A_962 = arith.constant 0 : i32
        %dma_wait3A_963 = tpu.memref_slice %arg4[%add3A_952, %mul3A_956, %dma_wait3A_962] : memref<64x512x512xf32, #tpu.memory_space<hbm>> -> memref<1x8x512xf32, #tpu.memory_space<hbm>>
        %dma_wait3A_964 = tpu.memref_squeeze %dma_wait3A_963 : memref<1x8x512xf32, #tpu.memory_space<hbm>> -> memref<8x512xf32, #tpu.memory_space<hbm>>
        %dma_wait3A_965 = arith.constant 0 : i32
        %dma_wait3A_966 = tpu.memref_slice %arg4[%add3A_952, %mul3A_956, %dma_wait3A_965] : memref<64x512x512xf32, #tpu.memory_space<hbm>> -> memref<1x8x512xf32, #tpu.memory_space<hbm>>
        %dma_wait3A_967 = tpu.memref_squeeze %dma_wait3A_966 : memref<1x8x512xf32, #tpu.memory_space<hbm>> -> memref<8x512xf32, #tpu.memory_space<hbm>>
        %dma_wait3A_968 = arith.constant 0 : i32
        %dma_wait3A_969 = arith.constant 0 : i32
        %dma_wait3A_970 = tpu.memref_slice %arg9[%dma_wait3A_957, %dma_wait3A_968, %dma_wait3A_969] : memref<8x8x512xf32, #tpu.memory_space<vmem>> -> memref<1x8x512xf32, #tpu.memory_space<vmem>>
        %dma_wait3A_971 = tpu.memref_squeeze %dma_wait3A_970 : memref<1x8x512xf32, #tpu.memory_space<vmem>> -> memref<8x512xf32, #tpu.memory_space<vmem>>
        tpu.wait_dma2 semaphore(%arg13 : memref<!tpu.dma_semaphore, #tpu.memory_space<semaphore_mem>>) src(%dma_wait3A_971 : memref<8x512xf32, #tpu.memory_space<vmem>>) dst(%dma_wait3A_967 : memref<8x512xf32, #tpu.memory_space<hbm>>)
        %add3A_972 = arith.constant 1 : i32
        %add3A_973 = arith.addi %mul3A_32, %add3A_972 : i32
        %add3A_974 = arith.constant 0 : i32
        %add3A_975 = arith.addi %mul3A_34, %add3A_974 : i32
        %mul3A_976 = arith.constant 8 : i32
        %mul3A_977 = arith.muli %add3A_975, %mul3A_976 : i32
        %dma_wait3A_978 = arith.constant 1 : i32
        %dma_wait3A_979 = arith.constant 0 : i32
        %dma_wait3A_980 = arith.constant 0 : i32
        %dma_wait3A_981 = tpu.memref_slice %arg9[%dma_wait3A_978, %dma_wait3A_979, %dma_wait3A_980] : memref<8x8x512xf32, #tpu.memory_space<vmem>> -> memref<1x8x512xf32, #tpu.memory_space<vmem>>
        %dma_wait3A_982 = tpu.memref_squeeze %dma_wait3A_981 : memref<1x8x512xf32, #tpu.memory_space<vmem>> -> memref<8x512xf32, #tpu.memory_space<vmem>>
        %dma_wait3A_983 = arith.constant 0 : i32
        %dma_wait3A_984 = tpu.memref_slice %arg4[%add3A_973, %mul3A_977, %dma_wait3A_983] : memref<64x512x512xf32, #tpu.memory_space<hbm>> -> memref<1x8x512xf32, #tpu.memory_space<hbm>>
        %dma_wait3A_985 = tpu.memref_squeeze %dma_wait3A_984 : memref<1x8x512xf32, #tpu.memory_space<hbm>> -> memref<8x512xf32, #tpu.memory_space<hbm>>
        %dma_wait3A_986 = arith.constant 0 : i32
        %dma_wait3A_987 = tpu.memref_slice %arg4[%add3A_973, %mul3A_977, %dma_wait3A_986] : memref<64x512x512xf32, #tpu.memory_space<hbm>> -> memref<1x8x512xf32, #tpu.memory_space<hbm>>
        %dma_wait3A_988 = tpu.memref_squeeze %dma_wait3A_987 : memref<1x8x512xf32, #tpu.memory_space<hbm>> -> memref<8x512xf32, #tpu.memory_space<hbm>>
        %dma_wait3A_989 = arith.constant 0 : i32
        %dma_wait3A_990 = arith.constant 0 : i32
        %dma_wait3A_991 = tpu.memref_slice %arg9[%dma_wait3A_978, %dma_wait3A_989, %dma_wait3A_990] : memref<8x8x512xf32, #tpu.memory_space<vmem>> -> memref<1x8x512xf32, #tpu.memory_space<vmem>>
        %dma_wait3A_992 = tpu.memref_squeeze %dma_wait3A_991 : memref<1x8x512xf32, #tpu.memory_space<vmem>> -> memref<8x512xf32, #tpu.memory_space<vmem>>
        tpu.wait_dma2 semaphore(%arg13 : memref<!tpu.dma_semaphore, #tpu.memory_space<semaphore_mem>>) src(%dma_wait3A_992 : memref<8x512xf32, #tpu.memory_space<vmem>>) dst(%dma_wait3A_988 : memref<8x512xf32, #tpu.memory_space<hbm>>)
        %add3A_993 = arith.constant 2 : i32
        %add3A_994 = arith.addi %mul3A_32, %add3A_993 : i32
        %add3A_995 = arith.constant 0 : i32
        %add3A_996 = arith.addi %mul3A_34, %add3A_995 : i32
        %mul3A_997 = arith.constant 8 : i32
        %mul3A_998 = arith.muli %add3A_996, %mul3A_997 : i32
        %dma_wait3A_999 = arith.constant 2 : i32
        %dma_wait3A_1000 = arith.constant 0 : i32
        %dma_wait3A_1001 = arith.constant 0 : i32
        %dma_wait3A_1002 = tpu.memref_slice %arg9[%dma_wait3A_999, %dma_wait3A_1000, %dma_wait3A_1001] : memref<8x8x512xf32, #tpu.memory_space<vmem>> -> memref<1x8x512xf32, #tpu.memory_space<vmem>>
        %dma_wait3A_1003 = tpu.memref_squeeze %dma_wait3A_1002 : memref<1x8x512xf32, #tpu.memory_space<vmem>> -> memref<8x512xf32, #tpu.memory_space<vmem>>
        %dma_wait3A_1004 = arith.constant 0 : i32
        %dma_wait3A_1005 = tpu.memref_slice %arg4[%add3A_994, %mul3A_998, %dma_wait3A_1004] : memref<64x512x512xf32, #tpu.memory_space<hbm>> -> memref<1x8x512xf32, #tpu.memory_space<hbm>>
        %dma_wait3A_1006 = tpu.memref_squeeze %dma_wait3A_1005 : memref<1x8x512xf32, #tpu.memory_space<hbm>> -> memref<8x512xf32, #tpu.memory_space<hbm>>
        %dma_wait3A_1007 = arith.constant 0 : i32
        %dma_wait3A_1008 = tpu.memref_slice %arg4[%add3A_994, %mul3A_998, %dma_wait3A_1007] : memref<64x512x512xf32, #tpu.memory_space<hbm>> -> memref<1x8x512xf32, #tpu.memory_space<hbm>>
        %dma_wait3A_1009 = tpu.memref_squeeze %dma_wait3A_1008 : memref<1x8x512xf32, #tpu.memory_space<hbm>> -> memref<8x512xf32, #tpu.memory_space<hbm>>
        %dma_wait3A_1010 = arith.constant 0 : i32
        %dma_wait3A_1011 = arith.constant 0 : i32
        %dma_wait3A_1012 = tpu.memref_slice %arg9[%dma_wait3A_999, %dma_wait3A_1010, %dma_wait3A_1011] : memref<8x8x512xf32, #tpu.memory_space<vmem>> -> memref<1x8x512xf32, #tpu.memory_space<vmem>>
        %dma_wait3A_1013 = tpu.memref_squeeze %dma_wait3A_1012 : memref<1x8x512xf32, #tpu.memory_space<vmem>> -> memref<8x512xf32, #tpu.memory_space<vmem>>
        tpu.wait_dma2 semaphore(%arg13 : memref<!tpu.dma_semaphore, #tpu.memory_space<semaphore_mem>>) src(%dma_wait3A_1013 : memref<8x512xf32, #tpu.memory_space<vmem>>) dst(%dma_wait3A_1009 : memref<8x512xf32, #tpu.memory_space<hbm>>)
        %add3A_1014 = arith.constant 3 : i32
        %add3A_1015 = arith.addi %mul3A_32, %add3A_1014 : i32
        %add3A_1016 = arith.constant 0 : i32
        %add3A_1017 = arith.addi %mul3A_34, %add3A_1016 : i32
        %mul3A_1018 = arith.constant 8 : i32
        %mul3A_1019 = arith.muli %add3A_1017, %mul3A_1018 : i32
        %dma_wait3A_1020 = arith.constant 3 : i32
        %dma_wait3A_1021 = arith.constant 0 : i32
        %dma_wait3A_1022 = arith.constant 0 : i32
        %dma_wait3A_1023 = tpu.memref_slice %arg9[%dma_wait3A_1020, %dma_wait3A_1021, %dma_wait3A_1022] : memref<8x8x512xf32, #tpu.memory_space<vmem>> -> memref<1x8x512xf32, #tpu.memory_space<vmem>>
        %dma_wait3A_1024 = tpu.memref_squeeze %dma_wait3A_1023 : memref<1x8x512xf32, #tpu.memory_space<vmem>> -> memref<8x512xf32, #tpu.memory_space<vmem>>
        %dma_wait3A_1025 = arith.constant 0 : i32
        %dma_wait3A_1026 = tpu.memref_slice %arg4[%add3A_1015, %mul3A_1019, %dma_wait3A_1025] : memref<64x512x512xf32, #tpu.memory_space<hbm>> -> memref<1x8x512xf32, #tpu.memory_space<hbm>>
        %dma_wait3A_1027 = tpu.memref_squeeze %dma_wait3A_1026 : memref<1x8x512xf32, #tpu.memory_space<hbm>> -> memref<8x512xf32, #tpu.memory_space<hbm>>
        %dma_wait3A_1028 = arith.constant 0 : i32
        %dma_wait3A_1029 = tpu.memref_slice %arg4[%add3A_1015, %mul3A_1019, %dma_wait3A_1028] : memref<64x512x512xf32, #tpu.memory_space<hbm>> -> memref<1x8x512xf32, #tpu.memory_space<hbm>>
        %dma_wait3A_1030 = tpu.memref_squeeze %dma_wait3A_1029 : memref<1x8x512xf32, #tpu.memory_space<hbm>> -> memref<8x512xf32, #tpu.memory_space<hbm>>
        %dma_wait3A_1031 = arith.constant 0 : i32
        %dma_wait3A_1032 = arith.constant 0 : i32
        %dma_wait3A_1033 = tpu.memref_slice %arg9[%dma_wait3A_1020, %dma_wait3A_1031, %dma_wait3A_1032] : memref<8x8x512xf32, #tpu.memory_space<vmem>> -> memref<1x8x512xf32, #tpu.memory_space<vmem>>
        %dma_wait3A_1034 = tpu.memref_squeeze %dma_wait3A_1033 : memref<1x8x512xf32, #tpu.memory_space<vmem>> -> memref<8x512xf32, #tpu.memory_space<vmem>>
        tpu.wait_dma2 semaphore(%arg13 : memref<!tpu.dma_semaphore, #tpu.memory_space<semaphore_mem>>) src(%dma_wait3A_1034 : memref<8x512xf32, #tpu.memory_space<vmem>>) dst(%dma_wait3A_1030 : memref<8x512xf32, #tpu.memory_space<hbm>>)
        %add3A_1035 = arith.constant 4 : i32
        %add3A_1036 = arith.addi %mul3A_32, %add3A_1035 : i32
        %add3A_1037 = arith.constant 0 : i32
        %add3A_1038 = arith.addi %mul3A_34, %add3A_1037 : i32
        %mul3A_1039 = arith.constant 8 : i32
        %mul3A_1040 = arith.muli %add3A_1038, %mul3A_1039 : i32
        %dma_wait3A_1041 = arith.constant 4 : i32
        %dma_wait3A_1042 = arith.constant 0 : i32
        %dma_wait3A_1043 = arith.constant 0 : i32
        %dma_wait3A_1044 = tpu.memref_slice %arg9[%dma_wait3A_1041, %dma_wait3A_1042, %dma_wait3A_1043] : memref<8x8x512xf32, #tpu.memory_space<vmem>> -> memref<1x8x512xf32, #tpu.memory_space<vmem>>
        %dma_wait3A_1045 = tpu.memref_squeeze %dma_wait3A_1044 : memref<1x8x512xf32, #tpu.memory_space<vmem>> -> memref<8x512xf32, #tpu.memory_space<vmem>>
        %dma_wait3A_1046 = arith.constant 0 : i32
        %dma_wait3A_1047 = tpu.memref_slice %arg4[%add3A_1036, %mul3A_1040, %dma_wait3A_1046] : memref<64x512x512xf32, #tpu.memory_space<hbm>> -> memref<1x8x512xf32, #tpu.memory_space<hbm>>
        %dma_wait3A_1048 = tpu.memref_squeeze %dma_wait3A_1047 : memref<1x8x512xf32, #tpu.memory_space<hbm>> -> memref<8x512xf32, #tpu.memory_space<hbm>>
        %dma_wait3A_1049 = arith.constant 0 : i32
        %dma_wait3A_1050 = tpu.memref_slice %arg4[%add3A_1036, %mul3A_1040, %dma_wait3A_1049] : memref<64x512x512xf32, #tpu.memory_space<hbm>> -> memref<1x8x512xf32, #tpu.memory_space<hbm>>
        %dma_wait3A_1051 = tpu.memref_squeeze %dma_wait3A_1050 : memref<1x8x512xf32, #tpu.memory_space<hbm>> -> memref<8x512xf32, #tpu.memory_space<hbm>>
        %dma_wait3A_1052 = arith.constant 0 : i32
        %dma_wait3A_1053 = arith.constant 0 : i32
        %dma_wait3A_1054 = tpu.memref_slice %arg9[%dma_wait3A_1041, %dma_wait3A_1052, %dma_wait3A_1053] : memref<8x8x512xf32, #tpu.memory_space<vmem>> -> memref<1x8x512xf32, #tpu.memory_space<vmem>>
        %dma_wait3A_1055 = tpu.memref_squeeze %dma_wait3A_1054 : memref<1x8x512xf32, #tpu.memory_space<vmem>> -> memref<8x512xf32, #tpu.memory_space<vmem>>
        tpu.wait_dma2 semaphore(%arg13 : memref<!tpu.dma_semaphore, #tpu.memory_space<semaphore_mem>>) src(%dma_wait3A_1055 : memref<8x512xf32, #tpu.memory_space<vmem>>) dst(%dma_wait3A_1051 : memref<8x512xf32, #tpu.memory_space<hbm>>)
        %add3A_1056 = arith.constant 5 : i32
        %add3A_1057 = arith.addi %mul3A_32, %add3A_1056 : i32
        %add3A_1058 = arith.constant 0 : i32
        %add3A_1059 = arith.addi %mul3A_34, %add3A_1058 : i32
        %mul3A_1060 = arith.constant 8 : i32
        %mul3A_1061 = arith.muli %add3A_1059, %mul3A_1060 : i32
        %dma_wait3A_1062 = arith.constant 5 : i32
        %dma_wait3A_1063 = arith.constant 0 : i32
        %dma_wait3A_1064 = arith.constant 0 : i32
        %dma_wait3A_1065 = tpu.memref_slice %arg9[%dma_wait3A_1062, %dma_wait3A_1063, %dma_wait3A_1064] : memref<8x8x512xf32, #tpu.memory_space<vmem>> -> memref<1x8x512xf32, #tpu.memory_space<vmem>>
        %dma_wait3A_1066 = tpu.memref_squeeze %dma_wait3A_1065 : memref<1x8x512xf32, #tpu.memory_space<vmem>> -> memref<8x512xf32, #tpu.memory_space<vmem>>
        %dma_wait3A_1067 = arith.constant 0 : i32
        %dma_wait3A_1068 = tpu.memref_slice %arg4[%add3A_1057, %mul3A_1061, %dma_wait3A_1067] : memref<64x512x512xf32, #tpu.memory_space<hbm>> -> memref<1x8x512xf32, #tpu.memory_space<hbm>>
        %dma_wait3A_1069 = tpu.memref_squeeze %dma_wait3A_1068 : memref<1x8x512xf32, #tpu.memory_space<hbm>> -> memref<8x512xf32, #tpu.memory_space<hbm>>
        %dma_wait3A_1070 = arith.constant 0 : i32
        %dma_wait3A_1071 = tpu.memref_slice %arg4[%add3A_1057, %mul3A_1061, %dma_wait3A_1070] : memref<64x512x512xf32, #tpu.memory_space<hbm>> -> memref<1x8x512xf32, #tpu.memory_space<hbm>>
        %dma_wait3A_1072 = tpu.memref_squeeze %dma_wait3A_1071 : memref<1x8x512xf32, #tpu.memory_space<hbm>> -> memref<8x512xf32, #tpu.memory_space<hbm>>
        %dma_wait3A_1073 = arith.constant 0 : i32
        %dma_wait3A_1074 = arith.constant 0 : i32
        %dma_wait3A_1075 = tpu.memref_slice %arg9[%dma_wait3A_1062, %dma_wait3A_1073, %dma_wait3A_1074] : memref<8x8x512xf32, #tpu.memory_space<vmem>> -> memref<1x8x512xf32, #tpu.memory_space<vmem>>
        %dma_wait3A_1076 = tpu.memref_squeeze %dma_wait3A_1075 : memref<1x8x512xf32, #tpu.memory_space<vmem>> -> memref<8x512xf32, #tpu.memory_space<vmem>>
        tpu.wait_dma2 semaphore(%arg13 : memref<!tpu.dma_semaphore, #tpu.memory_space<semaphore_mem>>) src(%dma_wait3A_1076 : memref<8x512xf32, #tpu.memory_space<vmem>>) dst(%dma_wait3A_1072 : memref<8x512xf32, #tpu.memory_space<hbm>>)
        %add3A_1077 = arith.constant 6 : i32
        %add3A_1078 = arith.addi %mul3A_32, %add3A_1077 : i32
        %add3A_1079 = arith.constant 0 : i32
        %add3A_1080 = arith.addi %mul3A_34, %add3A_1079 : i32
        %mul3A_1081 = arith.constant 8 : i32
        %mul3A_1082 = arith.muli %add3A_1080, %mul3A_1081 : i32
        %dma_wait3A_1083 = arith.constant 6 : i32
        %dma_wait3A_1084 = arith.constant 0 : i32
        %dma_wait3A_1085 = arith.constant 0 : i32
        %dma_wait3A_1086 = tpu.memref_slice %arg9[%dma_wait3A_1083, %dma_wait3A_1084, %dma_wait3A_1085] : memref<8x8x512xf32, #tpu.memory_space<vmem>> -> memref<1x8x512xf32, #tpu.memory_space<vmem>>
        %dma_wait3A_1087 = tpu.memref_squeeze %dma_wait3A_1086 : memref<1x8x512xf32, #tpu.memory_space<vmem>> -> memref<8x512xf32, #tpu.memory_space<vmem>>
        %dma_wait3A_1088 = arith.constant 0 : i32
        %dma_wait3A_1089 = tpu.memref_slice %arg4[%add3A_1078, %mul3A_1082, %dma_wait3A_1088] : memref<64x512x512xf32, #tpu.memory_space<hbm>> -> memref<1x8x512xf32, #tpu.memory_space<hbm>>
        %dma_wait3A_1090 = tpu.memref_squeeze %dma_wait3A_1089 : memref<1x8x512xf32, #tpu.memory_space<hbm>> -> memref<8x512xf32, #tpu.memory_space<hbm>>
        %dma_wait3A_1091 = arith.constant 0 : i32
        %dma_wait3A_1092 = tpu.memref_slice %arg4[%add3A_1078, %mul3A_1082, %dma_wait3A_1091] : memref<64x512x512xf32, #tpu.memory_space<hbm>> -> memref<1x8x512xf32, #tpu.memory_space<hbm>>
        %dma_wait3A_1093 = tpu.memref_squeeze %dma_wait3A_1092 : memref<1x8x512xf32, #tpu.memory_space<hbm>> -> memref<8x512xf32, #tpu.memory_space<hbm>>
        %dma_wait3A_1094 = arith.constant 0 : i32
        %dma_wait3A_1095 = arith.constant 0 : i32
        %dma_wait3A_1096 = tpu.memref_slice %arg9[%dma_wait3A_1083, %dma_wait3A_1094, %dma_wait3A_1095] : memref<8x8x512xf32, #tpu.memory_space<vmem>> -> memref<1x8x512xf32, #tpu.memory_space<vmem>>
        %dma_wait3A_1097 = tpu.memref_squeeze %dma_wait3A_1096 : memref<1x8x512xf32, #tpu.memory_space<vmem>> -> memref<8x512xf32, #tpu.memory_space<vmem>>
        tpu.wait_dma2 semaphore(%arg13 : memref<!tpu.dma_semaphore, #tpu.memory_space<semaphore_mem>>) src(%dma_wait3A_1097 : memref<8x512xf32, #tpu.memory_space<vmem>>) dst(%dma_wait3A_1093 : memref<8x512xf32, #tpu.memory_space<hbm>>)
        %add3A_1098 = arith.constant 7 : i32
        %add3A_1099 = arith.addi %mul3A_32, %add3A_1098 : i32
        %add3A_1100 = arith.constant 0 : i32
        %add3A_1101 = arith.addi %mul3A_34, %add3A_1100 : i32
        %mul3A_1102 = arith.constant 8 : i32
        %mul3A_1103 = arith.muli %add3A_1101, %mul3A_1102 : i32
        %dma_wait3A_1104 = arith.constant 7 : i32
        %dma_wait3A_1105 = arith.constant 0 : i32
        %dma_wait3A_1106 = arith.constant 0 : i32
        %dma_wait3A_1107 = tpu.memref_slice %arg9[%dma_wait3A_1104, %dma_wait3A_1105, %dma_wait3A_1106] : memref<8x8x512xf32, #tpu.memory_space<vmem>> -> memref<1x8x512xf32, #tpu.memory_space<vmem>>
        %dma_wait3A_1108 = tpu.memref_squeeze %dma_wait3A_1107 : memref<1x8x512xf32, #tpu.memory_space<vmem>> -> memref<8x512xf32, #tpu.memory_space<vmem>>
        %dma_wait3A_1109 = arith.constant 0 : i32
        %dma_wait3A_1110 = tpu.memref_slice %arg4[%add3A_1099, %mul3A_1103, %dma_wait3A_1109] : memref<64x512x512xf32, #tpu.memory_space<hbm>> -> memref<1x8x512xf32, #tpu.memory_space<hbm>>
        %dma_wait3A_1111 = tpu.memref_squeeze %dma_wait3A_1110 : memref<1x8x512xf32, #tpu.memory_space<hbm>> -> memref<8x512xf32, #tpu.memory_space<hbm>>
        %dma_wait3A_1112 = arith.constant 0 : i32
        %dma_wait3A_1113 = tpu.memref_slice %arg4[%add3A_1099, %mul3A_1103, %dma_wait3A_1112] : memref<64x512x512xf32, #tpu.memory_space<hbm>> -> memref<1x8x512xf32, #tpu.memory_space<hbm>>
        %dma_wait3A_1114 = tpu.memref_squeeze %dma_wait3A_1113 : memref<1x8x512xf32, #tpu.memory_space<hbm>> -> memref<8x512xf32, #tpu.memory_space<hbm>>
        %dma_wait3A_1115 = arith.constant 0 : i32
        %dma_wait3A_1116 = arith.constant 0 : i32
        %dma_wait3A_1117 = tpu.memref_slice %arg9[%dma_wait3A_1104, %dma_wait3A_1115, %dma_wait3A_1116] : memref<8x8x512xf32, #tpu.memory_space<vmem>> -> memref<1x8x512xf32, #tpu.memory_space<vmem>>
        %dma_wait3A_1118 = tpu.memref_squeeze %dma_wait3A_1117 : memref<1x8x512xf32, #tpu.memory_space<vmem>> -> memref<8x512xf32, #tpu.memory_space<vmem>>
        tpu.wait_dma2 semaphore(%arg13 : memref<!tpu.dma_semaphore, #tpu.memory_space<semaphore_mem>>) src(%dma_wait3A_1118 : memref<8x512xf32, #tpu.memory_space<vmem>>) dst(%dma_wait3A_1114 : memref<8x512xf32, #tpu.memory_space<hbm>>)
      } else {
      }
      %parallel_loop3A_781 = arith.constant 0 : i32
      %parallel_loop3A_782 = arith.constant 256 : i32
      %parallel_loop3A_783 = arith.constant 1 : i32
      scf.for %parallel_loop3A_951 = %parallel_loop3A_781 to %parallel_loop3A_782 step %parallel_loop3A_783  : i32 {
        %parallel_loop3A_952 = arith.constant 5 : i32
        %parallel_loop3A_953 = arith.shrsi %parallel_loop3A_951, %parallel_loop3A_952 : i32
        %parallel_loop3A_954 = arith.constant 31 : i32
        %parallel_loop3A_955 = arith.andi %parallel_loop3A_951, %parallel_loop3A_954 : i32
        %parallel_loop3A_956 = arith.constant 16 : i32
        %parallel_loop3A_957 = arith.muli %parallel_loop3A_955, %parallel_loop3A_956 : i32
        %parallel_loop3A_958 = arith.index_cast %parallel_loop3A_953 : i32 to index
        %parallel_loop3A_959 = arith.index_cast %parallel_loop3A_957 : i32 to index
        %parallel_loop3A_960 = tpu.vector_load %arg7[%parallel_loop3A_958, %parallel_loop3A_959] {strides = array<i32>} : memref<8x512xi32, #tpu.memory_space<vmem>>, vector<16xi32>,
        %parallel_loop3A_961 = arith.constant 0 : i32
        %parallel_loop3A_962 = vector.broadcast %parallel_loop3A_961 : i32 to vector<16xi32>
        %parallel_loop3A_963 = arith.addi %parallel_loop3A_960, %parallel_loop3A_962 : vector<16xi32>
        %parallel_loop3A_964 = tpu.vector_load_idx %arg5[%parallel_loop3A_963] : memref<32768xf32, #tpu.memory_space<vmem>>[vector<16xi32>], vector<16xf32>,
        %parallel_loop3A_965 = arith.constant 0 : i32
        %parallel_loop3A_966 = arith.index_cast %parallel_loop3A_965 : i32 to index
        %parallel_loop3A_967 = arith.index_cast %parallel_loop3A_953 : i32 to index
        %parallel_loop3A_968 = arith.index_cast %parallel_loop3A_957 : i32 to index
        %parallel_loop3A_969 = tpu.vector_load %arg9[%parallel_loop3A_966, %parallel_loop3A_967, %parallel_loop3A_968] {strides = array<i32>} : memref<8x8x512xf32, #tpu.memory_space<vmem>>, vector<16xf32>,
        tpu.vector_store %arg9[%parallel_loop3A_966, %parallel_loop3A_967, %parallel_loop3A_968], %parallel_loop3A_964 {strides = array<i32>} : memref<8x8x512xf32, #tpu.memory_space<vmem>>, vector<16xf32>,
        %parallel_loop3A_970 = arith.constant 4096 : i32
        %parallel_loop3A_971 = vector.broadcast %parallel_loop3A_970 : i32 to vector<16xi32>
        %parallel_loop3A_972 = arith.addi %parallel_loop3A_960, %parallel_loop3A_971 : vector<16xi32>
        %parallel_loop3A_973 = tpu.vector_load_idx %arg5[%parallel_loop3A_972] : memref<32768xf32, #tpu.memory_space<vmem>>[vector<16xi32>], vector<16xf32>,
        %parallel_loop3A_974 = arith.constant 1 : i32
        %parallel_loop3A_975 = arith.index_cast %parallel_loop3A_974 : i32 to index
        %parallel_loop3A_976 = arith.index_cast %parallel_loop3A_953 : i32 to index
        %parallel_loop3A_977 = arith.index_cast %parallel_loop3A_957 : i32 to index
        %parallel_loop3A_978 = tpu.vector_load %arg9[%parallel_loop3A_975, %parallel_loop3A_976, %parallel_loop3A_977] {strides = array<i32>} : memref<8x8x512xf32, #tpu.memory_space<vmem>>, vector<16xf32>,
        tpu.vector_store %arg9[%parallel_loop3A_975, %parallel_loop3A_976, %parallel_loop3A_977], %parallel_loop3A_973 {strides = array<i32>} : memref<8x8x512xf32, #tpu.memory_space<vmem>>, vector<16xf32>,
        %parallel_loop3A_979 = arith.constant 8192 : i32
        %parallel_loop3A_980 = vector.broadcast %parallel_loop3A_979 : i32 to vector<16xi32>
        %parallel_loop3A_981 = arith.addi %parallel_loop3A_960, %parallel_loop3A_980 : vector<16xi32>
        %parallel_loop3A_982 = tpu.vector_load_idx %arg5[%parallel_loop3A_981] : memref<32768xf32, #tpu.memory_space<vmem>>[vector<16xi32>], vector<16xf32>,
        %parallel_loop3A_983 = arith.constant 2 : i32
        %parallel_loop3A_984 = arith.index_cast %parallel_loop3A_983 : i32 to index
        %parallel_loop3A_985 = arith.index_cast %parallel_loop3A_953 : i32 to index
        %parallel_loop3A_986 = arith.index_cast %parallel_loop3A_957 : i32 to index
        %parallel_loop3A_987 = tpu.vector_load %arg9[%parallel_loop3A_984, %parallel_loop3A_985, %parallel_loop3A_986] {strides = array<i32>} : memref<8x8x512xf32, #tpu.memory_space<vmem>>, vector<16xf32>,
        tpu.vector_store %arg9[%parallel_loop3A_984, %parallel_loop3A_985, %parallel_loop3A_986], %parallel_loop3A_982 {strides = array<i32>} : memref<8x8x512xf32, #tpu.memory_space<vmem>>, vector<16xf32>,
        %parallel_loop3A_988 = arith.constant 12288 : i32
        %parallel_loop3A_989 = vector.broadcast %parallel_loop3A_988 : i32 to vector<16xi32>
        %parallel_loop3A_990 = arith.addi %parallel_loop3A_960, %parallel_loop3A_989 : vector<16xi32>
        %parallel_loop3A_991 = tpu.vector_load_idx %arg5[%parallel_loop3A_990] : memref<32768xf32, #tpu.memory_space<vmem>>[vector<16xi32>], vector<16xf32>,
        %parallel_loop3A_992 = arith.constant 3 : i32
        %parallel_loop3A_993 = arith.index_cast %parallel_loop3A_992 : i32 to index
        %parallel_loop3A_994 = arith.index_cast %parallel_loop3A_953 : i32 to index
        %parallel_loop3A_995 = arith.index_cast %parallel_loop3A_957 : i32 to index
        %parallel_loop3A_996 = tpu.vector_load %arg9[%parallel_loop3A_993, %parallel_loop3A_994, %parallel_loop3A_995] {strides = array<i32>} : memref<8x8x512xf32, #tpu.memory_space<vmem>>, vector<16xf32>,
        tpu.vector_store %arg9[%parallel_loop3A_993, %parallel_loop3A_994, %parallel_loop3A_995], %parallel_loop3A_991 {strides = array<i32>} : memref<8x8x512xf32, #tpu.memory_space<vmem>>, vector<16xf32>,
        %parallel_loop3A_997 = arith.constant 16384 : i32
        %parallel_loop3A_998 = vector.broadcast %parallel_loop3A_997 : i32 to vector<16xi32>
        %parallel_loop3A_999 = arith.addi %parallel_loop3A_960, %parallel_loop3A_998 : vector<16xi32>
        %parallel_loop3A_1000 = tpu.vector_load_idx %arg5[%parallel_loop3A_999] : memref<32768xf32, #tpu.memory_space<vmem>>[vector<16xi32>], vector<16xf32>,
        %parallel_loop3A_1001 = arith.constant 4 : i32
        %parallel_loop3A_1002 = arith.index_cast %parallel_loop3A_1001 : i32 to index
        %parallel_loop3A_1003 = arith.index_cast %parallel_loop3A_953 : i32 to index
        %parallel_loop3A_1004 = arith.index_cast %parallel_loop3A_957 : i32 to index
        %parallel_loop3A_1005 = tpu.vector_load %arg9[%parallel_loop3A_1002, %parallel_loop3A_1003, %parallel_loop3A_1004] {strides = array<i32>} : memref<8x8x512xf32, #tpu.memory_space<vmem>>, vector<16xf32>,
        tpu.vector_store %arg9[%parallel_loop3A_1002, %parallel_loop3A_1003, %parallel_loop3A_1004], %parallel_loop3A_1000 {strides = array<i32>} : memref<8x8x512xf32, #tpu.memory_space<vmem>>, vector<16xf32>,
        %parallel_loop3A_1006 = arith.constant 20480 : i32
        %parallel_loop3A_1007 = vector.broadcast %parallel_loop3A_1006 : i32 to vector<16xi32>
        %parallel_loop3A_1008 = arith.addi %parallel_loop3A_960, %parallel_loop3A_1007 : vector<16xi32>
        %parallel_loop3A_1009 = tpu.vector_load_idx %arg5[%parallel_loop3A_1008] : memref<32768xf32, #tpu.memory_space<vmem>>[vector<16xi32>], vector<16xf32>,
        %parallel_loop3A_1010 = arith.constant 5 : i32
        %parallel_loop3A_1011 = arith.index_cast %parallel_loop3A_1010 : i32 to index
        %parallel_loop3A_1012 = arith.index_cast %parallel_loop3A_953 : i32 to index
        %parallel_loop3A_1013 = arith.index_cast %parallel_loop3A_957 : i32 to index
        %parallel_loop3A_1014 = tpu.vector_load %arg9[%parallel_loop3A_1011, %parallel_loop3A_1012, %parallel_loop3A_1013] {strides = array<i32>} : memref<8x8x512xf32, #tpu.memory_space<vmem>>, vector<16xf32>,
        tpu.vector_store %arg9[%parallel_loop3A_1011, %parallel_loop3A_1012, %parallel_loop3A_1013], %parallel_loop3A_1009 {strides = array<i32>} : memref<8x8x512xf32, #tpu.memory_space<vmem>>, vector<16xf32>,
        %parallel_loop3A_1015 = arith.constant 24576 : i32
        %parallel_loop3A_1016 = vector.broadcast %parallel_loop3A_1015 : i32 to vector<16xi32>
        %parallel_loop3A_1017 = arith.addi %parallel_loop3A_960, %parallel_loop3A_1016 : vector<16xi32>
        %parallel_loop3A_1018 = tpu.vector_load_idx %arg5[%parallel_loop3A_1017] : memref<32768xf32, #tpu.memory_space<vmem>>[vector<16xi32>], vector<16xf32>,
        %parallel_loop3A_1019 = arith.constant 6 : i32
        %parallel_loop3A_1020 = arith.index_cast %parallel_loop3A_1019 : i32 to index
        %parallel_loop3A_1021 = arith.index_cast %parallel_loop3A_953 : i32 to index
        %parallel_loop3A_1022 = arith.index_cast %parallel_loop3A_957 : i32 to index
        %parallel_loop3A_1023 = tpu.vector_load %arg9[%parallel_loop3A_1020, %parallel_loop3A_1021, %parallel_loop3A_1022] {strides = array<i32>} : memref<8x8x512xf32, #tpu.memory_space<vmem>>, vector<16xf32>,
        tpu.vector_store %arg9[%parallel_loop3A_1020, %parallel_loop3A_1021, %parallel_loop3A_1022], %parallel_loop3A_1018 {strides = array<i32>} : memref<8x8x512xf32, #tpu.memory_space<vmem>>, vector<16xf32>,
        %parallel_loop3A_1024 = arith.constant 28672 : i32
        %parallel_loop3A_1025 = vector.broadcast %parallel_loop3A_1024 : i32 to vector<16xi32>
        %parallel_loop3A_1026 = arith.addi %parallel_loop3A_960, %parallel_loop3A_1025 : vector<16xi32>
        %parallel_loop3A_1027 = tpu.vector_load_idx %arg5[%parallel_loop3A_1026] : memref<32768xf32, #tpu.memory_space<vmem>>[vector<16xi32>], vector<16xf32>,
        %parallel_loop3A_1028 = arith.constant 7 : i32
        %parallel_loop3A_1029 = arith.index_cast %parallel_loop3A_1028 : i32 to index
        %parallel_loop3A_1030 = arith.index_cast %parallel_loop3A_953 : i32 to index
        %parallel_loop3A_1031 = arith.index_cast %parallel_loop3A_957 : i32 to index
        %parallel_loop3A_1032 = tpu.vector_load %arg9[%parallel_loop3A_1029, %parallel_loop3A_1030, %parallel_loop3A_1031] {strides = array<i32>} : memref<8x8x512xf32, #tpu.memory_space<vmem>>, vector<16xf32>,
        tpu.vector_store %arg9[%parallel_loop3A_1029, %parallel_loop3A_1030, %parallel_loop3A_1031], %parallel_loop3A_1027 {strides = array<i32>} : memref<8x8x512xf32, #tpu.memory_space<vmem>>, vector<16xf32>,
      } {sc.loop_unroll_factor = 2 : i64, sc.parallel_access}
      %add3A_784 = arith.constant 2 : i32
      %add3A_785 = arith.addi %add3A_768, %add3A_784 : i32
      %lt3A_786 = arith.constant 16 : i32
      %lt3A_787 = arith.cmpi slt, %add3A_785, %lt3A_786 : i32
      %convert_element_type3A_788 = arith.extui %lt3A_787 : i1 to i32
      %cond3A_789 = arith.constant 0 : i32
      %cond3A_790 = arith.cmpi ne, %convert_element_type3A_788, %cond3A_789 : i32
      scf.if %cond3A_790 {
        %add3A_951 = arith.constant 2 : i32
        %add3A_952 = arith.addi %add3A_768, %add3A_951 : i32
        %add3A_953 = arith.addi %mul3A_34, %add3A_952 : i32
        %mul3A_954 = arith.constant 8 : i32
        %mul3A_955 = arith.muli %add3A_953, %mul3A_954 : i32
        %dma_start3A_956 = arith.constant 0 : i32
        %dma_start3A_957 = tpu.memref_slice %arg3[%mul3A_955, %dma_start3A_956] : memref<512x512xi32, #tpu.memory_space<hbm>> -> memref<8x512xi32, #tpu.memory_space<hbm>>
        %dma_start3A_958 = arith.constant 0 : i32
        %dma_start3A_959 = tpu.memref_slice %arg3[%mul3A_955, %dma_start3A_958] : memref<512x512xi32, #tpu.memory_space<hbm>> -> memref<8x512xi32, #tpu.memory_space<hbm>>
        tpu.enqueue_dma source(%dma_start3A_959 : memref<8x512xi32, #tpu.memory_space<hbm>>) target(%arg7 : memref<8x512xi32, #tpu.memory_space<vmem>>) target_semaphore(%arg11 : memref<!tpu.dma_semaphore, #tpu.memory_space<semaphore_mem>>)
      } else {
      }
      %add3A_791 = arith.constant 0 : i32
      %add3A_792 = arith.addi %mul3A_32, %add3A_791 : i32
      %add3A_793 = arith.addi %mul3A_34, %add3A_768 : i32
      %mul3A_794 = arith.constant 8 : i32
      %mul3A_795 = arith.muli %add3A_793, %mul3A_794 : i32
      %dma_start3A_796 = arith.constant 0 : i32
      %dma_start3A_797 = arith.constant 0 : i32
      %dma_start3A_798 = arith.constant 0 : i32
      %dma_start3A_799 = tpu.memref_slice %arg9[%dma_start3A_796, %dma_start3A_797, %dma_start3A_798] : memref<8x8x512xf32, #tpu.memory_space<vmem>> -> memref<1x8x512xf32, #tpu.memory_space<vmem>>
      %dma_start3A_800 = tpu.memref_squeeze %dma_start3A_799 : memref<1x8x512xf32, #tpu.memory_space<vmem>> -> memref<8x512xf32, #tpu.memory_space<vmem>>
      %dma_start3A_801 = arith.constant 0 : i32
      %dma_start3A_802 = tpu.memref_slice %arg4[%add3A_792, %mul3A_795, %dma_start3A_801] : memref<64x512x512xf32, #tpu.memory_space<hbm>> -> memref<1x8x512xf32, #tpu.memory_space<hbm>>
      %dma_start3A_803 = tpu.memref_squeeze %dma_start3A_802 : memref<1x8x512xf32, #tpu.memory_space<hbm>> -> memref<8x512xf32, #tpu.memory_space<hbm>>
      %dma_start3A_804 = arith.constant 0 : i32
      %dma_start3A_805 = tpu.memref_slice %arg4[%add3A_792, %mul3A_795, %dma_start3A_804] : memref<64x512x512xf32, #tpu.memory_space<hbm>> -> memref<1x8x512xf32, #tpu.memory_space<hbm>>
      %dma_start3A_806 = tpu.memref_squeeze %dma_start3A_805 : memref<1x8x512xf32, #tpu.memory_space<hbm>> -> memref<8x512xf32, #tpu.memory_space<hbm>>
      %dma_start3A_807 = arith.constant 0 : i32
      %dma_start3A_808 = arith.constant 0 : i32
      %dma_start3A_809 = tpu.memref_slice %arg9[%dma_start3A_796, %dma_start3A_807, %dma_start3A_808] : memref<8x8x512xf32, #tpu.memory_space<vmem>> -> memref<1x8x512xf32, #tpu.memory_space<vmem>>
      %dma_start3A_810 = tpu.memref_squeeze %dma_start3A_809 : memref<1x8x512xf32, #tpu.memory_space<vmem>> -> memref<8x512xf32, #tpu.memory_space<vmem>>
      tpu.enqueue_dma source(%dma_start3A_810 : memref<8x512xf32, #tpu.memory_space<vmem>>) target(%dma_start3A_806 : memref<8x512xf32, #tpu.memory_space<hbm>>) target_semaphore(%arg13 : memref<!tpu.dma_semaphore, #tpu.memory_space<semaphore_mem>>)
      %add3A_811 = arith.constant 1 : i32
      %add3A_812 = arith.addi %mul3A_32, %add3A_811 : i32
      %add3A_813 = arith.addi %mul3A_34, %add3A_768 : i32
      %mul3A_814 = arith.constant 8 : i32
      %mul3A_815 = arith.muli %add3A_813, %mul3A_814 : i32
      %dma_start3A_816 = arith.constant 1 : i32
      %dma_start3A_817 = arith.constant 0 : i32
      %dma_start3A_818 = arith.constant 0 : i32
      %dma_start3A_819 = tpu.memref_slice %arg9[%dma_start3A_816, %dma_start3A_817, %dma_start3A_818] : memref<8x8x512xf32, #tpu.memory_space<vmem>> -> memref<1x8x512xf32, #tpu.memory_space<vmem>>
      %dma_start3A_820 = tpu.memref_squeeze %dma_start3A_819 : memref<1x8x512xf32, #tpu.memory_space<vmem>> -> memref<8x512xf32, #tpu.memory_space<vmem>>
      %dma_start3A_821 = arith.constant 0 : i32
      %dma_start3A_822 = tpu.memref_slice %arg4[%add3A_812, %mul3A_815, %dma_start3A_821] : memref<64x512x512xf32, #tpu.memory_space<hbm>> -> memref<1x8x512xf32, #tpu.memory_space<hbm>>
      %dma_start3A_823 = tpu.memref_squeeze %dma_start3A_822 : memref<1x8x512xf32, #tpu.memory_space<hbm>> -> memref<8x512xf32, #tpu.memory_space<hbm>>
      %dma_start3A_824 = arith.constant 0 : i32
      %dma_start3A_825 = tpu.memref_slice %arg4[%add3A_812, %mul3A_815, %dma_start3A_824] : memref<64x512x512xf32, #tpu.memory_space<hbm>> -> memref<1x8x512xf32, #tpu.memory_space<hbm>>
      %dma_start3A_826 = tpu.memref_squeeze %dma_start3A_825 : memref<1x8x512xf32, #tpu.memory_space<hbm>> -> memref<8x512xf32, #tpu.memory_space<hbm>>
      %dma_start3A_827 = arith.constant 0 : i32
      %dma_start3A_828 = arith.constant 0 : i32
      %dma_start3A_829 = tpu.memref_slice %arg9[%dma_start3A_816, %dma_start3A_827, %dma_start3A_828] : memref<8x8x512xf32, #tpu.memory_space<vmem>> -> memref<1x8x512xf32, #tpu.memory_space<vmem>>
      %dma_start3A_830 = tpu.memref_squeeze %dma_start3A_829 : memref<1x8x512xf32, #tpu.memory_space<vmem>> -> memref<8x512xf32, #tpu.memory_space<vmem>>
      tpu.enqueue_dma source(%dma_start3A_830 : memref<8x512xf32, #tpu.memory_space<vmem>>) target(%dma_start3A_826 : memref<8x512xf32, #tpu.memory_space<hbm>>) target_semaphore(%arg13 : memref<!tpu.dma_semaphore, #tpu.memory_space<semaphore_mem>>)
      %add3A_831 = arith.constant 2 : i32
      %add3A_832 = arith.addi %mul3A_32, %add3A_831 : i32
      %add3A_833 = arith.addi %mul3A_34, %add3A_768 : i32
      %mul3A_834 = arith.constant 8 : i32
      %mul3A_835 = arith.muli %add3A_833, %mul3A_834 : i32
      %dma_start3A_836 = arith.constant 2 : i32
      %dma_start3A_837 = arith.constant 0 : i32
      %dma_start3A_838 = arith.constant 0 : i32
      %dma_start3A_839 = tpu.memref_slice %arg9[%dma_start3A_836, %dma_start3A_837, %dma_start3A_838] : memref<8x8x512xf32, #tpu.memory_space<vmem>> -> memref<1x8x512xf32, #tpu.memory_space<vmem>>
      %dma_start3A_840 = tpu.memref_squeeze %dma_start3A_839 : memref<1x8x512xf32, #tpu.memory_space<vmem>> -> memref<8x512xf32, #tpu.memory_space<vmem>>
      %dma_start3A_841 = arith.constant 0 : i32
      %dma_start3A_842 = tpu.memref_slice %arg4[%add3A_832, %mul3A_835, %dma_start3A_841] : memref<64x512x512xf32, #tpu.memory_space<hbm>> -> memref<1x8x512xf32, #tpu.memory_space<hbm>>
      %dma_start3A_843 = tpu.memref_squeeze %dma_start3A_842 : memref<1x8x512xf32, #tpu.memory_space<hbm>> -> memref<8x512xf32, #tpu.memory_space<hbm>>
      %dma_start3A_844 = arith.constant 0 : i32
      %dma_start3A_845 = tpu.memref_slice %arg4[%add3A_832, %mul3A_835, %dma_start3A_844] : memref<64x512x512xf32, #tpu.memory_space<hbm>> -> memref<1x8x512xf32, #tpu.memory_space<hbm>>
      %dma_start3A_846 = tpu.memref_squeeze %dma_start3A_845 : memref<1x8x512xf32, #tpu.memory_space<hbm>> -> memref<8x512xf32, #tpu.memory_space<hbm>>
      %dma_start3A_847 = arith.constant 0 : i32
      %dma_start3A_848 = arith.constant 0 : i32
      %dma_start3A_849 = tpu.memref_slice %arg9[%dma_start3A_836, %dma_start3A_847, %dma_start3A_848] : memref<8x8x512xf32, #tpu.memory_space<vmem>> -> memref<1x8x512xf32, #tpu.memory_space<vmem>>
      %dma_start3A_850 = tpu.memref_squeeze %dma_start3A_849 : memref<1x8x512xf32, #tpu.memory_space<vmem>> -> memref<8x512xf32, #tpu.memory_space<vmem>>
      tpu.enqueue_dma source(%dma_start3A_850 : memref<8x512xf32, #tpu.memory_space<vmem>>) target(%dma_start3A_846 : memref<8x512xf32, #tpu.memory_space<hbm>>) target_semaphore(%arg13 : memref<!tpu.dma_semaphore, #tpu.memory_space<semaphore_mem>>)
      %add3A_851 = arith.constant 3 : i32
      %add3A_852 = arith.addi %mul3A_32, %add3A_851 : i32
      %add3A_853 = arith.addi %mul3A_34, %add3A_768 : i32
      %mul3A_854 = arith.constant 8 : i32
      %mul3A_855 = arith.muli %add3A_853, %mul3A_854 : i32
      %dma_start3A_856 = arith.constant 3 : i32
      %dma_start3A_857 = arith.constant 0 : i32
      %dma_start3A_858 = arith.constant 0 : i32
      %dma_start3A_859 = tpu.memref_slice %arg9[%dma_start3A_856, %dma_start3A_857, %dma_start3A_858] : memref<8x8x512xf32, #tpu.memory_space<vmem>> -> memref<1x8x512xf32, #tpu.memory_space<vmem>>
      %dma_start3A_860 = tpu.memref_squeeze %dma_start3A_859 : memref<1x8x512xf32, #tpu.memory_space<vmem>> -> memref<8x512xf32, #tpu.memory_space<vmem>>
      %dma_start3A_861 = arith.constant 0 : i32
      %dma_start3A_862 = tpu.memref_slice %arg4[%add3A_852, %mul3A_855, %dma_start3A_861] : memref<64x512x512xf32, #tpu.memory_space<hbm>> -> memref<1x8x512xf32, #tpu.memory_space<hbm>>
      %dma_start3A_863 = tpu.memref_squeeze %dma_start3A_862 : memref<1x8x512xf32, #tpu.memory_space<hbm>> -> memref<8x512xf32, #tpu.memory_space<hbm>>
      %dma_start3A_864 = arith.constant 0 : i32
      %dma_start3A_865 = tpu.memref_slice %arg4[%add3A_852, %mul3A_855, %dma_start3A_864] : memref<64x512x512xf32, #tpu.memory_space<hbm>> -> memref<1x8x512xf32, #tpu.memory_space<hbm>>
      %dma_start3A_866 = tpu.memref_squeeze %dma_start3A_865 : memref<1x8x512xf32, #tpu.memory_space<hbm>> -> memref<8x512xf32, #tpu.memory_space<hbm>>
      %dma_start3A_867 = arith.constant 0 : i32
      %dma_start3A_868 = arith.constant 0 : i32
      %dma_start3A_869 = tpu.memref_slice %arg9[%dma_start3A_856, %dma_start3A_867, %dma_start3A_868] : memref<8x8x512xf32, #tpu.memory_space<vmem>> -> memref<1x8x512xf32, #tpu.memory_space<vmem>>
      %dma_start3A_870 = tpu.memref_squeeze %dma_start3A_869 : memref<1x8x512xf32, #tpu.memory_space<vmem>> -> memref<8x512xf32, #tpu.memory_space<vmem>>
      tpu.enqueue_dma source(%dma_start3A_870 : memref<8x512xf32, #tpu.memory_space<vmem>>) target(%dma_start3A_866 : memref<8x512xf32, #tpu.memory_space<hbm>>) target_semaphore(%arg13 : memref<!tpu.dma_semaphore, #tpu.memory_space<semaphore_mem>>)
      %add3A_871 = arith.constant 4 : i32
      %add3A_872 = arith.addi %mul3A_32, %add3A_871 : i32
      %add3A_873 = arith.addi %mul3A_34, %add3A_768 : i32
      %mul3A_874 = arith.constant 8 : i32
      %mul3A_875 = arith.muli %add3A_873, %mul3A_874 : i32
      %dma_start3A_876 = arith.constant 4 : i32
      %dma_start3A_877 = arith.constant 0 : i32
      %dma_start3A_878 = arith.constant 0 : i32
      %dma_start3A_879 = tpu.memref_slice %arg9[%dma_start3A_876, %dma_start3A_877, %dma_start3A_878] : memref<8x8x512xf32, #tpu.memory_space<vmem>> -> memref<1x8x512xf32, #tpu.memory_space<vmem>>
      %dma_start3A_880 = tpu.memref_squeeze %dma_start3A_879 : memref<1x8x512xf32, #tpu.memory_space<vmem>> -> memref<8x512xf32, #tpu.memory_space<vmem>>
      %dma_start3A_881 = arith.constant 0 : i32
      %dma_start3A_882 = tpu.memref_slice %arg4[%add3A_872, %mul3A_875, %dma_start3A_881] : memref<64x512x512xf32, #tpu.memory_space<hbm>> -> memref<1x8x512xf32, #tpu.memory_space<hbm>>
      %dma_start3A_883 = tpu.memref_squeeze %dma_start3A_882 : memref<1x8x512xf32, #tpu.memory_space<hbm>> -> memref<8x512xf32, #tpu.memory_space<hbm>>
      %dma_start3A_884 = arith.constant 0 : i32
      %dma_start3A_885 = tpu.memref_slice %arg4[%add3A_872, %mul3A_875, %dma_start3A_884] : memref<64x512x512xf32, #tpu.memory_space<hbm>> -> memref<1x8x512xf32, #tpu.memory_space<hbm>>
      %dma_start3A_886 = tpu.memref_squeeze %dma_start3A_885 : memref<1x8x512xf32, #tpu.memory_space<hbm>> -> memref<8x512xf32, #tpu.memory_space<hbm>>
      %dma_start3A_887 = arith.constant 0 : i32
      %dma_start3A_888 = arith.constant 0 : i32
      %dma_start3A_889 = tpu.memref_slice %arg9[%dma_start3A_876, %dma_start3A_887, %dma_start3A_888] : memref<8x8x512xf32, #tpu.memory_space<vmem>> -> memref<1x8x512xf32, #tpu.memory_space<vmem>>
      %dma_start3A_890 = tpu.memref_squeeze %dma_start3A_889 : memref<1x8x512xf32, #tpu.memory_space<vmem>> -> memref<8x512xf32, #tpu.memory_space<vmem>>
      tpu.enqueue_dma source(%dma_start3A_890 : memref<8x512xf32, #tpu.memory_space<vmem>>) target(%dma_start3A_886 : memref<8x512xf32, #tpu.memory_space<hbm>>) target_semaphore(%arg13 : memref<!tpu.dma_semaphore, #tpu.memory_space<semaphore_mem>>)
      %add3A_891 = arith.constant 5 : i32
      %add3A_892 = arith.addi %mul3A_32, %add3A_891 : i32
      %add3A_893 = arith.addi %mul3A_34, %add3A_768 : i32
      %mul3A_894 = arith.constant 8 : i32
      %mul3A_895 = arith.muli %add3A_893, %mul3A_894 : i32
      %dma_start3A_896 = arith.constant 5 : i32
      %dma_start3A_897 = arith.constant 0 : i32
      %dma_start3A_898 = arith.constant 0 : i32
      %dma_start3A_899 = tpu.memref_slice %arg9[%dma_start3A_896, %dma_start3A_897, %dma_start3A_898] : memref<8x8x512xf32, #tpu.memory_space<vmem>> -> memref<1x8x512xf32, #tpu.memory_space<vmem>>
      %dma_start3A_900 = tpu.memref_squeeze %dma_start3A_899 : memref<1x8x512xf32, #tpu.memory_space<vmem>> -> memref<8x512xf32, #tpu.memory_space<vmem>>
      %dma_start3A_901 = arith.constant 0 : i32
      %dma_start3A_902 = tpu.memref_slice %arg4[%add3A_892, %mul3A_895, %dma_start3A_901] : memref<64x512x512xf32, #tpu.memory_space<hbm>> -> memref<1x8x512xf32, #tpu.memory_space<hbm>>
      %dma_start3A_903 = tpu.memref_squeeze %dma_start3A_902 : memref<1x8x512xf32, #tpu.memory_space<hbm>> -> memref<8x512xf32, #tpu.memory_space<hbm>>
      %dma_start3A_904 = arith.constant 0 : i32
      %dma_start3A_905 = tpu.memref_slice %arg4[%add3A_892, %mul3A_895, %dma_start3A_904] : memref<64x512x512xf32, #tpu.memory_space<hbm>> -> memref<1x8x512xf32, #tpu.memory_space<hbm>>
      %dma_start3A_906 = tpu.memref_squeeze %dma_start3A_905 : memref<1x8x512xf32, #tpu.memory_space<hbm>> -> memref<8x512xf32, #tpu.memory_space<hbm>>
      %dma_start3A_907 = arith.constant 0 : i32
      %dma_start3A_908 = arith.constant 0 : i32
      %dma_start3A_909 = tpu.memref_slice %arg9[%dma_start3A_896, %dma_start3A_907, %dma_start3A_908] : memref<8x8x512xf32, #tpu.memory_space<vmem>> -> memref<1x8x512xf32, #tpu.memory_space<vmem>>
      %dma_start3A_910 = tpu.memref_squeeze %dma_start3A_909 : memref<1x8x512xf32, #tpu.memory_space<vmem>> -> memref<8x512xf32, #tpu.memory_space<vmem>>
      tpu.enqueue_dma source(%dma_start3A_910 : memref<8x512xf32, #tpu.memory_space<vmem>>) target(%dma_start3A_906 : memref<8x512xf32, #tpu.memory_space<hbm>>) target_semaphore(%arg13 : memref<!tpu.dma_semaphore, #tpu.memory_space<semaphore_mem>>)
      %add3A_911 = arith.constant 6 : i32
      %add3A_912 = arith.addi %mul3A_32, %add3A_911 : i32
      %add3A_913 = arith.addi %mul3A_34, %add3A_768 : i32
      %mul3A_914 = arith.constant 8 : i32
      %mul3A_915 = arith.muli %add3A_913, %mul3A_914 : i32
      %dma_start3A_916 = arith.constant 6 : i32
      %dma_start3A_917 = arith.constant 0 : i32
      %dma_start3A_918 = arith.constant 0 : i32
      %dma_start3A_919 = tpu.memref_slice %arg9[%dma_start3A_916, %dma_start3A_917, %dma_start3A_918] : memref<8x8x512xf32, #tpu.memory_space<vmem>> -> memref<1x8x512xf32, #tpu.memory_space<vmem>>
      %dma_start3A_920 = tpu.memref_squeeze %dma_start3A_919 : memref<1x8x512xf32, #tpu.memory_space<vmem>> -> memref<8x512xf32, #tpu.memory_space<vmem>>
      %dma_start3A_921 = arith.constant 0 : i32
      %dma_start3A_922 = tpu.memref_slice %arg4[%add3A_912, %mul3A_915, %dma_start3A_921] : memref<64x512x512xf32, #tpu.memory_space<hbm>> -> memref<1x8x512xf32, #tpu.memory_space<hbm>>
      %dma_start3A_923 = tpu.memref_squeeze %dma_start3A_922 : memref<1x8x512xf32, #tpu.memory_space<hbm>> -> memref<8x512xf32, #tpu.memory_space<hbm>>
      %dma_start3A_924 = arith.constant 0 : i32
      %dma_start3A_925 = tpu.memref_slice %arg4[%add3A_912, %mul3A_915, %dma_start3A_924] : memref<64x512x512xf32, #tpu.memory_space<hbm>> -> memref<1x8x512xf32, #tpu.memory_space<hbm>>
      %dma_start3A_926 = tpu.memref_squeeze %dma_start3A_925 : memref<1x8x512xf32, #tpu.memory_space<hbm>> -> memref<8x512xf32, #tpu.memory_space<hbm>>
      %dma_start3A_927 = arith.constant 0 : i32
      %dma_start3A_928 = arith.constant 0 : i32
      %dma_start3A_929 = tpu.memref_slice %arg9[%dma_start3A_916, %dma_start3A_927, %dma_start3A_928] : memref<8x8x512xf32, #tpu.memory_space<vmem>> -> memref<1x8x512xf32, #tpu.memory_space<vmem>>
      %dma_start3A_930 = tpu.memref_squeeze %dma_start3A_929 : memref<1x8x512xf32, #tpu.memory_space<vmem>> -> memref<8x512xf32, #tpu.memory_space<vmem>>
      tpu.enqueue_dma source(%dma_start3A_930 : memref<8x512xf32, #tpu.memory_space<vmem>>) target(%dma_start3A_926 : memref<8x512xf32, #tpu.memory_space<hbm>>) target_semaphore(%arg13 : memref<!tpu.dma_semaphore, #tpu.memory_space<semaphore_mem>>)
      %add3A_931 = arith.constant 7 : i32
      %add3A_932 = arith.addi %mul3A_32, %add3A_931 : i32
      %add3A_933 = arith.addi %mul3A_34, %add3A_768 : i32
      %mul3A_934 = arith.constant 8 : i32
      %mul3A_935 = arith.muli %add3A_933, %mul3A_934 : i32
      %dma_start3A_936 = arith.constant 7 : i32
      %dma_start3A_937 = arith.constant 0 : i32
      %dma_start3A_938 = arith.constant 0 : i32
      %dma_start3A_939 = tpu.memref_slice %arg9[%dma_start3A_936, %dma_start3A_937, %dma_start3A_938] : memref<8x8x512xf32, #tpu.memory_space<vmem>> -> memref<1x8x512xf32, #tpu.memory_space<vmem>>
      %dma_start3A_940 = tpu.memref_squeeze %dma_start3A_939 : memref<1x8x512xf32, #tpu.memory_space<vmem>> -> memref<8x512xf32, #tpu.memory_space<vmem>>
      %dma_start3A_941 = arith.constant 0 : i32
      %dma_start3A_942 = tpu.memref_slice %arg4[%add3A_932, %mul3A_935, %dma_start3A_941] : memref<64x512x512xf32, #tpu.memory_space<hbm>> -> memref<1x8x512xf32, #tpu.memory_space<hbm>>
      %dma_start3A_943 = tpu.memref_squeeze %dma_start3A_942 : memref<1x8x512xf32, #tpu.memory_space<hbm>> -> memref<8x512xf32, #tpu.memory_space<hbm>>
      %dma_start3A_944 = arith.constant 0 : i32
      %dma_start3A_945 = tpu.memref_slice %arg4[%add3A_932, %mul3A_935, %dma_start3A_944] : memref<64x512x512xf32, #tpu.memory_space<hbm>> -> memref<1x8x512xf32, #tpu.memory_space<hbm>>
      %dma_start3A_946 = tpu.memref_squeeze %dma_start3A_945 : memref<1x8x512xf32, #tpu.memory_space<hbm>> -> memref<8x512xf32, #tpu.memory_space<hbm>>
      %dma_start3A_947 = arith.constant 0 : i32
      %dma_start3A_948 = arith.constant 0 : i32
      %dma_start3A_949 = tpu.memref_slice %arg9[%dma_start3A_936, %dma_start3A_947, %dma_start3A_948] : memref<8x8x512xf32, #tpu.memory_space<vmem>> -> memref<1x8x512xf32, #tpu.memory_space<vmem>>
      %dma_start3A_950 = tpu.memref_squeeze %dma_start3A_949 : memref<1x8x512xf32, #tpu.memory_space<vmem>> -> memref<8x512xf32, #tpu.memory_space<vmem>>
      tpu.enqueue_dma source(%dma_start3A_950 : memref<8x512xf32, #tpu.memory_space<vmem>>) target(%dma_start3A_946 : memref<8x512xf32, #tpu.memory_space<hbm>>) target_semaphore(%arg13 : memref<!tpu.dma_semaphore, #tpu.memory_space<semaphore_mem>>)
    }
    %scan3A_245 = arith.constant 8 : i32
    %add3A_246 = arith.constant 0 : i32
    %add3A_247 = arith.addi %mul3A_32, %add3A_246 : i32
    %add3A_248 = arith.constant 0 : i32
    %add3A_249 = arith.addi %mul3A_34, %add3A_248 : i32
    %mul3A_250 = arith.constant 8 : i32
    %mul3A_251 = arith.muli %add3A_249, %mul3A_250 : i32
    %dma_wait3A_252 = arith.constant 0 : i32
    %dma_wait3A_253 = arith.constant 0 : i32
    %dma_wait3A_254 = arith.constant 0 : i32
    %dma_wait3A_255 = tpu.memref_slice %arg8[%dma_wait3A_252, %dma_wait3A_253, %dma_wait3A_254] : memref<8x8x512xf32, #tpu.memory_space<vmem>> -> memref<1x8x512xf32, #tpu.memory_space<vmem>>
    %dma_wait3A_256 = tpu.memref_squeeze %dma_wait3A_255 : memref<1x8x512xf32, #tpu.memory_space<vmem>> -> memref<8x512xf32, #tpu.memory_space<vmem>>
    %dma_wait3A_257 = arith.constant 0 : i32
    %dma_wait3A_258 = tpu.memref_slice %arg4[%add3A_247, %mul3A_251, %dma_wait3A_257] : memref<64x512x512xf32, #tpu.memory_space<hbm>> -> memref<1x8x512xf32, #tpu.memory_space<hbm>>
    %dma_wait3A_259 = tpu.memref_squeeze %dma_wait3A_258 : memref<1x8x512xf32, #tpu.memory_space<hbm>> -> memref<8x512xf32, #tpu.memory_space<hbm>>
    %dma_wait3A_260 = arith.constant 0 : i32
    %dma_wait3A_261 = tpu.memref_slice %arg4[%add3A_247, %mul3A_251, %dma_wait3A_260] : memref<64x512x512xf32, #tpu.memory_space<hbm>> -> memref<1x8x512xf32, #tpu.memory_space<hbm>>
    %dma_wait3A_262 = tpu.memref_squeeze %dma_wait3A_261 : memref<1x8x512xf32, #tpu.memory_space<hbm>> -> memref<8x512xf32, #tpu.memory_space<hbm>>
    %dma_wait3A_263 = arith.constant 0 : i32
    %dma_wait3A_264 = arith.constant 0 : i32
    %dma_wait3A_265 = tpu.memref_slice %arg8[%dma_wait3A_252, %dma_wait3A_263, %dma_wait3A_264] : memref<8x8x512xf32, #tpu.memory_space<vmem>> -> memref<1x8x512xf32, #tpu.memory_space<vmem>>
    %dma_wait3A_266 = tpu.memref_squeeze %dma_wait3A_265 : memref<1x8x512xf32, #tpu.memory_space<vmem>> -> memref<8x512xf32, #tpu.memory_space<vmem>>
    tpu.wait_dma2 semaphore(%arg12 : memref<!tpu.dma_semaphore, #tpu.memory_space<semaphore_mem>>) src(%dma_wait3A_266 : memref<8x512xf32, #tpu.memory_space<vmem>>) dst(%dma_wait3A_262 : memref<8x512xf32, #tpu.memory_space<hbm>>)
    %add3A_267 = arith.constant 1 : i32
    %add3A_268 = arith.addi %mul3A_32, %add3A_267 : i32
    %add3A_269 = arith.constant 0 : i32
    %add3A_270 = arith.addi %mul3A_34, %add3A_269 : i32
    %mul3A_271 = arith.constant 8 : i32
    %mul3A_272 = arith.muli %add3A_270, %mul3A_271 : i32
    %dma_wait3A_273 = arith.constant 1 : i32
    %dma_wait3A_274 = arith.constant 0 : i32
    %dma_wait3A_275 = arith.constant 0 : i32
    %dma_wait3A_276 = tpu.memref_slice %arg8[%dma_wait3A_273, %dma_wait3A_274, %dma_wait3A_275] : memref<8x8x512xf32, #tpu.memory_space<vmem>> -> memref<1x8x512xf32, #tpu.memory_space<vmem>>
    %dma_wait3A_277 = tpu.memref_squeeze %dma_wait3A_276 : memref<1x8x512xf32, #tpu.memory_space<vmem>> -> memref<8x512xf32, #tpu.memory_space<vmem>>
    %dma_wait3A_278 = arith.constant 0 : i32
    %dma_wait3A_279 = tpu.memref_slice %arg4[%add3A_268, %mul3A_272, %dma_wait3A_278] : memref<64x512x512xf32, #tpu.memory_space<hbm>> -> memref<1x8x512xf32, #tpu.memory_space<hbm>>
    %dma_wait3A_280 = tpu.memref_squeeze %dma_wait3A_279 : memref<1x8x512xf32, #tpu.memory_space<hbm>> -> memref<8x512xf32, #tpu.memory_space<hbm>>
    %dma_wait3A_281 = arith.constant 0 : i32
    %dma_wait3A_282 = tpu.memref_slice %arg4[%add3A_268, %mul3A_272, %dma_wait3A_281] : memref<64x512x512xf32, #tpu.memory_space<hbm>> -> memref<1x8x512xf32, #tpu.memory_space<hbm>>
    %dma_wait3A_283 = tpu.memref_squeeze %dma_wait3A_282 : memref<1x8x512xf32, #tpu.memory_space<hbm>> -> memref<8x512xf32, #tpu.memory_space<hbm>>
    %dma_wait3A_284 = arith.constant 0 : i32
    %dma_wait3A_285 = arith.constant 0 : i32
    %dma_wait3A_286 = tpu.memref_slice %arg8[%dma_wait3A_273, %dma_wait3A_284, %dma_wait3A_285] : memref<8x8x512xf32, #tpu.memory_space<vmem>> -> memref<1x8x512xf32, #tpu.memory_space<vmem>>
    %dma_wait3A_287 = tpu.memref_squeeze %dma_wait3A_286 : memref<1x8x512xf32, #tpu.memory_space<vmem>> -> memref<8x512xf32, #tpu.memory_space<vmem>>
    tpu.wait_dma2 semaphore(%arg12 : memref<!tpu.dma_semaphore, #tpu.memory_space<semaphore_mem>>) src(%dma_wait3A_287 : memref<8x512xf32, #tpu.memory_space<vmem>>) dst(%dma_wait3A_283 : memref<8x512xf32, #tpu.memory_space<hbm>>)
    %add3A_288 = arith.constant 2 : i32
    %add3A_289 = arith.addi %mul3A_32, %add3A_288 : i32
    %add3A_290 = arith.constant 0 : i32
    %add3A_291 = arith.addi %mul3A_34, %add3A_290 : i32
    %mul3A_292 = arith.constant 8 : i32
    %mul3A_293 = arith.muli %add3A_291, %mul3A_292 : i32
    %dma_wait3A_294 = arith.constant 2 : i32
    %dma_wait3A_295 = arith.constant 0 : i32
    %dma_wait3A_296 = arith.constant 0 : i32
    %dma_wait3A_297 = tpu.memref_slice %arg8[%dma_wait3A_294, %dma_wait3A_295, %dma_wait3A_296] : memref<8x8x512xf32, #tpu.memory_space<vmem>> -> memref<1x8x512xf32, #tpu.memory_space<vmem>>
    %dma_wait3A_298 = tpu.memref_squeeze %dma_wait3A_297 : memref<1x8x512xf32, #tpu.memory_space<vmem>> -> memref<8x512xf32, #tpu.memory_space<vmem>>
    %dma_wait3A_299 = arith.constant 0 : i32
    %dma_wait3A_300 = tpu.memref_slice %arg4[%add3A_289, %mul3A_293, %dma_wait3A_299] : memref<64x512x512xf32, #tpu.memory_space<hbm>> -> memref<1x8x512xf32, #tpu.memory_space<hbm>>
    %dma_wait3A_301 = tpu.memref_squeeze %dma_wait3A_300 : memref<1x8x512xf32, #tpu.memory_space<hbm>> -> memref<8x512xf32, #tpu.memory_space<hbm>>
    %dma_wait3A_302 = arith.constant 0 : i32
    %dma_wait3A_303 = tpu.memref_slice %arg4[%add3A_289, %mul3A_293, %dma_wait3A_302] : memref<64x512x512xf32, #tpu.memory_space<hbm>> -> memref<1x8x512xf32, #tpu.memory_space<hbm>>
    %dma_wait3A_304 = tpu.memref_squeeze %dma_wait3A_303 : memref<1x8x512xf32, #tpu.memory_space<hbm>> -> memref<8x512xf32, #tpu.memory_space<hbm>>
    %dma_wait3A_305 = arith.constant 0 : i32
    %dma_wait3A_306 = arith.constant 0 : i32
    %dma_wait3A_307 = tpu.memref_slice %arg8[%dma_wait3A_294, %dma_wait3A_305, %dma_wait3A_306] : memref<8x8x512xf32, #tpu.memory_space<vmem>> -> memref<1x8x512xf32, #tpu.memory_space<vmem>>
    %dma_wait3A_308 = tpu.memref_squeeze %dma_wait3A_307 : memref<1x8x512xf32, #tpu.memory_space<vmem>> -> memref<8x512xf32, #tpu.memory_space<vmem>>
    tpu.wait_dma2 semaphore(%arg12 : memref<!tpu.dma_semaphore, #tpu.memory_space<semaphore_mem>>) src(%dma_wait3A_308 : memref<8x512xf32, #tpu.memory_space<vmem>>) dst(%dma_wait3A_304 : memref<8x512xf32, #tpu.memory_space<hbm>>)
    %add3A_309 = arith.constant 3 : i32
    %add3A_310 = arith.addi %mul3A_32, %add3A_309 : i32
    %add3A_311 = arith.constant 0 : i32
    %add3A_312 = arith.addi %mul3A_34, %add3A_311 : i32
    %mul3A_313 = arith.constant 8 : i32
    %mul3A_314 = arith.muli %add3A_312, %mul3A_313 : i32
    %dma_wait3A_315 = arith.constant 3 : i32
    %dma_wait3A_316 = arith.constant 0 : i32
    %dma_wait3A_317 = arith.constant 0 : i32
    %dma_wait3A_318 = tpu.memref_slice %arg8[%dma_wait3A_315, %dma_wait3A_316, %dma_wait3A_317] : memref<8x8x512xf32, #tpu.memory_space<vmem>> -> memref<1x8x512xf32, #tpu.memory_space<vmem>>
    %dma_wait3A_319 = tpu.memref_squeeze %dma_wait3A_318 : memref<1x8x512xf32, #tpu.memory_space<vmem>> -> memref<8x512xf32, #tpu.memory_space<vmem>>
    %dma_wait3A_320 = arith.constant 0 : i32
    %dma_wait3A_321 = tpu.memref_slice %arg4[%add3A_310, %mul3A_314, %dma_wait3A_320] : memref<64x512x512xf32, #tpu.memory_space<hbm>> -> memref<1x8x512xf32, #tpu.memory_space<hbm>>
    %dma_wait3A_322 = tpu.memref_squeeze %dma_wait3A_321 : memref<1x8x512xf32, #tpu.memory_space<hbm>> -> memref<8x512xf32, #tpu.memory_space<hbm>>
    %dma_wait3A_323 = arith.constant 0 : i32
    %dma_wait3A_324 = tpu.memref_slice %arg4[%add3A_310, %mul3A_314, %dma_wait3A_323] : memref<64x512x512xf32, #tpu.memory_space<hbm>> -> memref<1x8x512xf32, #tpu.memory_space<hbm>>
    %dma_wait3A_325 = tpu.memref_squeeze %dma_wait3A_324 : memref<1x8x512xf32, #tpu.memory_space<hbm>> -> memref<8x512xf32, #tpu.memory_space<hbm>>
    %dma_wait3A_326 = arith.constant 0 : i32
    %dma_wait3A_327 = arith.constant 0 : i32
    %dma_wait3A_328 = tpu.memref_slice %arg8[%dma_wait3A_315, %dma_wait3A_326, %dma_wait3A_327] : memref<8x8x512xf32, #tpu.memory_space<vmem>> -> memref<1x8x512xf32, #tpu.memory_space<vmem>>
    %dma_wait3A_329 = tpu.memref_squeeze %dma_wait3A_328 : memref<1x8x512xf32, #tpu.memory_space<vmem>> -> memref<8x512xf32, #tpu.memory_space<vmem>>
    tpu.wait_dma2 semaphore(%arg12 : memref<!tpu.dma_semaphore, #tpu.memory_space<semaphore_mem>>) src(%dma_wait3A_329 : memref<8x512xf32, #tpu.memory_space<vmem>>) dst(%dma_wait3A_325 : memref<8x512xf32, #tpu.memory_space<hbm>>)
    %add3A_330 = arith.constant 4 : i32
    %add3A_331 = arith.addi %mul3A_32, %add3A_330 : i32
    %add3A_332 = arith.constant 0 : i32
    %add3A_333 = arith.addi %mul3A_34, %add3A_332 : i32
    %mul3A_334 = arith.constant 8 : i32
    %mul3A_335 = arith.muli %add3A_333, %mul3A_334 : i32
    %dma_wait3A_336 = arith.constant 4 : i32
    %dma_wait3A_337 = arith.constant 0 : i32
    %dma_wait3A_338 = arith.constant 0 : i32
    %dma_wait3A_339 = tpu.memref_slice %arg8[%dma_wait3A_336, %dma_wait3A_337, %dma_wait3A_338] : memref<8x8x512xf32, #tpu.memory_space<vmem>> -> memref<1x8x512xf32, #tpu.memory_space<vmem>>
    %dma_wait3A_340 = tpu.memref_squeeze %dma_wait3A_339 : memref<1x8x512xf32, #tpu.memory_space<vmem>> -> memref<8x512xf32, #tpu.memory_space<vmem>>
    %dma_wait3A_341 = arith.constant 0 : i32
    %dma_wait3A_342 = tpu.memref_slice %arg4[%add3A_331, %mul3A_335, %dma_wait3A_341] : memref<64x512x512xf32, #tpu.memory_space<hbm>> -> memref<1x8x512xf32, #tpu.memory_space<hbm>>
    %dma_wait3A_343 = tpu.memref_squeeze %dma_wait3A_342 : memref<1x8x512xf32, #tpu.memory_space<hbm>> -> memref<8x512xf32, #tpu.memory_space<hbm>>
    %dma_wait3A_344 = arith.constant 0 : i32
    %dma_wait3A_345 = tpu.memref_slice %arg4[%add3A_331, %mul3A_335, %dma_wait3A_344] : memref<64x512x512xf32, #tpu.memory_space<hbm>> -> memref<1x8x512xf32, #tpu.memory_space<hbm>>
    %dma_wait3A_346 = tpu.memref_squeeze %dma_wait3A_345 : memref<1x8x512xf32, #tpu.memory_space<hbm>> -> memref<8x512xf32, #tpu.memory_space<hbm>>
    %dma_wait3A_347 = arith.constant 0 : i32
    %dma_wait3A_348 = arith.constant 0 : i32
    %dma_wait3A_349 = tpu.memref_slice %arg8[%dma_wait3A_336, %dma_wait3A_347, %dma_wait3A_348] : memref<8x8x512xf32, #tpu.memory_space<vmem>> -> memref<1x8x512xf32, #tpu.memory_space<vmem>>
    %dma_wait3A_350 = tpu.memref_squeeze %dma_wait3A_349 : memref<1x8x512xf32, #tpu.memory_space<vmem>> -> memref<8x512xf32, #tpu.memory_space<vmem>>
    tpu.wait_dma2 semaphore(%arg12 : memref<!tpu.dma_semaphore, #tpu.memory_space<semaphore_mem>>) src(%dma_wait3A_350 : memref<8x512xf32, #tpu.memory_space<vmem>>) dst(%dma_wait3A_346 : memref<8x512xf32, #tpu.memory_space<hbm>>)
    %add3A_351 = arith.constant 5 : i32
    %add3A_352 = arith.addi %mul3A_32, %add3A_351 : i32
    %add3A_353 = arith.constant 0 : i32
    %add3A_354 = arith.addi %mul3A_34, %add3A_353 : i32
    %mul3A_355 = arith.constant 8 : i32
    %mul3A_356 = arith.muli %add3A_354, %mul3A_355 : i32
    %dma_wait3A_357 = arith.constant 5 : i32
    %dma_wait3A_358 = arith.constant 0 : i32
    %dma_wait3A_359 = arith.constant 0 : i32
    %dma_wait3A_360 = tpu.memref_slice %arg8[%dma_wait3A_357, %dma_wait3A_358, %dma_wait3A_359] : memref<8x8x512xf32, #tpu.memory_space<vmem>> -> memref<1x8x512xf32, #tpu.memory_space<vmem>>
    %dma_wait3A_361 = tpu.memref_squeeze %dma_wait3A_360 : memref<1x8x512xf32, #tpu.memory_space<vmem>> -> memref<8x512xf32, #tpu.memory_space<vmem>>
    %dma_wait3A_362 = arith.constant 0 : i32
    %dma_wait3A_363 = tpu.memref_slice %arg4[%add3A_352, %mul3A_356, %dma_wait3A_362] : memref<64x512x512xf32, #tpu.memory_space<hbm>> -> memref<1x8x512xf32, #tpu.memory_space<hbm>>
    %dma_wait3A_364 = tpu.memref_squeeze %dma_wait3A_363 : memref<1x8x512xf32, #tpu.memory_space<hbm>> -> memref<8x512xf32, #tpu.memory_space<hbm>>
    %dma_wait3A_365 = arith.constant 0 : i32
    %dma_wait3A_366 = tpu.memref_slice %arg4[%add3A_352, %mul3A_356, %dma_wait3A_365] : memref<64x512x512xf32, #tpu.memory_space<hbm>> -> memref<1x8x512xf32, #tpu.memory_space<hbm>>
    %dma_wait3A_367 = tpu.memref_squeeze %dma_wait3A_366 : memref<1x8x512xf32, #tpu.memory_space<hbm>> -> memref<8x512xf32, #tpu.memory_space<hbm>>
    %dma_wait3A_368 = arith.constant 0 : i32
    %dma_wait3A_369 = arith.constant 0 : i32
    %dma_wait3A_370 = tpu.memref_slice %arg8[%dma_wait3A_357, %dma_wait3A_368, %dma_wait3A_369] : memref<8x8x512xf32, #tpu.memory_space<vmem>> -> memref<1x8x512xf32, #tpu.memory_space<vmem>>
    %dma_wait3A_371 = tpu.memref_squeeze %dma_wait3A_370 : memref<1x8x512xf32, #tpu.memory_space<vmem>> -> memref<8x512xf32, #tpu.memory_space<vmem>>
    tpu.wait_dma2 semaphore(%arg12 : memref<!tpu.dma_semaphore, #tpu.memory_space<semaphore_mem>>) src(%dma_wait3A_371 : memref<8x512xf32, #tpu.memory_space<vmem>>) dst(%dma_wait3A_367 : memref<8x512xf32, #tpu.memory_space<hbm>>)
    %add3A_372 = arith.constant 6 : i32
    %add3A_373 = arith.addi %mul3A_32, %add3A_372 : i32
    %add3A_374 = arith.constant 0 : i32
    %add3A_375 = arith.addi %mul3A_34, %add3A_374 : i32
    %mul3A_376 = arith.constant 8 : i32
    %mul3A_377 = arith.muli %add3A_375, %mul3A_376 : i32
    %dma_wait3A_378 = arith.constant 6 : i32
    %dma_wait3A_379 = arith.constant 0 : i32
    %dma_wait3A_380 = arith.constant 0 : i32
    %dma_wait3A_381 = tpu.memref_slice %arg8[%dma_wait3A_378, %dma_wait3A_379, %dma_wait3A_380] : memref<8x8x512xf32, #tpu.memory_space<vmem>> -> memref<1x8x512xf32, #tpu.memory_space<vmem>>
    %dma_wait3A_382 = tpu.memref_squeeze %dma_wait3A_381 : memref<1x8x512xf32, #tpu.memory_space<vmem>> -> memref<8x512xf32, #tpu.memory_space<vmem>>
    %dma_wait3A_383 = arith.constant 0 : i32
    %dma_wait3A_384 = tpu.memref_slice %arg4[%add3A_373, %mul3A_377, %dma_wait3A_383] : memref<64x512x512xf32, #tpu.memory_space<hbm>> -> memref<1x8x512xf32, #tpu.memory_space<hbm>>
    %dma_wait3A_385 = tpu.memref_squeeze %dma_wait3A_384 : memref<1x8x512xf32, #tpu.memory_space<hbm>> -> memref<8x512xf32, #tpu.memory_space<hbm>>
    %dma_wait3A_386 = arith.constant 0 : i32
    %dma_wait3A_387 = tpu.memref_slice %arg4[%add3A_373, %mul3A_377, %dma_wait3A_386] : memref<64x512x512xf32, #tpu.memory_space<hbm>> -> memref<1x8x512xf32, #tpu.memory_space<hbm>>
    %dma_wait3A_388 = tpu.memref_squeeze %dma_wait3A_387 : memref<1x8x512xf32, #tpu.memory_space<hbm>> -> memref<8x512xf32, #tpu.memory_space<hbm>>
    %dma_wait3A_389 = arith.constant 0 : i32
    %dma_wait3A_390 = arith.constant 0 : i32
    %dma_wait3A_391 = tpu.memref_slice %arg8[%dma_wait3A_378, %dma_wait3A_389, %dma_wait3A_390] : memref<8x8x512xf32, #tpu.memory_space<vmem>> -> memref<1x8x512xf32, #tpu.memory_space<vmem>>
    %dma_wait3A_392 = tpu.memref_squeeze %dma_wait3A_391 : memref<1x8x512xf32, #tpu.memory_space<vmem>> -> memref<8x512xf32, #tpu.memory_space<vmem>>
    tpu.wait_dma2 semaphore(%arg12 : memref<!tpu.dma_semaphore, #tpu.memory_space<semaphore_mem>>) src(%dma_wait3A_392 : memref<8x512xf32, #tpu.memory_space<vmem>>) dst(%dma_wait3A_388 : memref<8x512xf32, #tpu.memory_space<hbm>>)
    %add3A_393 = arith.constant 7 : i32
    %add3A_394 = arith.addi %mul3A_32, %add3A_393 : i32
    %add3A_395 = arith.constant 0 : i32
    %add3A_396 = arith.addi %mul3A_34, %add3A_395 : i32
    %mul3A_397 = arith.constant 8 : i32
    %mul3A_398 = arith.muli %add3A_396, %mul3A_397 : i32
    %dma_wait3A_399 = arith.constant 7 : i32
    %dma_wait3A_400 = arith.constant 0 : i32
    %dma_wait3A_401 = arith.constant 0 : i32
    %dma_wait3A_402 = tpu.memref_slice %arg8[%dma_wait3A_399, %dma_wait3A_400, %dma_wait3A_401] : memref<8x8x512xf32, #tpu.memory_space<vmem>> -> memref<1x8x512xf32, #tpu.memory_space<vmem>>
    %dma_wait3A_403 = tpu.memref_squeeze %dma_wait3A_402 : memref<1x8x512xf32, #tpu.memory_space<vmem>> -> memref<8x512xf32, #tpu.memory_space<vmem>>
    %dma_wait3A_404 = arith.constant 0 : i32
    %dma_wait3A_405 = tpu.memref_slice %arg4[%add3A_394, %mul3A_398, %dma_wait3A_404] : memref<64x512x512xf32, #tpu.memory_space<hbm>> -> memref<1x8x512xf32, #tpu.memory_space<hbm>>
    %dma_wait3A_406 = tpu.memref_squeeze %dma_wait3A_405 : memref<1x8x512xf32, #tpu.memory_space<hbm>> -> memref<8x512xf32, #tpu.memory_space<hbm>>
    %dma_wait3A_407 = arith.constant 0 : i32
    %dma_wait3A_408 = tpu.memref_slice %arg4[%add3A_394, %mul3A_398, %dma_wait3A_407] : memref<64x512x512xf32, #tpu.memory_space<hbm>> -> memref<1x8x512xf32, #tpu.memory_space<hbm>>
    %dma_wait3A_409 = tpu.memref_squeeze %dma_wait3A_408 : memref<1x8x512xf32, #tpu.memory_space<hbm>> -> memref<8x512xf32, #tpu.memory_space<hbm>>
    %dma_wait3A_410 = arith.constant 0 : i32
    %dma_wait3A_411 = arith.constant 0 : i32
    %dma_wait3A_412 = tpu.memref_slice %arg8[%dma_wait3A_399, %dma_wait3A_410, %dma_wait3A_411] : memref<8x8x512xf32, #tpu.memory_space<vmem>> -> memref<1x8x512xf32, #tpu.memory_space<vmem>>
    %dma_wait3A_413 = tpu.memref_squeeze %dma_wait3A_412 : memref<1x8x512xf32, #tpu.memory_space<vmem>> -> memref<8x512xf32, #tpu.memory_space<vmem>>
    tpu.wait_dma2 semaphore(%arg12 : memref<!tpu.dma_semaphore, #tpu.memory_space<semaphore_mem>>) src(%dma_wait3A_413 : memref<8x512xf32, #tpu.memory_space<vmem>>) dst(%dma_wait3A_409 : memref<8x512xf32, #tpu.memory_space<hbm>>)
    %add3A_414 = arith.constant 0 : i32
    %add3A_415 = arith.addi %mul3A_32, %add3A_414 : i32
    %add3A_416 = arith.constant 0 : i32
    %add3A_417 = arith.addi %mul3A_34, %add3A_416 : i32
    %mul3A_418 = arith.constant 8 : i32
    %mul3A_419 = arith.muli %add3A_417, %mul3A_418 : i32
    %dma_wait3A_420 = arith.constant 0 : i32
    %dma_wait3A_421 = arith.constant 0 : i32
    %dma_wait3A_422 = arith.constant 0 : i32
    %dma_wait3A_423 = tpu.memref_slice %arg9[%dma_wait3A_420, %dma_wait3A_421, %dma_wait3A_422] : memref<8x8x512xf32, #tpu.memory_space<vmem>> -> memref<1x8x512xf32, #tpu.memory_space<vmem>>
    %dma_wait3A_424 = tpu.memref_squeeze %dma_wait3A_423 : memref<1x8x512xf32, #tpu.memory_space<vmem>> -> memref<8x512xf32, #tpu.memory_space<vmem>>
    %dma_wait3A_425 = arith.constant 0 : i32
    %dma_wait3A_426 = tpu.memref_slice %arg4[%add3A_415, %mul3A_419, %dma_wait3A_425] : memref<64x512x512xf32, #tpu.memory_space<hbm>> -> memref<1x8x512xf32, #tpu.memory_space<hbm>>
    %dma_wait3A_427 = tpu.memref_squeeze %dma_wait3A_426 : memref<1x8x512xf32, #tpu.memory_space<hbm>> -> memref<8x512xf32, #tpu.memory_space<hbm>>
    %dma_wait3A_428 = arith.constant 0 : i32
    %dma_wait3A_429 = tpu.memref_slice %arg4[%add3A_415, %mul3A_419, %dma_wait3A_428] : memref<64x512x512xf32, #tpu.memory_space<hbm>> -> memref<1x8x512xf32, #tpu.memory_space<hbm>>
    %dma_wait3A_430 = tpu.memref_squeeze %dma_wait3A_429 : memref<1x8x512xf32, #tpu.memory_space<hbm>> -> memref<8x512xf32, #tpu.memory_space<hbm>>
    %dma_wait3A_431 = arith.constant 0 : i32
    %dma_wait3A_432 = arith.constant 0 : i32
    %dma_wait3A_433 = tpu.memref_slice %arg9[%dma_wait3A_420, %dma_wait3A_431, %dma_wait3A_432] : memref<8x8x512xf32, #tpu.memory_space<vmem>> -> memref<1x8x512xf32, #tpu.memory_space<vmem>>
    %dma_wait3A_434 = tpu.memref_squeeze %dma_wait3A_433 : memref<1x8x512xf32, #tpu.memory_space<vmem>> -> memref<8x512xf32, #tpu.memory_space<vmem>>
    tpu.wait_dma2 semaphore(%arg13 : memref<!tpu.dma_semaphore, #tpu.memory_space<semaphore_mem>>) src(%dma_wait3A_434 : memref<8x512xf32, #tpu.memory_space<vmem>>) dst(%dma_wait3A_430 : memref<8x512xf32, #tpu.memory_space<hbm>>)
    %add3A_435 = arith.constant 1 : i32
    %add3A_436 = arith.addi %mul3A_32, %add3A_435 : i32
    %add3A_437 = arith.constant 0 : i32
    %add3A_438 = arith.addi %mul3A_34, %add3A_437 : i32
    %mul3A_439 = arith.constant 8 : i32
    %mul3A_440 = arith.muli %add3A_438, %mul3A_439 : i32
    %dma_wait3A_441 = arith.constant 1 : i32
    %dma_wait3A_442 = arith.constant 0 : i32
    %dma_wait3A_443 = arith.constant 0 : i32
    %dma_wait3A_444 = tpu.memref_slice %arg9[%dma_wait3A_441, %dma_wait3A_442, %dma_wait3A_443] : memref<8x8x512xf32, #tpu.memory_space<vmem>> -> memref<1x8x512xf32, #tpu.memory_space<vmem>>
    %dma_wait3A_445 = tpu.memref_squeeze %dma_wait3A_444 : memref<1x8x512xf32, #tpu.memory_space<vmem>> -> memref<8x512xf32, #tpu.memory_space<vmem>>
    %dma_wait3A_446 = arith.constant 0 : i32
    %dma_wait3A_447 = tpu.memref_slice %arg4[%add3A_436, %mul3A_440, %dma_wait3A_446] : memref<64x512x512xf32, #tpu.memory_space<hbm>> -> memref<1x8x512xf32, #tpu.memory_space<hbm>>
    %dma_wait3A_448 = tpu.memref_squeeze %dma_wait3A_447 : memref<1x8x512xf32, #tpu.memory_space<hbm>> -> memref<8x512xf32, #tpu.memory_space<hbm>>
    %dma_wait3A_449 = arith.constant 0 : i32
    %dma_wait3A_450 = tpu.memref_slice %arg4[%add3A_436, %mul3A_440, %dma_wait3A_449] : memref<64x512x512xf32, #tpu.memory_space<hbm>> -> memref<1x8x512xf32, #tpu.memory_space<hbm>>
    %dma_wait3A_451 = tpu.memref_squeeze %dma_wait3A_450 : memref<1x8x512xf32, #tpu.memory_space<hbm>> -> memref<8x512xf32, #tpu.memory_space<hbm>>
    %dma_wait3A_452 = arith.constant 0 : i32
    %dma_wait3A_453 = arith.constant 0 : i32
    %dma_wait3A_454 = tpu.memref_slice %arg9[%dma_wait3A_441, %dma_wait3A_452, %dma_wait3A_453] : memref<8x8x512xf32, #tpu.memory_space<vmem>> -> memref<1x8x512xf32, #tpu.memory_space<vmem>>
    %dma_wait3A_455 = tpu.memref_squeeze %dma_wait3A_454 : memref<1x8x512xf32, #tpu.memory_space<vmem>> -> memref<8x512xf32, #tpu.memory_space<vmem>>
    tpu.wait_dma2 semaphore(%arg13 : memref<!tpu.dma_semaphore, #tpu.memory_space<semaphore_mem>>) src(%dma_wait3A_455 : memref<8x512xf32, #tpu.memory_space<vmem>>) dst(%dma_wait3A_451 : memref<8x512xf32, #tpu.memory_space<hbm>>)
    %add3A_456 = arith.constant 2 : i32
    %add3A_457 = arith.addi %mul3A_32, %add3A_456 : i32
    %add3A_458 = arith.constant 0 : i32
    %add3A_459 = arith.addi %mul3A_34, %add3A_458 : i32
    %mul3A_460 = arith.constant 8 : i32
    %mul3A_461 = arith.muli %add3A_459, %mul3A_460 : i32
    %dma_wait3A_462 = arith.constant 2 : i32
    %dma_wait3A_463 = arith.constant 0 : i32
    %dma_wait3A_464 = arith.constant 0 : i32
    %dma_wait3A_465 = tpu.memref_slice %arg9[%dma_wait3A_462, %dma_wait3A_463, %dma_wait3A_464] : memref<8x8x512xf32, #tpu.memory_space<vmem>> -> memref<1x8x512xf32, #tpu.memory_space<vmem>>
    %dma_wait3A_466 = tpu.memref_squeeze %dma_wait3A_465 : memref<1x8x512xf32, #tpu.memory_space<vmem>> -> memref<8x512xf32, #tpu.memory_space<vmem>>
    %dma_wait3A_467 = arith.constant 0 : i32
    %dma_wait3A_468 = tpu.memref_slice %arg4[%add3A_457, %mul3A_461, %dma_wait3A_467] : memref<64x512x512xf32, #tpu.memory_space<hbm>> -> memref<1x8x512xf32, #tpu.memory_space<hbm>>
    %dma_wait3A_469 = tpu.memref_squeeze %dma_wait3A_468 : memref<1x8x512xf32, #tpu.memory_space<hbm>> -> memref<8x512xf32, #tpu.memory_space<hbm>>
    %dma_wait3A_470 = arith.constant 0 : i32
    %dma_wait3A_471 = tpu.memref_slice %arg4[%add3A_457, %mul3A_461, %dma_wait3A_470] : memref<64x512x512xf32, #tpu.memory_space<hbm>> -> memref<1x8x512xf32, #tpu.memory_space<hbm>>
    %dma_wait3A_472 = tpu.memref_squeeze %dma_wait3A_471 : memref<1x8x512xf32, #tpu.memory_space<hbm>> -> memref<8x512xf32, #tpu.memory_space<hbm>>
    %dma_wait3A_473 = arith.constant 0 : i32
    %dma_wait3A_474 = arith.constant 0 : i32
    %dma_wait3A_475 = tpu.memref_slice %arg9[%dma_wait3A_462, %dma_wait3A_473, %dma_wait3A_474] : memref<8x8x512xf32, #tpu.memory_space<vmem>> -> memref<1x8x512xf32, #tpu.memory_space<vmem>>
    %dma_wait3A_476 = tpu.memref_squeeze %dma_wait3A_475 : memref<1x8x512xf32, #tpu.memory_space<vmem>> -> memref<8x512xf32, #tpu.memory_space<vmem>>
    tpu.wait_dma2 semaphore(%arg13 : memref<!tpu.dma_semaphore, #tpu.memory_space<semaphore_mem>>) src(%dma_wait3A_476 : memref<8x512xf32, #tpu.memory_space<vmem>>) dst(%dma_wait3A_472 : memref<8x512xf32, #tpu.memory_space<hbm>>)
    %add3A_477 = arith.constant 3 : i32
    %add3A_478 = arith.addi %mul3A_32, %add3A_477 : i32
    %add3A_479 = arith.constant 0 : i32
    %add3A_480 = arith.addi %mul3A_34, %add3A_479 : i32
    %mul3A_481 = arith.constant 8 : i32
    %mul3A_482 = arith.muli %add3A_480, %mul3A_481 : i32
    %dma_wait3A_483 = arith.constant 3 : i32
    %dma_wait3A_484 = arith.constant 0 : i32
    %dma_wait3A_485 = arith.constant 0 : i32
    %dma_wait3A_486 = tpu.memref_slice %arg9[%dma_wait3A_483, %dma_wait3A_484, %dma_wait3A_485] : memref<8x8x512xf32, #tpu.memory_space<vmem>> -> memref<1x8x512xf32, #tpu.memory_space<vmem>>
    %dma_wait3A_487 = tpu.memref_squeeze %dma_wait3A_486 : memref<1x8x512xf32, #tpu.memory_space<vmem>> -> memref<8x512xf32, #tpu.memory_space<vmem>>
    %dma_wait3A_488 = arith.constant 0 : i32
    %dma_wait3A_489 = tpu.memref_slice %arg4[%add3A_478, %mul3A_482, %dma_wait3A_488] : memref<64x512x512xf32, #tpu.memory_space<hbm>> -> memref<1x8x512xf32, #tpu.memory_space<hbm>>
    %dma_wait3A_490 = tpu.memref_squeeze %dma_wait3A_489 : memref<1x8x512xf32, #tpu.memory_space<hbm>> -> memref<8x512xf32, #tpu.memory_space<hbm>>
    %dma_wait3A_491 = arith.constant 0 : i32
    %dma_wait3A_492 = tpu.memref_slice %arg4[%add3A_478, %mul3A_482, %dma_wait3A_491] : memref<64x512x512xf32, #tpu.memory_space<hbm>> -> memref<1x8x512xf32, #tpu.memory_space<hbm>>
    %dma_wait3A_493 = tpu.memref_squeeze %dma_wait3A_492 : memref<1x8x512xf32, #tpu.memory_space<hbm>> -> memref<8x512xf32, #tpu.memory_space<hbm>>
    %dma_wait3A_494 = arith.constant 0 : i32
    %dma_wait3A_495 = arith.constant 0 : i32
    %dma_wait3A_496 = tpu.memref_slice %arg9[%dma_wait3A_483, %dma_wait3A_494, %dma_wait3A_495] : memref<8x8x512xf32, #tpu.memory_space<vmem>> -> memref<1x8x512xf32, #tpu.memory_space<vmem>>
    %dma_wait3A_497 = tpu.memref_squeeze %dma_wait3A_496 : memref<1x8x512xf32, #tpu.memory_space<vmem>> -> memref<8x512xf32, #tpu.memory_space<vmem>>
    tpu.wait_dma2 semaphore(%arg13 : memref<!tpu.dma_semaphore, #tpu.memory_space<semaphore_mem>>) src(%dma_wait3A_497 : memref<8x512xf32, #tpu.memory_space<vmem>>) dst(%dma_wait3A_493 : memref<8x512xf32, #tpu.memory_space<hbm>>)
    %add3A_498 = arith.constant 4 : i32
    %add3A_499 = arith.addi %mul3A_32, %add3A_498 : i32
    %add3A_500 = arith.constant 0 : i32
    %add3A_501 = arith.addi %mul3A_34, %add3A_500 : i32
    %mul3A_502 = arith.constant 8 : i32
    %mul3A_503 = arith.muli %add3A_501, %mul3A_502 : i32
    %dma_wait3A_504 = arith.constant 4 : i32
    %dma_wait3A_505 = arith.constant 0 : i32
    %dma_wait3A_506 = arith.constant 0 : i32
    %dma_wait3A_507 = tpu.memref_slice %arg9[%dma_wait3A_504, %dma_wait3A_505, %dma_wait3A_506] : memref<8x8x512xf32, #tpu.memory_space<vmem>> -> memref<1x8x512xf32, #tpu.memory_space<vmem>>
    %dma_wait3A_508 = tpu.memref_squeeze %dma_wait3A_507 : memref<1x8x512xf32, #tpu.memory_space<vmem>> -> memref<8x512xf32, #tpu.memory_space<vmem>>
    %dma_wait3A_509 = arith.constant 0 : i32
    %dma_wait3A_510 = tpu.memref_slice %arg4[%add3A_499, %mul3A_503, %dma_wait3A_509] : memref<64x512x512xf32, #tpu.memory_space<hbm>> -> memref<1x8x512xf32, #tpu.memory_space<hbm>>
    %dma_wait3A_511 = tpu.memref_squeeze %dma_wait3A_510 : memref<1x8x512xf32, #tpu.memory_space<hbm>> -> memref<8x512xf32, #tpu.memory_space<hbm>>
    %dma_wait3A_512 = arith.constant 0 : i32
    %dma_wait3A_513 = tpu.memref_slice %arg4[%add3A_499, %mul3A_503, %dma_wait3A_512] : memref<64x512x512xf32, #tpu.memory_space<hbm>> -> memref<1x8x512xf32, #tpu.memory_space<hbm>>
    %dma_wait3A_514 = tpu.memref_squeeze %dma_wait3A_513 : memref<1x8x512xf32, #tpu.memory_space<hbm>> -> memref<8x512xf32, #tpu.memory_space<hbm>>
    %dma_wait3A_515 = arith.constant 0 : i32
    %dma_wait3A_516 = arith.constant 0 : i32
    %dma_wait3A_517 = tpu.memref_slice %arg9[%dma_wait3A_504, %dma_wait3A_515, %dma_wait3A_516] : memref<8x8x512xf32, #tpu.memory_space<vmem>> -> memref<1x8x512xf32, #tpu.memory_space<vmem>>
    %dma_wait3A_518 = tpu.memref_squeeze %dma_wait3A_517 : memref<1x8x512xf32, #tpu.memory_space<vmem>> -> memref<8x512xf32, #tpu.memory_space<vmem>>
    tpu.wait_dma2 semaphore(%arg13 : memref<!tpu.dma_semaphore, #tpu.memory_space<semaphore_mem>>) src(%dma_wait3A_518 : memref<8x512xf32, #tpu.memory_space<vmem>>) dst(%dma_wait3A_514 : memref<8x512xf32, #tpu.memory_space<hbm>>)
    %add3A_519 = arith.constant 5 : i32
    %add3A_520 = arith.addi %mul3A_32, %add3A_519 : i32
    %add3A_521 = arith.constant 0 : i32
    %add3A_522 = arith.addi %mul3A_34, %add3A_521 : i32
    %mul3A_523 = arith.constant 8 : i32
    %mul3A_524 = arith.muli %add3A_522, %mul3A_523 : i32
    %dma_wait3A_525 = arith.constant 5 : i32
    %dma_wait3A_526 = arith.constant 0 : i32
    %dma_wait3A_527 = arith.constant 0 : i32
    %dma_wait3A_528 = tpu.memref_slice %arg9[%dma_wait3A_525, %dma_wait3A_526, %dma_wait3A_527] : memref<8x8x512xf32, #tpu.memory_space<vmem>> -> memref<1x8x512xf32, #tpu.memory_space<vmem>>
    %dma_wait3A_529 = tpu.memref_squeeze %dma_wait3A_528 : memref<1x8x512xf32, #tpu.memory_space<vmem>> -> memref<8x512xf32, #tpu.memory_space<vmem>>
    %dma_wait3A_530 = arith.constant 0 : i32
    %dma_wait3A_531 = tpu.memref_slice %arg4[%add3A_520, %mul3A_524, %dma_wait3A_530] : memref<64x512x512xf32, #tpu.memory_space<hbm>> -> memref<1x8x512xf32, #tpu.memory_space<hbm>>
    %dma_wait3A_532 = tpu.memref_squeeze %dma_wait3A_531 : memref<1x8x512xf32, #tpu.memory_space<hbm>> -> memref<8x512xf32, #tpu.memory_space<hbm>>
    %dma_wait3A_533 = arith.constant 0 : i32
    %dma_wait3A_534 = tpu.memref_slice %arg4[%add3A_520, %mul3A_524, %dma_wait3A_533] : memref<64x512x512xf32, #tpu.memory_space<hbm>> -> memref<1x8x512xf32, #tpu.memory_space<hbm>>
    %dma_wait3A_535 = tpu.memref_squeeze %dma_wait3A_534 : memref<1x8x512xf32, #tpu.memory_space<hbm>> -> memref<8x512xf32, #tpu.memory_space<hbm>>
    %dma_wait3A_536 = arith.constant 0 : i32
    %dma_wait3A_537 = arith.constant 0 : i32
    %dma_wait3A_538 = tpu.memref_slice %arg9[%dma_wait3A_525, %dma_wait3A_536, %dma_wait3A_537] : memref<8x8x512xf32, #tpu.memory_space<vmem>> -> memref<1x8x512xf32, #tpu.memory_space<vmem>>
    %dma_wait3A_539 = tpu.memref_squeeze %dma_wait3A_538 : memref<1x8x512xf32, #tpu.memory_space<vmem>> -> memref<8x512xf32, #tpu.memory_space<vmem>>
    tpu.wait_dma2 semaphore(%arg13 : memref<!tpu.dma_semaphore, #tpu.memory_space<semaphore_mem>>) src(%dma_wait3A_539 : memref<8x512xf32, #tpu.memory_space<vmem>>) dst(%dma_wait3A_535 : memref<8x512xf32, #tpu.memory_space<hbm>>)
    %add3A_540 = arith.constant 6 : i32
    %add3A_541 = arith.addi %mul3A_32, %add3A_540 : i32
    %add3A_542 = arith.constant 0 : i32
    %add3A_543 = arith.addi %mul3A_34, %add3A_542 : i32
    %mul3A_544 = arith.constant 8 : i32
    %mul3A_545 = arith.muli %add3A_543, %mul3A_544 : i32
    %dma_wait3A_546 = arith.constant 6 : i32
    %dma_wait3A_547 = arith.constant 0 : i32
    %dma_wait3A_548 = arith.constant 0 : i32
    %dma_wait3A_549 = tpu.memref_slice %arg9[%dma_wait3A_546, %dma_wait3A_547, %dma_wait3A_548] : memref<8x8x512xf32, #tpu.memory_space<vmem>> -> memref<1x8x512xf32, #tpu.memory_space<vmem>>
    %dma_wait3A_550 = tpu.memref_squeeze %dma_wait3A_549 : memref<1x8x512xf32, #tpu.memory_space<vmem>> -> memref<8x512xf32, #tpu.memory_space<vmem>>
    %dma_wait3A_551 = arith.constant 0 : i32
    %dma_wait3A_552 = tpu.memref_slice %arg4[%add3A_541, %mul3A_545, %dma_wait3A_551] : memref<64x512x512xf32, #tpu.memory_space<hbm>> -> memref<1x8x512xf32, #tpu.memory_space<hbm>>
    %dma_wait3A_553 = tpu.memref_squeeze %dma_wait3A_552 : memref<1x8x512xf32, #tpu.memory_space<hbm>> -> memref<8x512xf32, #tpu.memory_space<hbm>>
    %dma_wait3A_554 = arith.constant 0 : i32
    %dma_wait3A_555 = tpu.memref_slice %arg4[%add3A_541, %mul3A_545, %dma_wait3A_554] : memref<64x512x512xf32, #tpu.memory_space<hbm>> -> memref<1x8x512xf32, #tpu.memory_space<hbm>>
    %dma_wait3A_556 = tpu.memref_squeeze %dma_wait3A_555 : memref<1x8x512xf32, #tpu.memory_space<hbm>> -> memref<8x512xf32, #tpu.memory_space<hbm>>
    %dma_wait3A_557 = arith.constant 0 : i32
    %dma_wait3A_558 = arith.constant 0 : i32
    %dma_wait3A_559 = tpu.memref_slice %arg9[%dma_wait3A_546, %dma_wait3A_557, %dma_wait3A_558] : memref<8x8x512xf32, #tpu.memory_space<vmem>> -> memref<1x8x512xf32, #tpu.memory_space<vmem>>
    %dma_wait3A_560 = tpu.memref_squeeze %dma_wait3A_559 : memref<1x8x512xf32, #tpu.memory_space<vmem>> -> memref<8x512xf32, #tpu.memory_space<vmem>>
    tpu.wait_dma2 semaphore(%arg13 : memref<!tpu.dma_semaphore, #tpu.memory_space<semaphore_mem>>) src(%dma_wait3A_560 : memref<8x512xf32, #tpu.memory_space<vmem>>) dst(%dma_wait3A_556 : memref<8x512xf32, #tpu.memory_space<hbm>>)
    %add3A_561 = arith.constant 7 : i32
    %add3A_562 = arith.addi %mul3A_32, %add3A_561 : i32
    %add3A_563 = arith.constant 0 : i32
    %add3A_564 = arith.addi %mul3A_34, %add3A_563 : i32
    %mul3A_565 = arith.constant 8 : i32
    %mul3A_566 = arith.muli %add3A_564, %mul3A_565 : i32
    %dma_wait3A_567 = arith.constant 7 : i32
    %dma_wait3A_568 = arith.constant 0 : i32
    %dma_wait3A_569 = arith.constant 0 : i32
    %dma_wait3A_570 = tpu.memref_slice %arg9[%dma_wait3A_567, %dma_wait3A_568, %dma_wait3A_569] : memref<8x8x512xf32, #tpu.memory_space<vmem>> -> memref<1x8x512xf32, #tpu.memory_space<vmem>>
    %dma_wait3A_571 = tpu.memref_squeeze %dma_wait3A_570 : memref<1x8x512xf32, #tpu.memory_space<vmem>> -> memref<8x512xf32, #tpu.memory_space<vmem>>
    %dma_wait3A_572 = arith.constant 0 : i32
    %dma_wait3A_573 = tpu.memref_slice %arg4[%add3A_562, %mul3A_566, %dma_wait3A_572] : memref<64x512x512xf32, #tpu.memory_space<hbm>> -> memref<1x8x512xf32, #tpu.memory_space<hbm>>
    %dma_wait3A_574 = tpu.memref_squeeze %dma_wait3A_573 : memref<1x8x512xf32, #tpu.memory_space<hbm>> -> memref<8x512xf32, #tpu.memory_space<hbm>>
    %dma_wait3A_575 = arith.constant 0 : i32
    %dma_wait3A_576 = tpu.memref_slice %arg4[%add3A_562, %mul3A_566, %dma_wait3A_575] : memref<64x512x512xf32, #tpu.memory_space<hbm>> -> memref<1x8x512xf32, #tpu.memory_space<hbm>>
    %dma_wait3A_577 = tpu.memref_squeeze %dma_wait3A_576 : memref<1x8x512xf32, #tpu.memory_space<hbm>> -> memref<8x512xf32, #tpu.memory_space<hbm>>
    %dma_wait3A_578 = arith.constant 0 : i32
    %dma_wait3A_579 = arith.constant 0 : i32
    %dma_wait3A_580 = tpu.memref_slice %arg9[%dma_wait3A_567, %dma_wait3A_578, %dma_wait3A_579] : memref<8x8x512xf32, #tpu.memory_space<vmem>> -> memref<1x8x512xf32, #tpu.memory_space<vmem>>
    %dma_wait3A_581 = tpu.memref_squeeze %dma_wait3A_580 : memref<1x8x512xf32, #tpu.memory_space<vmem>> -> memref<8x512xf32, #tpu.memory_space<vmem>>
    tpu.wait_dma2 semaphore(%arg13 : memref<!tpu.dma_semaphore, #tpu.memory_space<semaphore_mem>>) src(%dma_wait3A_581 : memref<8x512xf32, #tpu.memory_space<vmem>>) dst(%dma_wait3A_577 : memref<8x512xf32, #tpu.memory_space<hbm>>)
    return
  }
}

</mosaic_0001>

<sc_bundles>
// kernel: kernel.3.cloned.1.call-start
scs
__scs_entry_jumppad:
0x0: {  	(pc) =	sbr.rel $0x88, $3  }
0x1: {  	(tag) =	ssettag $0x0;
	lr =	simm.s32 $0x1  }
0x2: {  	[smem:$0x3F9F] =	sst lr;
	_ =	strace $0xD0000000  }
0x3: {  	_ = 	snop  }
0x4: {  	_ = 	snop  }
0x5: {  	_ = 	snop  }
0x6: {  	_ = 	snop  }
0x7: {  	_ = 	snop  }
__scs_overlays_trampoline_lowered:
0x8: {  	[smem:$0x3FAE] =	sst s0  }
0x9: {  	[smem:$0x3FAF] =	sst s1  }
0xa: {  	[smem:$0x3FB0] =	sst s2  }
0xb: {  	[smem:$0x3FB1] =	sst s3  }
0xc: {  	[smem:$0x3FB2] =	sst s4  }
0xd: {  	[smem:$0x3FB3] =	sst s5  }
0xe: {  	[smem:$0x3FB4] =	sst s6  }
0xf: {  	[smem:$0x3FB5] =	sst s7  }
0x10: {  	[smem:$0x3FB6] =	sst s8  }
0x11: {  	[smem:$0x3FB7] =	sst s9;
	s0 =	simm.s32 @!p0 $0x0  }
0x12: {  	s1 =	sld [smem:$0x3F9D];
	s0 =	simm.s32 @p0 $0x1  }
0x13: {  	[smem:$0x3FB8] =	sst s0;
	s0 =	simm.s32 @!p1 $0x0  }
0x14: {  	s2 =	sld [smem:$0x3F9C];
	s0 =	simm.s32 @p1 $0x1  }
0x15: {  	[smem:$0x3FB9] =	sst s0;
	s0 =	simm.s32 @!p2 $0x0  }
0x16: {  	s3 =	sld [smem:$0x3FDB];
	s0 =	simm.s32 @p2 $0x1  }
0x17: {  	s4 =	simm.s32 $0x1BF5;
	[smem:$0x3FBB] =	sst s0  }
0x18: {  	s0 =	sld [smem:$0x3F9E];
	_ =	swait.ge [sflag:s4], $0x0  }
0x19: {  	s7 =	sld [smem:$0x3F9F]  }
0x1a: {  	s8 =	sadd.s32 $0xFFFFE003, lr  }
0x1b: {  	s9 =	sadd.s32 $0xFFFFFEF7, lr;
	s5 =	simm.s32 $0xFFFFFFFF;
	p2 =	slt.u32 s8, $0xFFFFF086  }
0x1c: {  	p1 =	slt.u32 s9, $0xF7A;
	s5 =	simm.s32 @!p2 $0x0  }
0x1d: {  	s5 =	simm.s32 @p1 $0x1;
	p0 =	seq.s32 s7, s2  }
0x1e: {  	s7 =	smul.u32 @!p0 $0xF7A, s2;
	p2 =	seq.s32 @!p0 s5, $0x0  }
0x1f: {  	s9 =	smul.u32 $0xF7A, s1;
	s8 =	simm.s32 @!p0 $0x1BF5;
	p2 =	por !p2, p0  }
0x20: {  	[sflag:s8] =	ssyncset.s32 @!p0 $0xFFFFF086;
	s6 =	sadd.s32 @!p0 s3, s7;
	s7 =	simm.s32 @!p0 $0x108  }
0x21: {  	s3 =	sadd.s32 s3, s9;
	s6 =	sadd.s32 @!p0 $0x88, s6;
	s7 =	simm.s32 @p2 $0x1082  }
0x22: {  	[simem:s7], [sflag:s8] =	dma.local @!p0 [hbm:s6], $0xF7A  }
0x23: {  	s9 =	sor.u32 $0xD0000000, s2;
	s6 =	simm.s32 $0x108;
	_ =	swait.ge @!p0 [sflag:s8], $0x0  }
0x24: {  	s3 =	sadd.s32 $0x88, s3;
	s6 =	simm.s32 @!p1 $0x1082;
	[sflag:s4] =	ssyncset.s32 $0xFFFFF086  }
0x25: {  	[simem:s6], [sflag:s4] =	dma.local [hbm:s3], $0xF7A  }
0x26: {  	[smem:$0x3F9F] =	sst s1;
	(tag) =	ssettag s2;
	_ =	strace s9  }
0x27: {  	s1 =	sld [smem:$0x3FAF]  }
0x28: {  	s2 =	sld [smem:$0x3FB0]  }
0x29: {  	s4 =	sld [smem:$0x3FB2]  }
0x2a: {  	p0 =	seq.s32 s5, $0x0;
	s5 =	sld [smem:$0x3FB3]  }
0x2b: {  	s6 =	sld [smem:$0x3FB4]  }
0x2c: {  	s7 =	sld [smem:$0x3FB5]  }
0x2d: {  	s3 =	simm.s32 $0x108;
	s8 =	sld [smem:$0x3FB6]  }
0x2e: {  	s3 =	simm.s32 @!p0 $0x1082;
	s9 =	sld [smem:$0x3FB7]  }
0x2f: {  	lr =	sadd.s32 s0, s3;
	s0 =	sld [smem:$0x3FAE]  }
0x30: {  	s3 =	sld [smem:$0x3FB1]  }
0x31: {  	[smem:$0x3FBA] =	sst s10  }
0x32: {  	s10 =	sld [smem:$0x3FB8];
	_ =	sdelay $0x3  }
0x33: {  	p0 =	seq.s32 s10, $0x1;
	s10 =	sld [smem:$0x3FBA];
	_ =	sdelay $0x3  }
0x34: {  	[smem:$0x3FBA] =	sst s10  }
0x35: {  	s10 =	sld [smem:$0x3FB9];
	_ =	sdelay $0x3  }
0x36: {  	p1 =	seq.s32 s10, $0x1;
	s10 =	sld [smem:$0x3FBA];
	_ =	sdelay $0x3  }
0x37: {  	[smem:$0x3FBA] =	sst s10  }
0x38: {  	s10 =	sld [smem:$0x3FBB]  }
0x39: {  	_ = 	snop;
	(pc) =	sbr.ind lr, $3  }
0x3a: {  	_ = 	snop  }
0x3b: {  	_ = 	snop  }
0x3c: {  	p2 =	seq.s32 s10, $0x1;
	s10 =	sld [smem:$0x3FBA]  }
0x3d: {  	_ =	shalt  }
0x3e: {  	_ =	shalt  }
0x3f: {  	_ =	shalt  }
0x40: {  	_ =	shalt  }
0x41: {  	_ =	shalt  }
0x42: {  	_ =	shalt  }
0x43: {  	_ =	shalt  }
0x44: {  	_ =	shalt  }
0x45: {  	_ =	shalt  }
0x46: {  	_ =	shalt  }
0x47: {  	_ =	shalt  }
0x48: {  	_ =	shalt  }
0x49: {  	_ =	shalt  }
0x4a: {  	_ =	shalt  }
0x4b: {  	_ =	shalt  }
0x4c: {  	_ =	shalt  }
0x4d: {  	_ =	shalt  }
0x4e: {  	_ =	shalt  }
0x4f: {  	_ =	shalt  }
0x50: {  	_ =	shalt  }
0x51: {  	_ =	shalt  }
0x52: {  	_ =	shalt  }
0x53: {  	_ =	shalt  }
0x54: {  	_ =	shalt  }
0x55: {  	_ =	shalt  }
0x56: {  	_ =	shalt  }
0x57: {  	_ =	shalt  }
0x58: {  	_ =	shalt  }
0x59: {  	_ =	shalt  }
0x5a: {  	_ =	shalt  }
0x5b: {  	_ =	shalt  }
0x5c: {  	_ =	shalt  }
0x5d: {  	_ =	shalt  }
0x5e: {  	_ =	shalt  }
0x5f: {  	_ =	shalt  }
0x60: {  	_ =	shalt  }
0x61: {  	_ =	shalt  }
0x62: {  	_ =	shalt  }
0x63: {  	_ =	shalt  }
0x64: {  	_ =	shalt  }
0x65: {  	_ =	shalt  }
0x66: {  	_ =	shalt  }
0x67: {  	_ =	shalt  }
0x68: {  	_ =	shalt  }
0x69: {  	_ =	shalt  }
0x6a: {  	_ =	shalt  }
0x6b: {  	_ =	shalt  }
0x6c: {  	_ =	shalt  }
0x6d: {  	_ =	shalt  }
0x6e: {  	_ =	shalt  }
0x6f: {  	_ =	shalt  }
0x70: {  	_ =	shalt  }
0x71: {  	_ =	shalt  }
0x72: {  	_ =	shalt  }
0x73: {  	_ =	shalt  }
0x74: {  	_ =	shalt  }
0x75: {  	_ =	shalt  }
0x76: {  	_ =	shalt  }
0x77: {  	_ =	shalt  }
0x78: {  	_ =	shalt  }
0x79: {  	_ =	shalt  }
0x7a: {  	_ =	shalt  }
0x7b: {  	_ =	shalt  }
0x7c: {  	_ =	shalt  }
0x7d: {  	_ =	shalt  }
0x7e: {  	_ =	shalt  }
0x7f: {  	_ =	shalt  }
0x80: {  	_ =	shalt  }
0x81: {  	_ =	shalt  }
0x82: {  	_ =	shalt  }
0x83: {  	_ =	shalt  }
0x84: {  	_ =	shalt  }
0x85: {  	_ =	shalt  }
0x86: {  	_ =	shalt  }
0x87: {  	_ =	shalt  }
.Lfunc_end0:
.L_simem_size_0:
called_computation_lowered:
.L_overlay_start_0:
0x88: {  	s2 =	sld [smem:$0x3FD9]  }
0x89: {  	s3 =	sld [smem:$0x3FFE];
	_ =	sdelay $0x1  }
0x8a: {  	s1 =	srdreg.scid  }
0x8b: {  	s0 =	sand.u32 $0x1, s1  }
0x8c: {  	s18 =	sshll.u32 s0, $0xA;
	s2 =	sadd.s32 s3, s2  }
0x8d: {  	s2 =	sadd.s32 s2, s18  }
0x8e: {  	[smem:$0x3FC6] =	sst s2  }
0x8f: {  	_ = 	snop  }
0x90: {  	s2 =	sld [smem:$0x3FC9]  }
0x91: {  	s19 =	sld [smem:$0x3FC8]  }
0x92: {  	s4 =	sld [smem:$0x3FD0];
	(tm) =	ssettm $0x1  }
0x93: {  	s5 =	sld [smem:$0x3FFB];
	_ =	sdelay $0x3  }
0x94: {  	_ =	strace s5  }
0x95: {  	s5 =	sld [smem:$0x3FFC];
	_ =	sdelay $0x3  }
0x96: {  	_ =	strace s5  }
0x97: {  	s5 =	sld [smem:$0x3FFD];
	_ =	sdelay $0x3  }
0x98: {  	_ =	strace s5  }
0x99: {  	_ =	strace $0x8FFFFFFF  }
0x9a: {  	s20 =	sld [smem:$0x3FDB];
	_ =	sdelay $0x1  }
0x9b: {  	s6 =	simm.s32 $_scs_section_size  }
0x9c: {  	s7 =	simm.s32 $_size__tile_overlayer_lowered;
	s8 =	simm.s32 $_tile_overlayer_lowered  }
0x9d: {  	s23 =	simm.s32 $0x1BFF;
	s22 =	sshll.u32 s8, $0x1;
	s5 =	sadd.s32 s6, s20  }
0x9e: {  	s9 =	simm.s32 $0x0;
	s21 =	sshll.u32 s7, $0x1;
	s7 =	sadd.s32 s22, s5  }
0x9f: {  	[timem:s9], [sflag:s23] =	dma.local [hbm:s7], s21  }
0xa0: {  	_ =	swait.ge [sflag:s23], s21  }
0xa1: {  	s6 =	ssub.s32 $0x0, s21;
	[sflag:s23] =	ssyncset.done $0x0  }
0xa2: {  	[sflag:s23] =	ssyncadd.s32 s6;
	_ =	sdelay $0x1  }
0xa3: {  	s24 =	simm.s32 $0x1B8B  }
0xa4: {  	_ =	swait.ge [sflag:s24], $0x1  }
0xa5: {  	[sflag:s24] =	ssyncset.done $0x0  }
0xa6: {  	s25 =	simm.s32 $0x1B8E;
	[sflag:s24] =	ssyncadd.s32 $0xFFFFFFFF  }
0xa7: {  	s26 =	simm.s32 $execute0_lowered;
	[smem:$0x3FD2] =	sst s25  }
0xa8: {  	s6 =	sshll.u32 s26, $0x1;
	_ =	strace $0x80000046;
	[dreg:$0x1] =	wrdreg $0xFFFFFFFF  }
0xa9: {  	s28 =	simm.s32 $_size_execute0_lowered;
	s5 =	sadd.s32 s5, s6;
	[dreg:$0x0] =	wrdreg $0x0  }
0xaa: {  	s6 =	sshll.u32 s28, $0x1;
	[dreg:$0x2] =	wrdreg s5  }
0xab: {  	[dreg:$0x3] =	wrdreg s6  }
0xac: {  	[dreg:$0x4] =	wrdreg $0xC0  }
0xad: {  	_ =	task [dreg:s9], $0x5FFFF  }
0xae: {  	[dreg:$0x1] =	wrdreg $0xFFFFFFFF  }
0xaf: {  	[dreg:$0x0] =	wrdreg $0x60  }
0xb0: {  	[dreg:$0x2] =	wrdreg s2  }
0xb1: {  	[dreg:$0x3] =	wrdreg s19  }
0xb2: {  	[dreg:$0x4] =	wrdreg s4  }
0xb3: {  	[dreg:$0x5] =	wrdreg $0x9  }
0xb4: {  	_ =	task.clear_ibuf [dreg:s9], $0x6FFFF;
	_ =	strace $0x90000046  }
0xb5: {  	s29 =	simm.s32 $0x9;
	_ =	strace $0x80000048  }
0xb6: {  	_ =	swait.ge [sflag:s29], $0x1  }
0xb7: {  	[sflag:s29] =	ssyncadd.s32 $0xFFFFFFFF  }
0xb8: {  	_ =	strace $0x90000048  }
0xb9: {  	_ =	sfence  }
0xba: {  	s30 =	sld [smem:$0x0];
	_ =	sdelay $0x2  }
0xbb: {  	s31 =	sshll.u32 s1, $0xD;
	s1 =	sshrl.u32 s1, $0x2  }
0xbc: {  	s3 =	sand.u32 $0x4000, s31;
	s1 =	sadd.s32 s1, s30  }
0xbd: {  	s0 =	sor.u32 s3, s0;
	s1 =	sshll.u32 s1, $0x11  }
0xbe: {  	s0 =	sor.u32 s1, s0  }
0xbf: {  	s0 =	sadd.s32 $0x8F2B, s0  }
0xc0: {  	[sflag:s0] =	ssyncadd.remote.s32 $0x1  }
0xc1: {  	_ =	sfence.sel $0xFFFF  }
0xc2: {  	[dreg:$0x0] =	wrdreg $0xFFFFFFFF;
	(pc) =	sbr.abs _section_cstart, $3  }
0xc3: {  	[dreg:$0x1] =	wrdreg $0xFFFFFFFF  }
0xc4: {  	_ =	task.clear_ibuf [dreg:s9], $0x2FFFF;
	_ =	strace $0x9FFFFFFF  }
0xc5: {  	(tm) =	ssettm $0x7FFFFFFF  }
tec
execute0_lowered:
.L_overlay_start_1:
0x0: {  	(tag) =	ssettag $0x1  }
0x1: {  	s0 =	rddreg [dreg:$0x0]  }
0x2: {  	s8 =	rddreg [dreg:$0x1];
	s7 =	stileid.u32  }
0x3: {  	s3 =	rddreg [dreg:$0x2];
	s2 =	sshll.u32 s7, $0x1;
	s7 =	sshrl.u32 s7, $0x1  }
0x4: {  	s4 =	simm.s32 $0x0;
	s17 =	sshll.u32 s7, $0xC;
	s7 =	sshll.u32 s7, $0x15  }
0x5: {  	[smem:$0x7FF] =	sst s4;
	s24 =	sor.u32 $0x1C0000, s7  }
0x6: {  	_ =	strace $0x80000047;
	s0 =	sadd.s32 s0, s17;
	[dreg:$0xe] =	wrdreg s24  }
0x7: {  	s26 =	sor.u32 $0x40000, s7;
	[dreg:$0x5] =	wrdreg s0  }
0x8: {  	s28 =	sor.u32 $0x80000, s7;
	[dreg:$0x11] =	wrdreg s26  }
0x9: {  	s29 =	sor.u32 $0xC0000, s7;
	[dreg:$0x12] =	wrdreg s28  }
0xa: {  	s18 =	sadd.s32 $0x10, s0;
	[dreg:$0x13] =	wrdreg s29  }
0xb: {  	s1 =	srdreg.scid;
	s19 =	sadd.s32 $0x20, s0;
	[dreg:$0x8] =	wrdreg s18  }
0xc: {  	s1 =	sand.u32 $0x1, s1;
	s20 =	sadd.s32 $0x30, s0;
	[dreg:$0x9] =	wrdreg s19  }
0xd: {  	s5 =	ssub.s32 $0x2, s1;
	s21 =	sadd.s32 $0x40, s0;
	[dreg:$0xa] =	wrdreg s20  }
0xe: {  	s2 =	sand.u32 $0x2, s2;
	s22 =	sadd.s32 $0x50, s0;
	[dreg:$0xb] =	wrdreg s21  }
0xf: {  	s6 =	sshrl.u32 s5, $0x1;
	s23 =	sadd.s32 $0x60, s0;
	[dreg:$0xc] =	wrdreg s22  }
0x10: {  	s1 =	sor.u32 s1, s2;
	s0 =	sadd.s32 $0x70, s0;
	[dreg:$0xd] =	wrdreg s23  }
0x11: {  	s16 =	sshll.u32 s1, $0xD;
	s1 =	sshll.u32 s1, $0x4;
	[dreg:$0xf] =	wrdreg s0  }
0x12: {  	s15 =	ssub.s32 s5, s6;
	s5 =	sadd.s32 s8, s16;
	[dreg:$0x6] =	wrdreg s1  }
0x13: {  	s2 =	simm.s32 $0x0;
	s25 =	sor.u32 $0x2, s1;
	[dreg:$0x4] =	wrdreg s5  }
0x14: {  	s24 =	sor.u32 $0x180000, s7;
	s30 =	smax.u32 s15, $0x1;
	[dreg:$0x10] =	wrdreg s25  }
0x15: {  	s6 =	simm.s32 $0x3;
	s31 =	sor.u32 $0x3, s1;
	[dreg:$0x14] =	wrdreg s30  }
0x16: {  	s22 =	sor.u32 $0x100000, s7;
	s5 =	sadd.s32 $0x200, s5;
	[dreg:$0x15] =	wrdreg s31  }
0x17: {  	s23 =	sor.u32 $0x140000, s7;
	s21 =	smov.u32 s7;
	[dreg:$0x7] =	wrdreg s5  }
.LBB2_1:
0x18: {  	[dreg:$0x16] =	wrdreg s2  }
0x19: {  	s0 =	rddreg [dreg:$0x4];
	s1 =	simm.s32 $0x8000  }
0x1a: {  	[tilespmem:s1], [sflag:$0x1] =	stream.linear.gather [hbm4b:s0+s4], $0x1000, $0x38;
	[tilespmem:$0x1A000] =	vst v63  }
0x1b: {  	s9 =	rddreg [dreg:$0x7];
	s10 =	simm.s32 $0x9000  }
0x1c: {  	[tilespmem:s10], [sflag:$0x2] =	stream.linear.gather [hbm4b:s9+s4], $0x1000, $0x38;
	[tilespmem:$0x1A000] =	vst v63  }
0x1d: {  	s11 =	rddreg [dreg:$0x5];
	s12 =	simm.s32 $0x80;
	s13 =	simm.s32 $0x400  }
0x1e: {  	[tilespmem:s4], [sflag:$0x3] =	stream.strided.gather [hbm4b:s11+s12], $0x1000, s13, s12, $0x38;
	[tilespmem:$0x1A000] =	vst v63  }
0x1f: {  	s14 =	rddreg [dreg:$0x8];
	s5 =	simm.s32 $0x1000  }
0x20: {  	[tilespmem:s5], [sflag:$0x3] =	stream.strided.gather [hbm4b:s14+s12], $0x1000, s13, s12, $0x38;
	[tilespmem:$0x1A000] =	vst v63  }
0x21: {  	s15 =	rddreg [dreg:$0x9];
	s16 =	simm.s32 $0x2000  }
0x22: {  	[tilespmem:s16], [sflag:$0x3] =	stream.strided.gather [hbm4b:s15+s12], $0x1000, s13, s12, $0x38;
	[tilespmem:$0x1A000] =	vst v63  }
0x23: {  	s17 =	rddreg [dreg:$0xa];
	s18 =	simm.s32 $0x3000  }
0x24: {  	[tilespmem:s18], [sflag:$0x3] =	stream.strided.gather [hbm4b:s17+s12], $0x1000, s13, s12, $0x38;
	[tilespmem:$0x1A000] =	vst v63  }
0x25: {  	s19 =	rddreg [dreg:$0xb];
	s20 =	simm.s32 $0x4000  }
0x26: {  	[tilespmem:s20], [sflag:$0x3] =	stream.strided.gather [hbm4b:s19+s12], $0x1000, s13, s12, $0x38;
	[tilespmem:$0x1A000] =	vst v63  }
0x27: {  	s25 =	rddreg [dreg:$0xc];
	s26 =	simm.s32 $0x5000  }
0x28: {  	[tilespmem:s26], [sflag:$0x3] =	stream.strided.gather [hbm4b:s25+s12], $0x1000, s13, s12, $0x38;
	[tilespmem:$0x1A000] =	vst v63  }
0x29: {  	s28 =	rddreg [dreg:$0xd];
	s29 =	simm.s32 $0x6000  }
0x2a: {  	[tilespmem:s29], [sflag:$0x3] =	stream.strided.gather [hbm4b:s28+s12], $0x1000, s13, s12, $0x38;
	[tilespmem:$0x1A000] =	vst v63  }
0x2b: {  	s30 =	rddreg [dreg:$0xf];
	s31 =	simm.s32 $0x7000  }
0x2c: {  	[tilespmem:s31], [sflag:$0x3] =	stream.strided.gather [hbm4b:s30+s12], $0x1000, s13, s12, $0x38;
	[tilespmem:$0x1A000] =	vst v63  }
0x2d: {  	_ =	swait.ge [sflag:s6], $0x1000  }
0x2e: {  	[sflag:s6] =	ssyncset.done $0x0  }
0x2f: {  	[sflag:s6] =	ssyncadd.s32 $0xFFFFF000  }
0x30: {  	_ =	swait.ge [sflag:s6], $0x1000  }
0x31: {  	[sflag:s6] =	ssyncset.done $0x0  }
0x32: {  	[sflag:s6] =	ssyncadd.s32 $0xFFFFF000  }
0x33: {  	_ =	swait.ge [sflag:s6], $0x1000  }
0x34: {  	[sflag:s6] =	ssyncset.done $0x0  }
0x35: {  	[sflag:s6] =	ssyncadd.s32 $0xFFFFF000  }
0x36: {  	_ =	swait.ge [sflag:s6], $0x1000  }
0x37: {  	[sflag:s6] =	ssyncset.done $0x0  }
0x38: {  	[sflag:s6] =	ssyncadd.s32 $0xFFFFF000  }
0x39: {  	_ =	swait.ge [sflag:s6], $0x1000  }
0x3a: {  	[sflag:s6] =	ssyncset.done $0x0  }
0x3b: {  	[sflag:s6] =	ssyncadd.s32 $0xFFFFF000  }
0x3c: {  	_ =	swait.ge [sflag:s6], $0x1000  }
0x3d: {  	[sflag:s6] =	ssyncset.done $0x0  }
0x3e: {  	[sflag:s6] =	ssyncadd.s32 $0xFFFFF000  }
0x3f: {  	_ =	swait.ge [sflag:s6], $0x1000  }
0x40: {  	[sflag:s6] =	ssyncset.done $0x0  }
0x41: {  	[sflag:s6] =	ssyncadd.s32 $0xFFFFF000  }
0x42: {  	_ =	swait.ge [sflag:s6], $0x1000  }
0x43: {  	[sflag:s6] =	ssyncset.done $0x0  }
0x44: {  	s9 =	simm.s32 $0x0;
	[sflag:s6] =	ssyncadd.s32 $0xFFFFF000  }
.LBB2_2:
0x45: {  	s0 =	simm.s32 $0x1  }
0x46: {  	_ =	swait.ge [sflag:s0], $0x1000  }
0x47: {  	p0 =	seq.s32 s9, $0x0;
	[sflag:s0] =	ssyncset.done $0x0  }
0x48: {  	[sflag:s0] =	ssyncadd.s32 $0xFFFFF000;
	s0 =	simm.s32 @!p0 $0x3  }
0x49: {  	_ =	swait.ge @!p0 [sflag:s0], $0x1000  }
0x4a: {  	[sflag:s0] =	ssyncset.done @!p0 $0x0  }
0x4b: {  	[sflag:s0] =	ssyncadd.s32 @!p0 $0xFFFFF000  }
0x4c: {  	_ =	swait.ge @!p0 [sflag:s0], $0x1000  }
0x4d: {  	[sflag:s0] =	ssyncset.done @!p0 $0x0  }
0x4e: {  	[sflag:s0] =	ssyncadd.s32 @!p0 $0xFFFFF000  }
0x4f: {  	_ =	swait.ge @!p0 [sflag:s0], $0x1000  }
0x50: {  	[sflag:s0] =	ssyncset.done @!p0 $0x0  }
0x51: {  	[sflag:s0] =	ssyncadd.s32 @!p0 $0xFFFFF000  }
0x52: {  	_ =	swait.ge @!p0 [sflag:s0], $0x1000  }
0x53: {  	[sflag:s0] =	ssyncset.done @!p0 $0x0  }
0x54: {  	[sflag:s0] =	ssyncadd.s32 @!p0 $0xFFFFF000  }
0x55: {  	_ =	swait.ge @!p0 [sflag:s0], $0x1000  }
0x56: {  	[sflag:s0] =	ssyncset.done @!p0 $0x0  }
0x57: {  	[sflag:s0] =	ssyncadd.s32 @!p0 $0xFFFFF000  }
0x58: {  	_ =	swait.ge @!p0 [sflag:s0], $0x1000  }
0x59: {  	[sflag:s0] =	ssyncset.done @!p0 $0x0  }
0x5a: {  	[sflag:s0] =	ssyncadd.s32 @!p0 $0xFFFFF000  }
0x5b: {  	_ =	swait.ge @!p0 [sflag:s0], $0x1000  }
0x5c: {  	s1 =	simm.s32 $0x0;
	[sflag:s0] =	ssyncset.done @!p0 $0x0  }
0x5d: {  	s2 =	sand.u32 $0xC00, s1;
	[sflag:s0] =	ssyncadd.s32 @!p0 $0xFFFFF000  }
0x5e: {  	s5 =	sand.u32 $0x380, s1;
	s28 =	sand.u32 $0x60, s1;
	_ =	swait.ge @!p0 [sflag:s0], $0x1000  }
0x5f: {  	s8 =	sor.u32 s5, s2;
	s10 =	sor.u32 $0x10, s28;
	[sflag:s0] =	ssyncset.done @!p0 $0x0  }
0x60: {  	s16 =	sor.u32 s10, s8;
	[sflag:s0] =	ssyncadd.s32 @!p0 $0xFFFFF000  }
0x61: {  	s1 =	sor.u32 s28, s8;
	v2 =	vld [tilespmem:s16+$0x8000]  }
0x62: {  	v3 =	vld [tilespmem:s1+$0x8000];
	_ =	sdelay $0x6  }
0x63: {  	v0 =	vld.idx.msk [tilespmem:v2+s4+$0x0], $0xffff  }
0x64: {  	s17 =	simm.s32 $0x100;
	s18 =	simm.s32 $0x8;
	s6 =	simm.s32 $0x20;
	v4 =	vadd.s32 $0x1000, v2;
	v1 =	vld.idx.msk [tilespmem:v3+s4+$0x0], $0xffff  }
0x65: {  	s11 =	sand.u32 $0x60, s6;
	s2 =	sand.u32 $0xC00, s17;
	s5 =	sand.u32 $0x380, s18;
	v5 =	vadd.s32 $0x1000, v3  }
0x66: {  	s13 =	sor.u32 $0x10, s11;
	s12 =	sor.u32 s5, s2  }
0x67: {  	s19 =	sor.u32 s13, s12  }
0x68: {  	[tilespmem:s16+$0xA000] =	vst v0;
	v0 =	vld [tilespmem:s19+$0x8000]  }
0x69: {  	[tilespmem:s1+$0xA000] =	vst v1;
	v1 =	vld.idx.msk [tilespmem:v4+s4+$0x0], $0xffff  }
0x6a: {  	s20 =	sor.u32 s11, s12;
	v5 =	vld.idx.msk [tilespmem:v5+s4+$0x0], $0xffff  }
0x6b: {  	v6 =	vadd.s32 $0x2000, v2;
	v4 =	vld [tilespmem:s20+$0x8000]  }
0x6c: {  	v7 =	vadd.s32 $0x2000, v3  }
0x6d: {  	s26 =	sor.u32 $0xB000, s8  }
0x6e: {  	s6 =	sor.u32 s10, s26  }
0x6f: {  	s2 =	sor.u32 s28, s26;
	[tilespmem:s6+$0x0] =	vst v1  }
0x70: {  	[tilespmem:s2+$0x0] =	vst v5;
	v1 =	vld.idx.msk [tilespmem:v6+s4+$0x0], $0xffff  }
0x71: {  	v5 =	vadd.s32 $0x3000, v2;
	v6 =	vld.idx.msk [tilespmem:v7+s4+$0x0], $0xffff  }
0x72: {  	v7 =	vadd.s32 $0x3000, v3;
	v8 =	vld.idx.msk [tilespmem:v0+s4+$0x0], $0xffff  }
0x73: {  	s7 =	sor.u32 $0xC000, s8;
	v10 =	vadd.s32 $0x1000, v0;
	v9 =	vld.idx.msk [tilespmem:v4+s4+$0x0], $0xffff  }
0x74: {  	s14 =	sor.u32 s10, s7;
	v11 =	vadd.s32 $0x1000, v4  }
0x75: {  	s2 =	sor.u32 s28, s7;
	[tilespmem:s14+$0x0] =	vst v1  }
0x76: {  	s15 =	simm.s32 $0x200;
	s16 =	simm.s32 $0x10;
	[tilespmem:s2+$0x0] =	vst v6;
	v5 =	vld.idx.msk [tilespmem:v5+s4+$0x0], $0xffff  }
0x77: {  	s17 =	simm.s32 $0x40;
	s5 =	sand.u32 $0x380, s16;
	v6 =	vadd.s32 $0x4000, v2;
	s2 =	sand.u32 $0xC00, s15;
	v7 =	vld.idx.msk [tilespmem:v7+s4+$0x0], $0xffff;
	[tilespmem:s19+$0xA000] =	vst v8  }
0x78: {  	s25 =	sand.u32 $0x60, s17;
	s17 =	sor.u32 s5, s2;
	[tilespmem:s20+$0xA000] =	vst v9;
	v8 =	vld.idx.msk [tilespmem:v10+s4+$0x0], $0xffff;
	v10 =	vadd.s32 $0x4000, v3  }
0x79: {  	s18 =	sor.u32 $0xD000, s8;
	s14 =	sor.u32 $0x10, s25;
	s5 =	sor.u32 s25, s17;
	v9 =	vld.idx.msk [tilespmem:v11+s4+$0x0], $0xffff  }
0x7a: {  	s19 =	sor.u32 s10, s18;
	s1 =	sor.u32 s14, s17;
	v12 =	vld [tilespmem:s5+$0x8000]  }
0x7b: {  	s0 =	sor.u32 s28, s18;
	v1 =	vld [tilespmem:s1+$0x8000];
	v11 =	vadd.s32 $0x2000, v4;
	[tilespmem:s19+$0x0] =	vst v5  }
0x7c: {  	v5 =	vadd.s32 $0x2000, v0;
	[tilespmem:s0+$0x0] =	vst v7;
	v6 =	vld.idx.msk [tilespmem:v6+s4+$0x0], $0xffff  }
0x7d: {  	s20 =	sor.u32 $0xB000, s12;
	v7 =	vld.idx.msk [tilespmem:v10+s4+$0x0], $0xffff  }
0x7e: {  	v13 =	vadd.s32 $0x5000, v2;
	s2 =	sor.u32 s11, s20  }
0x7f: {  	s6 =	sor.u32 $0xE000, s8;
	s26 =	sor.u32 s13, s20;
	[tilespmem:s2+$0x0] =	vst v9  }
0x80: {  	s7 =	sor.u32 s10, s6;
	[tilespmem:s26+$0x0] =	vst v8;
	v9 =	vld.idx.msk [tilespmem:v11+s4+$0x0], $0xffff  }
0x81: {  	s0 =	sor.u32 s28, s6;
	v8 =	vadd.s32 $0x5000, v3;
	v5 =	vld.idx.msk [tilespmem:v5+s4+$0x0], $0xffff;
	[tilespmem:s7+$0x0] =	vst v6  }
0x82: {  	v10 =	vadd.s32 $0x3000, v0;
	[tilespmem:s0+$0x0] =	vst v7;
	v7 =	vld.idx.msk [tilespmem:v12+s4+$0x0], $0xffff  }
0x83: {  	s15 =	sor.u32 $0xC000, s12;
	v6 =	vadd.s32 $0x3000, v4;
	v11 =	vld.idx.msk [tilespmem:v13+s4+$0x0], $0xffff  }
0x84: {  	v16 =	vadd.s32 $0x1000, v12;
	s2 =	sor.u32 s11, s15;
	v13 =	vld.idx.msk [tilespmem:v1+s4+$0x0], $0xffff  }
0x85: {  	v14 =	vadd.s32 $0x6000, v2;
	s16 =	sor.u32 s13, s15;
	[tilespmem:s2+$0x0] =	vst v9  }
0x86: {  	v15 =	vadd.s32 $0x1000, v1;
	s0 =	sor.u32 $0xF000, s8;
	[tilespmem:s16+$0x0] =	vst v5;
	v5 =	vld.idx.msk [tilespmem:v8+s4+$0x0], $0xffff  }
0x87: {  	s18 =	sor.u32 s10, s0;
	v8 =	vld.idx.msk [tilespmem:v10+s4+$0x0], $0xffff;
	[tilespmem:s5+$0xA000] =	vst v7  }
0x88: {  	s15 =	simm.s32 $0x18;
	s7 =	simm.s32 $0x300;
	s2 =	simm.s32 $0x60;
	v6 =	vld.idx.msk [tilespmem:v6+s4+$0x0], $0xffff;
	[tilespmem:s18+$0x0] =	vst v11  }
0x89: {  	s15 =	sand.u32 $0x380, s15;
	s7 =	sand.u32 $0xC00, s7;
	v9 =	vadd.s32 $0x4000, v0;
	s6 =	sand.u32 $0x60, s2;
	[tilespmem:s1+$0xA000] =	vst v13;
	v13 =	vld.idx.msk [tilespmem:v16+s4+$0x0], $0xffff  }
0x8a: {  	s30 =	sor.u32 s15, s7;
	s7 =	sor.u32 $0x10, s6;
	v11 =	vadd.s32 $0x4000, v4;
	v10 =	vld.idx.msk [tilespmem:v14+s4+$0x0], $0xffff  }
0x8b: {  	s19 =	sor.u32 $0xD000, s12;
	s0 =	sor.u32 s28, s0;
	s29 =	sor.u32 s7, s30;
	v16 =	vadd.s32 $0x6000, v3;
	v7 =	vld.idx.msk [tilespmem:v15+s4+$0x0], $0xffff  }
0x8c: {  	s20 =	sor.u32 s13, s19;
	s1 =	sor.u32 s6, s30;
	v14 =	vadd.s32 $0x7000, v2;
	v2 =	vld [tilespmem:s29+$0x8000];
	[tilespmem:s0+$0x0] =	vst v5  }
0x8d: {  	s26 =	sor.u32 $0xB000, s17;
	s5 =	sor.u32 s11, s19;
	v15 =	vadd.s32 $0x2000, v1;
	v18 =	vld [tilespmem:s1+$0x8000];
	[tilespmem:s20+$0x0] =	vst v8  }
0x8e: {  	s15 =	sor.u32 $0x10000, s8;
	v8 =	vadd.s32 $0x2000, v12;
	[tilespmem:s5+$0x0] =	vst v6;
	s5 =	sor.u32 s25, s26;
	v9 =	vld.idx.msk [tilespmem:v9+s4+$0x0], $0xffff  }
0x8f: {  	s16 =	sor.u32 s10, s15;
	v6 =	vld.idx.msk [tilespmem:v11+s4+$0x0], $0xffff;
	[tilespmem:s5+$0x0] =	vst v13  }
0x90: {  	s18 =	sor.u32 s14, s26;
	v11 =	vadd.s32 $0x5000, v0;
	v25 =	vld.idx.msk [tilespmem:v16+s4+$0x0], $0xffff;
	[tilespmem:s16+$0x0] =	vst v10  }
0x91: {  	v13 =	vadd.s32 $0x5000, v4;
	[tilespmem:s18+$0x0] =	vst v7;
	v7 =	vld.idx.msk [tilespmem:v14+s4+$0x0], $0xffff  }
0x92: {  	v23 =	vadd.s32 $0x3000, v1;
	v26 =	vadd.s32 $0x3000, v12;
	s19 =	sor.u32 $0xE000, s12;
	v10 =	vld.idx.msk [tilespmem:v15+s4+$0x0], $0xffff  }
0x93: {  	v5 =	vadd.s32 $0x6000, v4;
	s20 =	sor.u32 s13, s19;
	v19 =	vadd.s32 $0x1000, v18;
	v15 =	vadd.s32 $0x2000, v18;
	v21 =	vld.idx.msk [tilespmem:v8+s4+$0x0], $0xffff  }
0x94: {  	s26 =	sor.u32 s11, s19;
	s5 =	sor.u32 $0x11000, s8;
	v14 =	vadd.s32 $0x4000, v18;
	v8 =	vadd.s32 $0x7000, v3;
	v3 =	vadd.s32 $0x7000, v4;
	v20 =	vld.idx.msk [tilespmem:v2+s4+$0x0], $0xffff;
	[tilespmem:s20+$0x0] =	vst v9  }
0x95: {  	s16 =	sor.u32 $0xC000, s17;
	s19 =	sor.u32 s10, s5;
	v4 =	vadd.s32 $0x7000, v12;
	[tilespmem:s26+$0x0] =	vst v6;
	v9 =	vadd.s32 $0x5000, v12;
	v6 =	vadd.s32 $0x6000, v12;
	v16 =	vld.idx.msk [tilespmem:v11+s4+$0x0], $0xffff  }
0x96: {  	s20 =	sor.u32 s14, s16;
	v11 =	vadd.s32 $0x4000, v12;
	v12 =	vadd.s32 $0x3000, v18;
	v17 =	vld.idx.msk [tilespmem:v13+s4+$0x0], $0xffff;
	v13 =	vadd.s32 $0x7000, v18;
	[tilespmem:s19+$0x0] =	vst v7  }
0x97: {  	s15 =	sor.u32 s28, s15;
	v22 =	vld.idx.msk [tilespmem:v18+s4+$0x0], $0xffff;
	v7 =	vadd.s32 $0x6000, v18;
	s0 =	rddreg [dreg:$0x6];
	[tilespmem:s20+$0x0] =	vst v10;
	v10 =	vadd.s32 $0x5000, v18;
	v18 =	vadd.s32 $0x6000, v0  }
0x98: {  	s10 =	sshll.u32 s9, $0x1;
	s18 =	simm.s32 $0x6;
	v24 =	vadd.s32 $0x1000, v2;
	s26 =	sor.u32 s25, s16  }
0x99: {  	s8 =	sor.u32 s28, s5;
	s5 =	sor.u32 $0xF000, s12;
	s28 =	simm.s32 $0x400;
	[tilespmem:s26+$0x0] =	vst v21;
	v21 =	vld.idx.msk [tilespmem:v23+s4+$0x0], $0xffff  }
0x9a: {  	[tilespmem:s15+$0x0] =	vst v25;
	s31 =	sor.u32 s0, s10;
	s26 =	simm.s32 $0x20;
	s0 =	sor.u32 s13, s5;
	v23 =	vld.idx.msk [tilespmem:v26+s4+$0x0], $0xffff  }
.LBB2_3:
0x9b: {  	s15 =	sand.u32 $0xC00, s28;
	s16 =	sand.u32 $0x380, s26;
	s2 =	sadd.s32 $0x20, s2;
	v25 =	vadd.s32 $0x4000, v1;
	[tilespmem:s0+$0x0] =	vst v16;
	v16 =	vld.idx.msk [tilespmem:v8+s4+$0x0], $0xffff;
	v8 =	vmovc v3;
	v3 =	vmov v4;
	v4 =	vmov v13  }
0x9c: {  	s5 =	sor.u32 s11, s5;
	s0 =	sand.u32 $0x60, s2;
	s15 =	sor.u32 s16, s15;
	[tilespmem:s29+$0xA000] =	vst v20;
	v13 =	vld.idx.msk [tilespmem:v18+s4+$0x0], $0xffff  }
0x9d: {  	s18 =	sadd.s32 $0x2, s18;
	s16 =	sor.u32 $0xD000, s17;
	s19 =	sor.u32 $0x10, s0;
	[tilespmem:s1+$0xA000] =	vst v22;
	v18 =	vld.idx.msk [tilespmem:v24+s4+$0x0], $0xffff  }
0x9e: {  	p1 =	slt.u32 s18, $0xFE;
	s20 =	sor.u32 s14, s16;
	s29 =	sor.u32 s19, s15;
	v19 =	vld.idx.msk [tilespmem:v19+s4+$0x0], $0xffff;
	[tilespmem:s5+$0x0] =	vst v17;
	v17 =	vadd.s32 $0x7000, v0;
	v0 =	vmov v1;
	v1 =	vmov v2  }
0x9f: {  	s1 =	sor.u32 s0, s15;
	s5 =	sor.u32 s25, s16;
	s16 =	smov.u32 s7;
	v2 =	vld [tilespmem:s29+$0x8000];
	v20 =	vadd.s32 $0x2000, v1;
	[tilespmem:s20+$0x0] =	vst v21  }
0xa0: {  	s7 =	smov.u32 s19;
	[tilespmem:s5+$0x0] =	vst v23;
	v21 =	vld.idx.msk [tilespmem:v25+s4+$0x0], $0xffff;
	s5 =	sor.u32 $0x10000, s12  }
0xa1: {  	s20 =	sor.u32 $0xB000, s30;
	v22 =	vld [tilespmem:s1+$0x8000];
	s19 =	sor.u32 s11, s5;
	s5 =	sor.u32 s13, s5;
	[tilespmem:s8+$0x0] =	vst v16  }
0xa2: {  	s8 =	sor.u32 s6, s20;
	s20 =	sor.u32 s16, s20;
	v16 =	vadd.s32 $0x5000, v0;
	v23 =	vld.idx.msk [tilespmem:v11+s4+$0x0], $0xffff;
	[tilespmem:s5+$0x0] =	vst v13;
	v11 =	vmov v14  }
0xa3: {  	[tilespmem:s20+$0x0] =	vst v18;
	v17 =	vld.idx.msk [tilespmem:v17+s4+$0x0], $0xffff  }
0xa4: {  	s5 =	sor.u32 $0xE000, s17;
	[tilespmem:s8+$0x0] =	vst v19;
	v25 =	vld.idx.msk [tilespmem:v20+s4+$0x0], $0xffff  }
0xa5: {  	s8 =	sor.u32 s25, s5;
	s5 =	sor.u32 s14, s5;
	v26 =	vld.idx.msk [tilespmem:v15+s4+$0x0], $0xffff  }
0xa6: {  	v27 =	vadd.s32 $0x3000, v1;
	v19 =	vadd.s32 $0x1000, v22;
	v15 =	vadd.s32 $0x2000, v22;
	[tilespmem:s5+$0x0] =	vst v21;
	v28 =	vld.idx.msk [tilespmem:v5+s4+$0x0], $0xffff;
	v5 =	vmovc v6;
	v6 =	vmovc v7;
	s5 =	sor.u32 $0x11000, s12;
	s12 =	smov.u32 s17;
	s17 =	smov.u32 s30  }
0xa7: {  	v29 =	vadd.s32 $0x3000, v22;
	v14 =	vadd.s32 $0x4000, v22;
	v21 =	vadd.s32 $0x5000, v22;
	v16 =	vld.idx.msk [tilespmem:v16+s4+$0x0], $0xffff;
	s20 =	sor.u32 $0xC000, s17  }
.Ltmp0:
0xa8: {  	v7 =	vadd.s32 $0x6000, v22;
	v13 =	vadd.s32 $0x7000, v22;
	v20 =	vld.idx.msk [tilespmem:v2+s4+$0x0], $0xffff;
	[tilespmem:s8+$0x0] =	vst v23;
	s8 =	sor.u32 s11, s5;
	s5 =	sor.u32 s13, s5;
	(pc) =	sbr.rel @p1 .LBB2_3-.Ltmp0, $4  }
0xa9: {  	v18 =	vadd.s32 $0x6000, v0;
	s13 =	sor.u32 s6, s20;
	s20 =	sor.u32 s16, s20;
	s11 =	smov.u32 s25;
	v22 =	vld.idx.msk [tilespmem:v22+s4+$0x0], $0xffff;
	[tilespmem:s5+$0x0] =	vst v17  }
0xaa: {  	v24 =	vadd.s32 $0x1000, v2;
	s30 =	smov.u32 s15;
	s25 =	smov.u32 s6;
	s6 =	smov.u32 s0;
	[tilespmem:s20+$0x0] =	vst v25;
	v17 =	vld.idx.msk [tilespmem:v9+s4+$0x0], $0xffff;
	v9 =	vmov v10;
	v10 =	vmov v21  }
0xab: {  	s5 =	sor.u32 $0xF000, s12;
	[tilespmem:s13+$0x0] =	vst v26;
	v21 =	vld.idx.msk [tilespmem:v27+s4+$0x0], $0xffff;
	s13 =	smov.u32 s14;
	s14 =	smov.u32 s16  }
0xac: {  	s28 =	sadd.s32 $0x100, s28;
	s26 =	sadd.s32 $0x8, s26;
	v23 =	vld.idx.msk [tilespmem:v12+s4+$0x0], $0xffff;
	s0 =	sor.u32 s13, s5;
	[tilespmem:s19+$0x0] =	vst v28;
	v12 =	vmov v29  }
0xad: {  	_ =	sdelay $0x2  }
0xae: {  	[tilespmem:s29+$0xA000] =	vst v20  }
0xaf: {  	[tilespmem:s1+$0xA000] =	vst v22;
	v20 =	vld.idx.msk [tilespmem:v24+s4+$0x0], $0xffff  }
0xb0: {  	v22 =	vadd.s32 $0x2000, v2;
	v19 =	vld.idx.msk [tilespmem:v19+s4+$0x0], $0xffff;
	_ =	sdelay $0x1  }
0xb1: {  	s16 =	sor.u32 $0xB000, s30  }
0xb2: {  	s2 =	sor.u32 s7, s16  }
0xb3: {  	s1 =	sor.u32 s6, s16;
	[tilespmem:s2+$0x0] =	vst v20  }
0xb4: {  	[tilespmem:s1+$0x0] =	vst v19;
	v19 =	vld.idx.msk [tilespmem:v22+s4+$0x0], $0xffff  }
0xb5: {  	v20 =	vadd.s32 $0x3000, v2;
	v15 =	vld.idx.msk [tilespmem:v15+s4+$0x0], $0xffff;
	_ =	sdelay $0x1  }
0xb6: {  	s18 =	sor.u32 $0xC000, s30  }
0xb7: {  	s19 =	sor.u32 s7, s18;
	v22 =	vadd.s32 $0x4000, v1  }
0xb8: {  	s1 =	sor.u32 s6, s18;
	[tilespmem:s19+$0x0] =	vst v19  }
0xb9: {  	s20 =	sor.u32 $0xD000, s17;
	[tilespmem:s1+$0x0] =	vst v15;
	v15 =	vld.idx.msk [tilespmem:v20+s4+$0x0], $0xffff  }
0xba: {  	s26 =	sor.u32 s14, s20;
	v19 =	vadd.s32 $0x4000, v2;
	v12 =	vld.idx.msk [tilespmem:v12+s4+$0x0], $0xffff  }
0xbb: {  	[tilespmem:s26+$0x0] =	vst v21;
	s1 =	sor.u32 s25, s20  }
0xbc: {  	s15 =	sor.u32 $0xD000, s30;
	v20 =	vld.idx.msk [tilespmem:v22+s4+$0x0], $0xffff;
	[tilespmem:s1+$0x0] =	vst v23  }
0xbd: {  	s16 =	sor.u32 s7, s15;
	v21 =	vadd.s32 $0x5000, v1;
	v11 =	vld.idx.msk [tilespmem:v11+s4+$0x0], $0xffff  }
0xbe: {  	s2 =	sor.u32 s6, s15;
	[tilespmem:s16+$0x0] =	vst v15  }
0xbf: {  	s18 =	sor.u32 $0xE000, s17;
	[tilespmem:s2+$0x0] =	vst v12;
	v12 =	vld.idx.msk [tilespmem:v19+s4+$0x0], $0xffff  }
0xc0: {  	[tilespmem:s0+$0x0] =	vst v16;
	s19 =	sor.u32 s14, s18;
	v15 =	vadd.s32 $0x5000, v2;
	v14 =	vld.idx.msk [tilespmem:v14+s4+$0x0], $0xffff  }
0xc1: {  	v8 =	vld.idx.msk [tilespmem:v8+s4+$0x0], $0xffff;
	s1 =	sor.u32 s25, s18;
	[tilespmem:s19+$0x0] =	vst v20  }
0xc2: {  	s20 =	sor.u32 $0xE000, s30;
	v16 =	vld.idx.msk [tilespmem:v21+s4+$0x0], $0xffff;
	s2 =	sor.u32 s11, s5;
	[tilespmem:s1+$0x0] =	vst v11  }
0xc3: {  	s26 =	sor.u32 s7, s20;
	v11 =	vadd.s32 $0x6000, v1;
	[tilespmem:s2+$0x0] =	vst v17;
	v9 =	vld.idx.msk [tilespmem:v9+s4+$0x0], $0xffff  }
0xc4: {  	s0 =	sor.u32 s6, s20;
	v5 =	vld.idx.msk [tilespmem:v5+s4+$0x0], $0xffff;
	[tilespmem:s26+$0x0] =	vst v12  }
0xc5: {  	s5 =	sor.u32 $0xF000, s17;
	v12 =	vld.idx.msk [tilespmem:v15+s4+$0x0], $0xffff;
	[tilespmem:s0+$0x0] =	vst v14  }
0xc6: {  	[tilespmem:s8+$0x0] =	vst v8;
	s15 =	sor.u32 s14, s5;
	v14 =	vadd.s32 $0x6000, v2;
	v10 =	vld.idx.msk [tilespmem:v10+s4+$0x0], $0xffff  }
0xc7: {  	s19 =	sor.u32 $0x10000, s12;
	[tilespmem:s15+$0x0] =	vst v16;
	v15 =	vld.idx.msk [tilespmem:v18+s4+$0x0], $0xffff;
	s0 =	sor.u32 s25, s5  }
0xc8: {  	v0 =	vadd.s32 $0x7000, v0;
	s16 =	sor.u32 $0xF000, s30;
	s2 =	sor.u32 s11, s19;
	v8 =	vld.idx.msk [tilespmem:v11+s4+$0x0], $0xffff;
	[tilespmem:s0+$0x0] =	vst v9  }
0xc9: {  	s18 =	sor.u32 s7, s16;
	v1 =	vadd.s32 $0x7000, v1;
	[tilespmem:s2+$0x0] =	vst v5;
	v6 =	vld.idx.msk [tilespmem:v6+s4+$0x0], $0xffff  }
0xca: {  	s20 =	sor.u32 s6, s16;
	v3 =	vld.idx.msk [tilespmem:v3+s4+$0x0], $0xffff;
	[tilespmem:s18+$0x0] =	vst v12  }
0xcb: {  	s26 =	sor.u32 s13, s19;
	s5 =	sor.u32 $0x10000, s17;
	v9 =	vld.idx.msk [tilespmem:v14+s4+$0x0], $0xffff;
	[tilespmem:s20+$0x0] =	vst v10  }
0xcc: {  	s8 =	sor.u32 s14, s5;
	[tilespmem:s26+$0x0] =	vst v15;
	v7 =	vld.idx.msk [tilespmem:v7+s4+$0x0], $0xffff  }
0xcd: {  	s1 =	sor.u32 s25, s5;
	[tilespmem:s8+$0x0] =	vst v8;
	s18 =	sor.u32 $0x11000, s12;
	v0 =	vld.idx.msk [tilespmem:v0+s4+$0x0], $0xffff  }
0xce: {  	s15 =	sor.u32 $0x10000, s30;
	v2 =	vadd.s32 $0x7000, v2;
	v1 =	vld.idx.msk [tilespmem:v1+s4+$0x0], $0xffff;
	s20 =	sor.u32 s11, s18;
	[tilespmem:s1+$0x0] =	vst v6  }
0xcf: {  	s16 =	sor.u32 s7, s15;
	[tilespmem:s20+$0x0] =	vst v3;
	v4 =	vld.idx.msk [tilespmem:v4+s4+$0x0], $0xffff  }
0xd0: {  	s0 =	sor.u32 s6, s15;
	[tilespmem:s16+$0x0] =	vst v9  }
0xd1: {  	s26 =	sor.u32 $0x11000, s17;
	s19 =	sor.u32 s13, s18;
	[tilespmem:s0+$0x0] =	vst v7  }
0xd2: {  	s2 =	sor.u32 s14, s26;
	[tilespmem:s19+$0x0] =	vst v0;
	v0 =	vld.idx.msk [tilespmem:v13+s4+$0x0], $0xffff  }
0xd3: {  	s1 =	sor.u32 s25, s26;
	[tilespmem:s2+$0x0] =	vst v1;
	v2 =	vld.idx.msk [tilespmem:v2+s4+$0x0], $0xffff  }
0xd4: {  	s5 =	sor.u32 $0x11000, s30;
	[tilespmem:s1+$0x0] =	vst v4  }
0xd5: {  	p1 =	seq.s32 s9, $0x7;
	s7 =	sor.u32 s7, s5;
	s2 =	rddreg [dreg:$0x10]  }
0xd6: {  	s11 =	sshll.u32 s31, $0xC;
	s0 =	sor.u32 s6, s5;
	s2 =	sadd.s32 @!p1 s10, s2  }
0xd7: {  	s8 =	sor.u32 s21, s11;
	s1 =	sshll.u32 @!p1 s2, $0x9;
	[tilespmem:s0+$0x0] =	vst v0;
	s0 =	rddreg [dreg:$0x1]  }
0xd8: {  	s2 =	simm.s32 @!p1 $0x8000;
	[tilespmem:s7+$0x0] =	vst v2;
	s0 =	sadd.s32 @!p1 s0, s1;
	s1 =	simm.s32 @!p1 $0x0  }
0xd9: {  	[tilespmem:s2], [sflag:$0x1] =	stream.linear.gather @!p1 [hbm4b:s0+s1], $0x1000, $0x38;
	[tilespmem:$0x1A000] =	vst v63  }
0xda: {  	s0 =	sshrl.u32 s8, $0x3  }
0xdb: {  	s12 =	simm.s32 $0xA000;
	s13 =	rddreg [dreg:$0x11];
	s0 =	sadd.s32 s3, s0  }
0xdc: {  	[hbm4b:s0+s4] =	stream.linear.scatter [tilespmem:s12], [sflag:$0x3], $0x1000, $0x38;
	[tilespmem:$0x1A000] =	vst v63  }
0xdd: {  	s0 =	sor.u32 s13, s11  }
0xde: {  	s0 =	sshrl.u32 s0, $0x3  }
0xdf: {  	s14 =	simm.s32 $0xB000;
	s15 =	rddreg [dreg:$0x12];
	s0 =	sadd.s32 s3, s0  }
0xe0: {  	[hbm4b:s0+s4] =	stream.linear.scatter [tilespmem:s14], [sflag:$0x3], $0x1000, $0x38;
	[tilespmem:$0x1A000] =	vst v63  }
0xe1: {  	s0 =	sor.u32 s15, s11  }
0xe2: {  	s0 =	sshrl.u32 s0, $0x3  }
0xe3: {  	s16 =	simm.s32 $0xC000;
	s17 =	rddreg [dreg:$0x13];
	s0 =	sadd.s32 s3, s0  }
0xe4: {  	[hbm4b:s0+s4] =	stream.linear.scatter [tilespmem:s16], [sflag:$0x3], $0x1000, $0x38;
	[tilespmem:$0x1A000] =	vst v63  }
0xe5: {  	s0 =	sor.u32 s17, s11  }
0xe6: {  	s0 =	sshrl.u32 s0, $0x3  }
0xe7: {  	s18 =	simm.s32 $0xD000;
	s19 =	sor.u32 s22, s11;
	s0 =	sadd.s32 s3, s0  }
0xe8: {  	[hbm4b:s0+s4] =	stream.linear.scatter [tilespmem:s18], [sflag:$0x3], $0x1000, $0x38;
	[tilespmem:$0x1A000] =	vst v63  }
0xe9: {  	s0 =	sshrl.u32 s19, $0x3  }
0xea: {  	s20 =	simm.s32 $0xE000;
	s25 =	sor.u32 s23, s11;
	s0 =	sadd.s32 s3, s0  }
0xeb: {  	[hbm4b:s0+s4] =	stream.linear.scatter [tilespmem:s20], [sflag:$0x3], $0x1000, $0x38;
	[tilespmem:$0x1A000] =	vst v63  }
0xec: {  	s0 =	sshrl.u32 s25, $0x3  }
0xed: {  	s26 =	simm.s32 $0xF000;
	s1 =	sor.u32 s24, s11;
	s0 =	sadd.s32 s3, s0  }
0xee: {  	[hbm4b:s0+s4] =	stream.linear.scatter [tilespmem:s26], [sflag:$0x3], $0x1000, $0x38;
	[tilespmem:$0x1A000] =	vst v63  }
0xef: {  	s0 =	sshrl.u32 s1, $0x3  }
0xf0: {  	s5 =	rddreg [dreg:$0xe];
	s2 =	simm.s32 $0x10000;
	s0 =	sadd.s32 s3, s0  }
0xf1: {  	[hbm4b:s0+s4] =	stream.linear.scatter [tilespmem:s2], [sflag:$0x3], $0x1000, $0x38;
	[tilespmem:$0x1A000] =	vst v63  }
0xf2: {  	s0 =	sor.u32 s5, s11  }
0xf3: {  	s0 =	sshrl.u32 s0, $0x3  }
0xf4: {  	s6 =	simm.s32 $0x11000;
	s7 =	simm.s32 $0x2;
	s0 =	sadd.s32 s3, s0  }
0xf5: {  	[hbm4b:s0+s4] =	stream.linear.scatter [tilespmem:s6], [sflag:$0x3], $0x1000, $0x38;
	[tilespmem:$0x1A000] =	vst v63  }
0xf6: {  	_ =	swait.ge [sflag:s7], $0x1000  }
0xf7: {  	[sflag:s7] =	ssyncset.done $0x0  }
0xf8: {  	s0 =	simm.s32 @!p0 $0x4;
	[sflag:s7] =	ssyncadd.s32 $0xFFFFF000  }
0xf9: {  	_ =	swait.ge @!p0 [sflag:s0], $0x1000  }
0xfa: {  	[sflag:s0] =	ssyncset.done @!p0 $0x0  }
0xfb: {  	[sflag:s0] =	ssyncadd.s32 @!p0 $0xFFFFF000  }
0xfc: {  	_ =	swait.ge @!p0 [sflag:s0], $0x1000  }
0xfd: {  	[sflag:s0] =	ssyncset.done @!p0 $0x0  }
0xfe: {  	[sflag:s0] =	ssyncadd.s32 @!p0 $0xFFFFF000  }
0xff: {  	_ =	swait.ge @!p0 [sflag:s0], $0x1000  }
0x100: {  	[sflag:s0] =	ssyncset.done @!p0 $0x0  }
0x101: {  	[sflag:s0] =	ssyncadd.s32 @!p0 $0xFFFFF000  }
0x102: {  	_ =	swait.ge @!p0 [sflag:s0], $0x1000  }
0x103: {  	[sflag:s0] =	ssyncset.done @!p0 $0x0  }
0x104: {  	[sflag:s0] =	ssyncadd.s32 @!p0 $0xFFFFF000  }
0x105: {  	_ =	swait.ge @!p0 [sflag:s0], $0x1000  }
0x106: {  	[sflag:s0] =	ssyncset.done @!p0 $0x0  }
0x107: {  	[sflag:s0] =	ssyncadd.s32 @!p0 $0xFFFFF000  }
0x108: {  	_ =	swait.ge @!p0 [sflag:s0], $0x1000  }
0x109: {  	[sflag:s0] =	ssyncset.done @!p0 $0x0  }
0x10a: {  	[sflag:s0] =	ssyncadd.s32 @!p0 $0xFFFFF000  }
0x10b: {  	_ =	swait.ge @!p0 [sflag:s0], $0x1000  }
0x10c: {  	s8 =	simm.s32 $0x0;
	[sflag:s0] =	ssyncset.done @!p0 $0x0  }
0x10d: {  	s28 =	sand.u32 $0x60, s8;
	[sflag:s0] =	ssyncadd.s32 @!p0 $0xFFFFF000  }
0x10e: {  	s12 =	sand.u32 $0xC00, s8;
	s13 =	sand.u32 $0x380, s8;
	_ =	swait.ge @!p0 [sflag:s0], $0x1000  }
0x10f: {  	s8 =	sor.u32 $0x10, s28;
	s18 =	sor.u32 s13, s12;
	[sflag:s0] =	ssyncset.done @!p0 $0x0  }
0x110: {  	s14 =	sor.u32 s8, s18;
	[sflag:s0] =	ssyncadd.s32 @!p0 $0xFFFFF000  }
0x111: {  	s1 =	sor.u32 s28, s18;
	v2 =	vld [tilespmem:s14+$0x9000]  }
0x112: {  	v3 =	vld [tilespmem:s1+$0x9000];
	_ =	sdelay $0x6  }
0x113: {  	v0 =	vld.idx.msk [tilespmem:v2+s4+$0x0], $0xffff  }
0x114: {  	v4 =	vadd.s32 $0x1000, v2;
	v1 =	vld.idx.msk [tilespmem:v3+s4+$0x0], $0xffff;
	_ =	sdelay $0x1  }
0x115: {  	s15 =	simm.s32 $0x100;
	s16 =	simm.s32 $0x8;
	v5 =	vadd.s32 $0x1000, v3  }
0x116: {  	s17 =	simm.s32 $0x20;
	s2 =	sand.u32 $0xC00, s15;
	s5 =	sand.u32 $0x380, s16  }
0x117: {  	s12 =	sand.u32 $0x60, s17;
	s13 =	sor.u32 s5, s2;
	[tilespmem:s14+$0x12000] =	vst v0  }
0x118: {  	s20 =	sor.u32 s12, s13;
	[tilespmem:s1+$0x12000] =	vst v1;
	v1 =	vld.idx.msk [tilespmem:v4+s4+$0x0], $0xffff  }
0x119: {  	s14 =	sor.u32 $0x10, s12;
	v4 =	vld [tilespmem:s20+$0x9000]  }
0x11a: {  	v6 =	vadd.s32 $0x2000, v2;
	s19 =	sor.u32 s14, s13;
	v5 =	vld.idx.msk [tilespmem:v5+s4+$0x0], $0xffff  }
0x11b: {  	v7 =	vadd.s32 $0x2000, v3;
	v0 =	vld [tilespmem:s19+$0x9000]  }
0x11c: {  	s25 =	sor.u32 $0x13000, s18  }
0x11d: {  	s26 =	sor.u32 s8, s25  }
0x11e: {  	s2 =	sor.u32 s28, s25;
	[tilespmem:s26+$0x0] =	vst v1  }
0x11f: {  	[tilespmem:s2+$0x0] =	vst v5;
	v1 =	vld.idx.msk [tilespmem:v6+s4+$0x0], $0xffff  }
0x120: {  	v5 =	vadd.s32 $0x3000, v2;
	v6 =	vld.idx.msk [tilespmem:v7+s4+$0x0], $0xffff  }
0x121: {  	v7 =	vadd.s32 $0x3000, v3;
	v9 =	vld.idx.msk [tilespmem:v4+s4+$0x0], $0xffff  }
0x122: {  	s6 =	sor.u32 $0x14000, s18;
	v11 =	vadd.s32 $0x1000, v4  }
0x123: {  	s17 =	simm.s32 $0x40;
	s7 =	sor.u32 s8, s6;
	v8 =	vld.idx.msk [tilespmem:v0+s4+$0x0], $0xffff  }
0x124: {  	s15 =	simm.s32 $0x200;
	s16 =	simm.s32 $0x10;
	s2 =	sor.u32 s28, s6;
	v10 =	vadd.s32 $0x1000, v0;
	[tilespmem:s7+$0x0] =	vst v1  }
0x125: {  	s5 =	sand.u32 $0x380, s16;
	s6 =	sand.u32 $0x60, s17;
	[tilespmem:s2+$0x0] =	vst v6;
	s2 =	sand.u32 $0xC00, s15;
	v5 =	vld.idx.msk [tilespmem:v5+s4+$0x0], $0xffff  }
0x126: {  	s17 =	sor.u32 $0x10, s6;
	v6 =	vadd.s32 $0x4000, v2;
	v7 =	vld.idx.msk [tilespmem:v7+s4+$0x0], $0xffff;
	s25 =	sor.u32 s5, s2;
	[tilespmem:s20+$0x12000] =	vst v9  }
0x127: {  	s1 =	sor.u32 s17, s25;
	v9 =	vld.idx.msk [tilespmem:v11+s4+$0x0], $0xffff  }
0x128: {  	[tilespmem:s19+$0x12000] =	vst v8;
	s19 =	sor.u32 $0x15000, s18;
	v1 =	vld [tilespmem:s1+$0x9000]  }
0x129: {  	s5 =	sor.u32 s6, s25;
	v8 =	vld.idx.msk [tilespmem:v10+s4+$0x0], $0xffff;
	s20 =	sor.u32 s8, s19;
	v10 =	vadd.s32 $0x4000, v3  }
0x12a: {  	v12 =	vld [tilespmem:s5+$0x9000];
	[tilespmem:s20+$0x0] =	vst v5;
	v5 =	vadd.s32 $0x2000, v0  }
0x12b: {  	v11 =	vadd.s32 $0x2000, v4;
	v6 =	vld.idx.msk [tilespmem:v6+s4+$0x0], $0xffff  }
0x12c: {  	v13 =	vadd.s32 $0x5000, v2;
	s26 =	sor.u32 $0x13000, s13;
	s0 =	sor.u32 s28, s19  }
0x12d: {  	s7 =	sor.u32 s14, s26;
	[tilespmem:s0+$0x0] =	vst v7  }
0x12e: {  	s15 =	sor.u32 $0x16000, s18;
	s2 =	sor.u32 s12, s26;
	v7 =	vld.idx.msk [tilespmem:v10+s4+$0x0], $0xffff;
	[tilespmem:s7+$0x0] =	vst v8  }
0x12f: {  	s16 =	sor.u32 s8, s15;
	[tilespmem:s2+$0x0] =	vst v9;
	v8 =	vadd.s32 $0x5000, v3;
	v5 =	vld.idx.msk [tilespmem:v5+s4+$0x0], $0xffff  }
0x130: {  	v9 =	vld.idx.msk [tilespmem:v11+s4+$0x0], $0xffff;
	v10 =	vadd.s32 $0x3000, v0;
	[tilespmem:s16+$0x0] =	vst v6  }
0x131: {  	v6 =	vadd.s32 $0x3000, v4;
	v11 =	vld.idx.msk [tilespmem:v13+s4+$0x0], $0xffff  }
0x132: {  	v14 =	vadd.s32 $0x6000, v2;
	s19 =	sor.u32 $0x14000, s13;
	s0 =	sor.u32 s28, s15;
	v13 =	vld.idx.msk [tilespmem:v1+s4+$0x0], $0xffff  }
0x133: {  	s20 =	sor.u32 s14, s19;
	v15 =	vadd.s32 $0x1000, v1;
	[tilespmem:s0+$0x0] =	vst v7;
	v7 =	vld.idx.msk [tilespmem:v12+s4+$0x0], $0xffff  }
0x134: {  	s15 =	simm.s32 $0x300;
	s2 =	sor.u32 s12, s19;
	s0 =	sor.u32 $0x17000, s18;
	[tilespmem:s20+$0x0] =	vst v5;
	v5 =	vld.idx.msk [tilespmem:v8+s4+$0x0], $0xffff  }
0x135: {  	v16 =	vadd.s32 $0x1000, v12;
	s16 =	simm.s32 $0x18;
	[tilespmem:s2+$0x0] =	vst v9;
	s2 =	simm.s32 $0x60;
	s26 =	sor.u32 s8, s0;
	v8 =	vld.idx.msk [tilespmem:v10+s4+$0x0], $0xffff  }
0x136: {  	s15 =	sand.u32 $0xC00, s15;
	s16 =	sand.u32 $0x380, s16;
	s7 =	sand.u32 $0x60, s2;
	v6 =	vld.idx.msk [tilespmem:v6+s4+$0x0], $0xffff;
	[tilespmem:s26+$0x0] =	vst v11  }
0x137: {  	v9 =	vadd.s32 $0x4000, v0;
	s31 =	sor.u32 s16, s15;
	s30 =	sor.u32 $0x10, s7;
	[tilespmem:s1+$0x12000] =	vst v13;
	v10 =	vld.idx.msk [tilespmem:v14+s4+$0x0], $0xffff  }
0x138: {  	s29 =	sor.u32 s30, s31;
	v11 =	vadd.s32 $0x4000, v4;
	[tilespmem:s5+$0x12000] =	vst v7;
	v7 =	vld.idx.msk [tilespmem:v15+s4+$0x0], $0xffff  }
0x139: {  	s15 =	sor.u32 $0x15000, s13;
	s0 =	sor.u32 s28, s0;
	v14 =	vadd.s32 $0x7000, v2;
	v2 =	vld [tilespmem:s29+$0x9000]  }
0x13a: {  	s16 =	sor.u32 s14, s15;
	s1 =	sor.u32 s7, s31;
	v15 =	vadd.s32 $0x2000, v1;
	v13 =	vld.idx.msk [tilespmem:v16+s4+$0x0], $0xffff;
	[tilespmem:s0+$0x0] =	vst v5  }
0x13b: {  	s5 =	sor.u32 s12, s15;
	s15 =	sor.u32 $0x18000, s18;
	v18 =	vld [tilespmem:s1+$0x9000];
	v16 =	vadd.s32 $0x6000, v3;
	[tilespmem:s16+$0x0] =	vst v8  }
0x13c: {  	s19 =	sor.u32 $0x13000, s25;
	s20 =	sor.u32 s8, s15;
	v8 =	vadd.s32 $0x2000, v12;
	[tilespmem:s5+$0x0] =	vst v6;
	v9 =	vld.idx.msk [tilespmem:v9+s4+$0x0], $0xffff  }
0x13d: {  	s26 =	sor.u32 s17, s19;
	[tilespmem:s20+$0x0] =	vst v10;
	v10 =	vld.idx.msk [tilespmem:v11+s4+$0x0], $0xffff  }
0x13e: {  	v6 =	vadd.s32 $0x5000, v0;
	s5 =	sor.u32 s6, s19;
	[tilespmem:s26+$0x0] =	vst v7;
	v7 =	vld.idx.msk [tilespmem:v14+s4+$0x0], $0xffff  }
0x13f: {  	[tilespmem:s5+$0x0] =	vst v13;
	v13 =	vld.idx.msk [tilespmem:v15+s4+$0x0], $0xffff;
	v14 =	vadd.s32 $0x5000, v4  }
0x140: {  	s16 =	sor.u32 $0x16000, s13;
	v25 =	vld.idx.msk [tilespmem:v16+s4+$0x0], $0xffff  }
0x141: {  	v23 =	vadd.s32 $0x3000, v1;
	v26 =	vadd.s32 $0x3000, v12;
	v5 =	vadd.s32 $0x6000, v12;
	s19 =	sor.u32 s14, s16;
	v20 =	vld.idx.msk [tilespmem:v8+s4+$0x0], $0xffff  }
0x142: {  	s20 =	sor.u32 s12, s16;
	v11 =	vadd.s32 $0x4000, v12;
	v19 =	vadd.s32 $0x1000, v18;
	s5 =	sor.u32 $0x19000, s18;
	v15 =	vadd.s32 $0x2000, v18;
	v21 =	vld.idx.msk [tilespmem:v2+s4+$0x0], $0xffff;
	[tilespmem:s19+$0x0] =	vst v9  }
0x143: {  	s26 =	sor.u32 $0x14000, s25;
	v8 =	vadd.s32 $0x7000, v3;
	v3 =	vadd.s32 $0x7000, v12;
	s19 =	sor.u32 s8, s5;
	v9 =	vadd.s32 $0x5000, v12;
	v16 =	vld.idx.msk [tilespmem:v6+s4+$0x0], $0xffff;
	[tilespmem:s20+$0x0] =	vst v10  }
0x144: {  	v12 =	vadd.s32 $0x3000, v18;
	s20 =	sor.u32 s17, s26;
	v10 =	vadd.s32 $0x5000, v18;
	[tilespmem:s19+$0x0] =	vst v7;
	v17 =	vld.idx.msk [tilespmem:v14+s4+$0x0], $0xffff;
	v14 =	vadd.s32 $0x4000, v18  }
0x145: {  	v22 =	vld.idx.msk [tilespmem:v18+s4+$0x0], $0xffff;
	[tilespmem:s20+$0x0] =	vst v13;
	v7 =	vadd.s32 $0x6000, v18;
	v13 =	vadd.s32 $0x7000, v18;
	v18 =	vadd.s32 $0x6000, v0  }
0x146: {  	s15 =	sor.u32 s28, s15;
	v24 =	vadd.s32 $0x1000, v2;
	s26 =	sor.u32 s6, s26  }
0x147: {  	s18 =	simm.s32 $0x6;
	s8 =	sor.u32 s28, s5;
	s5 =	sor.u32 $0x17000, s13;
	[tilespmem:s26+$0x0] =	vst v20;
	v20 =	vld.idx.msk [tilespmem:v23+s4+$0x0], $0xffff  }
0x148: {  	s28 =	simm.s32 $0x400;
	v6 =	vadd.s32 $0x6000, v4;
	v4 =	vadd.s32 $0x7000, v4;
	s0 =	sor.u32 s14, s5;
	[tilespmem:s15+$0x0] =	vst v25;
	s26 =	simm.s32 $0x20;
	v23 =	vld.idx.msk [tilespmem:v26+s4+$0x0], $0xffff  }
.LBB2_5:
0x149: {  	s15 =	sand.u32 $0xC00, s28;
	s16 =	sand.u32 $0x380, s26;
	s2 =	sadd.s32 $0x20, s2;
	v25 =	vadd.s32 $0x4000, v1;
	[tilespmem:s0+$0x0] =	vst v16;
	v16 =	vld.idx.msk [tilespmem:v8+s4+$0x0], $0xffff;
	v8 =	vmovc v4;
	v4 =	vmov v3;
	v3 =	vmov v13  }
0x14a: {  	s5 =	sor.u32 s12, s5;
	s0 =	sand.u32 $0x60, s2;
	s15 =	sor.u32 s16, s15;
	[tilespmem:s29+$0x12000] =	vst v21;
	v13 =	vld.idx.msk [tilespmem:v18+s4+$0x0], $0xffff  }
0x14b: {  	s18 =	sadd.s32 $0x2, s18;
	s16 =	sor.u32 $0x15000, s25;
	s19 =	sor.u32 $0x10, s0;
	[tilespmem:s1+$0x12000] =	vst v22;
	v18 =	vld.idx.msk [tilespmem:v24+s4+$0x0], $0xffff  }
0x14c: {  	p0 =	slt.u32 s18, $0xFE;
	s20 =	sor.u32 s17, s16;
	s29 =	sor.u32 s19, s15;
	v19 =	vld.idx.msk [tilespmem:v19+s4+$0x0], $0xffff;
	[tilespmem:s5+$0x0] =	vst v17;
	v17 =	vadd.s32 $0x7000, v0;
	v0 =	vmov v1;
	v1 =	vmov v2  }
0x14d: {  	s1 =	sor.u32 s0, s15;
	s5 =	sor.u32 s6, s16;
	s16 =	smov.u32 s30;
	v2 =	vld [tilespmem:s29+$0x9000];
	v21 =	vadd.s32 $0x2000, v1;
	[tilespmem:s20+$0x0] =	vst v20  }
0x14e: {  	s30 =	smov.u32 s19;
	[tilespmem:s5+$0x0] =	vst v23;
	v20 =	vld.idx.msk [tilespmem:v25+s4+$0x0], $0xffff;
	s5 =	sor.u32 $0x18000, s13  }
0x14f: {  	s20 =	sor.u32 $0x13000, s31;
	v22 =	vld [tilespmem:s1+$0x9000];
	s19 =	sor.u32 s12, s5;
	s5 =	sor.u32 s14, s5;
	[tilespmem:s8+$0x0] =	vst v16  }
0x150: {  	s8 =	sor.u32 s7, s20;
	s20 =	sor.u32 s16, s20;
	v16 =	vadd.s32 $0x5000, v0;
	v23 =	vld.idx.msk [tilespmem:v11+s4+$0x0], $0xffff;
	[tilespmem:s5+$0x0] =	vst v13;
	v11 =	vmov v14  }
0x151: {  	[tilespmem:s20+$0x0] =	vst v18;
	v17 =	vld.idx.msk [tilespmem:v17+s4+$0x0], $0xffff  }
0x152: {  	s5 =	sor.u32 $0x16000, s25;
	[tilespmem:s8+$0x0] =	vst v19;
	v25 =	vld.idx.msk [tilespmem:v21+s4+$0x0], $0xffff  }
0x153: {  	s8 =	sor.u32 s6, s5;
	s5 =	sor.u32 s17, s5;
	v26 =	vld.idx.msk [tilespmem:v15+s4+$0x0], $0xffff  }
0x154: {  	v27 =	vadd.s32 $0x3000, v1;
	v19 =	vadd.s32 $0x1000, v22;
	v15 =	vadd.s32 $0x2000, v22;
	[tilespmem:s5+$0x0] =	vst v20;
	v28 =	vld.idx.msk [tilespmem:v6+s4+$0x0], $0xffff;
	v6 =	vmovc v5;
	v5 =	vmovc v7;
	s5 =	sor.u32 $0x19000, s13;
	s13 =	smov.u32 s25;
	s25 =	smov.u32 s31  }
0x155: {  	v29 =	vadd.s32 $0x3000, v22;
	v14 =	vadd.s32 $0x4000, v22;
	v20 =	vadd.s32 $0x5000, v22;
	v16 =	vld.idx.msk [tilespmem:v16+s4+$0x0], $0xffff;
	s20 =	sor.u32 $0x14000, s25  }
.Ltmp1:
0x156: {  	v7 =	vadd.s32 $0x6000, v22;
	v13 =	vadd.s32 $0x7000, v22;
	v21 =	vld.idx.msk [tilespmem:v2+s4+$0x0], $0xffff;
	[tilespmem:s8+$0x0] =	vst v23;
	s8 =	sor.u32 s12, s5;
	s5 =	sor.u32 s14, s5;
	(pc) =	sbr.rel @p0 .LBB2_5-.Ltmp1, $4  }
0x157: {  	v18 =	vadd.s32 $0x6000, v0;
	s14 =	sor.u32 s7, s20;
	s20 =	sor.u32 s16, s20;
	s12 =	smov.u32 s6;
	v22 =	vld.idx.msk [tilespmem:v22+s4+$0x0], $0xffff;
	[tilespmem:s5+$0x0] =	vst v17  }
0x158: {  	v24 =	vadd.s32 $0x1000, v2;
	s31 =	smov.u32 s15;
	s6 =	smov.u32 s7;
	s7 =	smov.u32 s0;
	[tilespmem:s20+$0x0] =	vst v25;
	v17 =	vld.idx.msk [tilespmem:v9+s4+$0x0], $0xffff;
	v9 =	vmov v10;
	v10 =	vmov v20  }
0x159: {  	s5 =	sor.u32 $0x17000, s13;
	[tilespmem:s14+$0x0] =	vst v26;
	v20 =	vld.idx.msk [tilespmem:v27+s4+$0x0], $0xffff;
	s14 =	smov.u32 s17;
	s17 =	smov.u32 s16  }
0x15a: {  	s28 =	sadd.s32 $0x100, s28;
	s26 =	sadd.s32 $0x8, s26;
	v23 =	vld.idx.msk [tilespmem:v12+s4+$0x0], $0xffff;
	s0 =	sor.u32 s14, s5;
	[tilespmem:s19+$0x0] =	vst v28;
	v12 =	vmov v29  }
0x15b: {  	_ =	sdelay $0x2  }
0x15c: {  	[tilespmem:s1+$0x12000] =	vst v22  }
0x15d: {  	[tilespmem:s29+$0x12000] =	vst v21;
	v19 =	vld.idx.msk [tilespmem:v19+s4+$0x0], $0xffff  }
0x15e: {  	v21 =	vld.idx.msk [tilespmem:v24+s4+$0x0], $0xffff  }
0x15f: {  	v48 =	vadd.s32 $0x2000, v2  }
0x160: {  	s18 =	sor.u32 $0x13000, s31  }
0x161: {  	s1 =	sor.u32 s7, s18  }
0x162: {  	s2 =	sor.u32 s30, s18;
	[tilespmem:s1+$0x0] =	vst v19  }
0x163: {  	v51 =	vadd.s32 $0x4000, v1;
	[tilespmem:s2+$0x0] =	vst v21;
	v15 =	vld.idx.msk [tilespmem:v15+s4+$0x0], $0xffff  }
0x164: {  	v49 =	vld.idx.msk [tilespmem:v48+s4+$0x0], $0xffff  }
0x165: {  	v50 =	vadd.s32 $0x3000, v2;
	s26 =	sor.u32 $0x15000, s25  }
0x166: {  	s19 =	sor.u32 $0x14000, s31;
	s28 =	sor.u32 s17, s26  }
0x167: {  	[tilespmem:s28+$0x0] =	vst v20;
	s1 =	sor.u32 s7, s19  }
0x168: {  	s20 =	sor.u32 s30, s19;
	v20 =	vld.idx.msk [tilespmem:v51+s4+$0x0], $0xffff;
	[tilespmem:s1+$0x0] =	vst v15  }
0x169: {  	v54 =	vadd.s32 $0x5000, v1;
	[tilespmem:s20+$0x0] =	vst v49;
	v12 =	vld.idx.msk [tilespmem:v12+s4+$0x0], $0xffff  }
0x16a: {  	v52 =	vld.idx.msk [tilespmem:v50+s4+$0x0], $0xffff;
	s1 =	sor.u32 s6, s26  }
0x16b: {  	v53 =	vadd.s32 $0x4000, v2;
	s18 =	sor.u32 $0x16000, s25;
	[tilespmem:s1+$0x0] =	vst v23  }
0x16c: {  	s29 =	sor.u32 $0x15000, s31;
	s19 =	sor.u32 s17, s18;
	v11 =	vld.idx.msk [tilespmem:v11+s4+$0x0], $0xffff  }
0x16d: {  	s16 =	sor.u32 s7, s29;
	[tilespmem:s19+$0x0] =	vst v20  }
0x16e: {  	s15 =	sor.u32 s30, s29;
	v15 =	vld.idx.msk [tilespmem:v54+s4+$0x0], $0xffff;
	[tilespmem:s16+$0x0] =	vst v12  }
0x16f: {  	v57 =	vadd.s32 $0x6000, v1;
	[tilespmem:s15+$0x0] =	vst v52;
	v14 =	vld.idx.msk [tilespmem:v14+s4+$0x0], $0xffff  }
0x170: {  	[tilespmem:s0+$0x0] =	vst v16;
	s1 =	sor.u32 s6, s18;
	v55 =	vld.idx.msk [tilespmem:v53+s4+$0x0], $0xffff  }
0x171: {  	v56 =	vadd.s32 $0x5000, v2;
	v8 =	vld.idx.msk [tilespmem:v8+s4+$0x0], $0xffff;
	s29 =	sor.u32 $0x17000, s25;
	s28 =	sor.u32 s12, s5;
	[tilespmem:s1+$0x0] =	vst v11  }
0x172: {  	[tilespmem:s28+$0x0] =	vst v17;
	s2 =	sor.u32 s17, s29;
	s20 =	sor.u32 $0x16000, s31;
	v9 =	vld.idx.msk [tilespmem:v9+s4+$0x0], $0xffff  }
0x173: {  	v16 =	vld.idx.msk [tilespmem:v18+s4+$0x0], $0xffff;
	s0 =	sor.u32 s7, s20;
	[tilespmem:s2+$0x0] =	vst v15  }
0x174: {  	v0 =	vadd.s32 $0x7000, v0;
	s26 =	sor.u32 s30, s20;
	v59 =	vld.idx.msk [tilespmem:v57+s4+$0x0], $0xffff;
	[tilespmem:s0+$0x0] =	vst v14  }
0x175: {  	v60 =	vadd.s32 $0x7000, v1;
	[tilespmem:s26+$0x0] =	vst v55;
	v10 =	vld.idx.msk [tilespmem:v10+s4+$0x0], $0xffff  }
0x176: {  	[tilespmem:s8+$0x0] =	vst v8;
	s15 =	sor.u32 $0x18000, s13;
	v12 =	vld.idx.msk [tilespmem:v56+s4+$0x0], $0xffff;
	s0 =	sor.u32 s6, s29  }
0x177: {  	v58 =	vadd.s32 $0x6000, v2;
	v6 =	vld.idx.msk [tilespmem:v6+s4+$0x0], $0xffff;
	s18 =	sor.u32 $0x18000, s25;
	s16 =	sor.u32 s14, s15;
	[tilespmem:s0+$0x0] =	vst v9  }
0x178: {  	s5 =	sor.u32 $0x17000, s31;
	s19 =	sor.u32 s17, s18;
	[tilespmem:s16+$0x0] =	vst v16;
	v5 =	vld.idx.msk [tilespmem:v5+s4+$0x0], $0xffff  }
0x179: {  	s1 =	sor.u32 s7, s5;
	v0 =	vld.idx.msk [tilespmem:v0+s4+$0x0], $0xffff;
	[tilespmem:s19+$0x0] =	vst v59  }
0x17a: {  	s8 =	sor.u32 s30, s5;
	v1 =	vld.idx.msk [tilespmem:v60+s4+$0x0], $0xffff;
	[tilespmem:s1+$0x0] =	vst v10  }
0x17b: {  	s0 =	sor.u32 s12, s15;
	[tilespmem:s8+$0x0] =	vst v12;
	v7 =	vld.idx.msk [tilespmem:v7+s4+$0x0], $0xffff  }
0x17c: {  	s28 =	sor.u32 $0x19000, s13;
	[tilespmem:s0+$0x0] =	vst v6;
	v61 =	vld.idx.msk [tilespmem:v58+s4+$0x0], $0xffff;
	s1 =	sor.u32 s6, s18  }
0x17d: {  	v62 =	vadd.s32 $0x7000, v2;
	s2 =	sor.u32 $0x19000, s25;
	s29 =	sor.u32 s14, s28;
	v4 =	vld.idx.msk [tilespmem:v4+s4+$0x0], $0xffff;
	[tilespmem:s1+$0x0] =	vst v5  }
0x17e: {  	s20 =	sor.u32 $0x18000, s31;
	s5 =	sor.u32 s17, s2;
	[tilespmem:s29+$0x0] =	vst v0;
	v3 =	vld.idx.msk [tilespmem:v3+s4+$0x0], $0xffff  }
0x17f: {  	s0 =	sor.u32 s7, s20;
	[tilespmem:s5+$0x0] =	vst v1  }
0x180: {  	s26 =	sor.u32 s30, s20;
	[tilespmem:s0+$0x0] =	vst v7  }
0x181: {  	s1 =	sor.u32 s12, s28;
	[tilespmem:s26+$0x0] =	vst v61;
	v63 =	vld.idx.msk [tilespmem:v13+s4+$0x0], $0xffff  }
0x182: {  	[tilespmem:s1+$0x0] =	vst v4;
	v2 =	vld.idx.msk [tilespmem:v62+s4+$0x0], $0xffff;
	s0 =	sor.u32 s6, s2  }
0x183: {  	s6 =	sor.u32 $0x19000, s31;
	[tilespmem:s0+$0x0] =	vst v3  }
0x184: {  	s8 =	sor.u32 s30, s6;
	s2 =	rddreg [dreg:$0x15]  }
0x185: {  	s1 =	sor.u32 s7, s6;
	s2 =	sadd.s32 @!p1 s10, s2;
	s10 =	sor.u32 $0x1000, s11  }
0x186: {  	s0 =	sshll.u32 @!p1 s2, $0x9;
	s2 =	simm.s32 @!p1 $0x9000;
	[tilespmem:s1+$0x0] =	vst v63;
	s1 =	rddreg [dreg:$0x1]  }
0x187: {  	s11 =	sor.u32 s21, s10;
	[tilespmem:s8+$0x0] =	vst v2;
	s0 =	sadd.s32 @!p1 s1, s0;
	s1 =	simm.s32 @!p1 $0x0  }
0x188: {  	[tilespmem:s2], [sflag:$0x2] =	stream.linear.gather @!p1 [hbm4b:s0+s1], $0x1000, $0x38;
	[tilespmem:$0x1A000] =	vst v63  }
0x189: {  	s1 =	sshrl.u32 s11, $0x3  }
0x18a: {  	s12 =	simm.s32 $0x12000;
	s13 =	rddreg [dreg:$0x11];
	s1 =	sadd.s32 s3, s1  }
0x18b: {  	[hbm4b:s1+s4] =	stream.linear.scatter [tilespmem:s12], [sflag:$0x4], $0x1000, $0x38;
	[tilespmem:$0x1A000] =	vst v63  }
0x18c: {  	s1 =	sor.u32 s13, s10  }
0x18d: {  	s1 =	sshrl.u32 s1, $0x3  }
0x18e: {  	s14 =	simm.s32 $0x13000;
	s15 =	rddreg [dreg:$0x12];
	s1 =	sadd.s32 s3, s1  }
0x18f: {  	[hbm4b:s1+s4] =	stream.linear.scatter [tilespmem:s14], [sflag:$0x4], $0x1000, $0x38;
	[tilespmem:$0x1A000] =	vst v63  }
0x190: {  	s1 =	sor.u32 s15, s10  }
0x191: {  	s1 =	sshrl.u32 s1, $0x3  }
0x192: {  	s16 =	simm.s32 $0x14000;
	s17 =	rddreg [dreg:$0x13];
	s1 =	sadd.s32 s3, s1  }
0x193: {  	[hbm4b:s1+s4] =	stream.linear.scatter [tilespmem:s16], [sflag:$0x4], $0x1000, $0x38;
	[tilespmem:$0x1A000] =	vst v63  }
0x194: {  	s1 =	sor.u32 s17, s10  }
0x195: {  	s1 =	sshrl.u32 s1, $0x3  }
0x196: {  	s18 =	simm.s32 $0x15000;
	s19 =	sor.u32 s22, s10;
	s1 =	sadd.s32 s3, s1  }
0x197: {  	[hbm4b:s1+s4] =	stream.linear.scatter [tilespmem:s18], [sflag:$0x4], $0x1000, $0x38;
	[tilespmem:$0x1A000] =	vst v63  }
0x198: {  	s9 =	sadd.s32 $0x1, s9;
	s1 =	sshrl.u32 s19, $0x3  }
0x199: {  	s20 =	simm.s32 $0x16000;
	s25 =	sor.u32 s23, s10;
	s1 =	sadd.s32 s3, s1  }
0x19a: {  	[hbm4b:s1+s4] =	stream.linear.scatter [tilespmem:s20], [sflag:$0x4], $0x1000, $0x38;
	[tilespmem:$0x1A000] =	vst v63  }
0x19b: {  	p0 =	sne.s32 s9, $0x8;
	s26 =	simm.s32 $0x17000;
	s1 =	sshrl.u32 s25, $0x3  }
0x19c: {  	s28 =	sor.u32 s24, s10;
	s30 =	rddreg [dreg:$0xe];
	s1 =	sadd.s32 s3, s1  }
0x19d: {  	[hbm4b:s1+s4] =	stream.linear.scatter [tilespmem:s26], [sflag:$0x4], $0x1000, $0x38;
	[tilespmem:$0x1A000] =	vst v63  }
.Ltmp2:
0x19e: {  	s0 =	sor.u32 s30, s10;
	s1 =	sshrl.u32 s28, $0x3;
	(pc) =	sbr.rel @p0 .LBB2_2-.Ltmp2, $4  }
0x19f: {  	s29 =	simm.s32 $0x18000;
	s0 =	sshrl.u32 s0, $0x3;
	s1 =	sadd.s32 s3, s1  }
0x1a0: {  	[hbm4b:s1+s4] =	stream.linear.scatter [tilespmem:s29], [sflag:$0x4], $0x1000, $0x38;
	[tilespmem:$0x1A000] =	vst v63  }
0x1a1: {  	s31 =	simm.s32 $0x19000;
	s0 =	sadd.s32 s3, s0  }
0x1a2: {  	[hbm4b:s0+s4] =	stream.linear.scatter [tilespmem:s31], [sflag:$0x4], $0x1000, $0x38;
	[tilespmem:$0x1A000] =	vst v63  }
0x1a3: {  	s6 =	simm.s32 $0x3  }
0x1a4: {  	_ =	swait.ge [sflag:s6], $0x1000  }
0x1a5: {  	[sflag:s6] =	ssyncset.done $0x0  }
0x1a6: {  	[sflag:s6] =	ssyncadd.s32 $0xFFFFF000  }
0x1a7: {  	_ =	swait.ge [sflag:s6], $0x1000  }
0x1a8: {  	[sflag:s6] =	ssyncset.done $0x0  }
0x1a9: {  	[sflag:s6] =	ssyncadd.s32 $0xFFFFF000  }
0x1aa: {  	_ =	swait.ge [sflag:s6], $0x1000  }
0x1ab: {  	[sflag:s6] =	ssyncset.done $0x0  }
0x1ac: {  	[sflag:s6] =	ssyncadd.s32 $0xFFFFF000  }
0x1ad: {  	_ =	swait.ge [sflag:s6], $0x1000  }
0x1ae: {  	[sflag:s6] =	ssyncset.done $0x0  }
0x1af: {  	[sflag:s6] =	ssyncadd.s32 $0xFFFFF000  }
0x1b0: {  	_ =	swait.ge [sflag:s6], $0x1000  }
0x1b1: {  	[sflag:s6] =	ssyncset.done $0x0  }
0x1b2: {  	[sflag:s6] =	ssyncadd.s32 $0xFFFFF000  }
0x1b3: {  	_ =	swait.ge [sflag:s6], $0x1000  }
0x1b4: {  	[sflag:s6] =	ssyncset.done $0x0  }
0x1b5: {  	[sflag:s6] =	ssyncadd.s32 $0xFFFFF000  }
0x1b6: {  	_ =	swait.ge [sflag:s6], $0x1000  }
0x1b7: {  	[sflag:s6] =	ssyncset.done $0x0  }
0x1b8: {  	[sflag:s6] =	ssyncadd.s32 $0xFFFFF000  }
0x1b9: {  	_ =	swait.ge [sflag:s6], $0x1000  }
0x1ba: {  	[sflag:s6] =	ssyncset.done $0x0  }
0x1bb: {  	s1 =	simm.s32 $0x4;
	[sflag:s6] =	ssyncadd.s32 $0xFFFFF000  }
0x1bc: {  	_ =	swait.ge [sflag:s1], $0x1000  }
0x1bd: {  	[sflag:s1] =	ssyncset.done $0x0  }
0x1be: {  	[sflag:s1] =	ssyncadd.s32 $0xFFFFF000  }
0x1bf: {  	_ =	swait.ge [sflag:s1], $0x1000  }
0x1c0: {  	[sflag:s1] =	ssyncset.done $0x0  }
0x1c1: {  	[sflag:s1] =	ssyncadd.s32 $0xFFFFF000  }
0x1c2: {  	_ =	swait.ge [sflag:s1], $0x1000  }
0x1c3: {  	[sflag:s1] =	ssyncset.done $0x0  }
0x1c4: {  	[sflag:s1] =	ssyncadd.s32 $0xFFFFF000  }
0x1c5: {  	_ =	swait.ge [sflag:s1], $0x1000  }
0x1c6: {  	[sflag:s1] =	ssyncset.done $0x0  }
0x1c7: {  	[sflag:s1] =	ssyncadd.s32 $0xFFFFF000  }
0x1c8: {  	_ =	swait.ge [sflag:s1], $0x1000  }
0x1c9: {  	[sflag:s1] =	ssyncset.done $0x0  }
0x1ca: {  	[sflag:s1] =	ssyncadd.s32 $0xFFFFF000  }
0x1cb: {  	_ =	swait.ge [sflag:s1], $0x1000  }
0x1cc: {  	[sflag:s1] =	ssyncset.done $0x0  }
0x1cd: {  	[sflag:s1] =	ssyncadd.s32 $0xFFFFF000  }
0x1ce: {  	_ =	swait.ge [sflag:s1], $0x1000  }
0x1cf: {  	[sflag:s1] =	ssyncset.done $0x0  }
0x1d0: {  	[sflag:s1] =	ssyncadd.s32 $0xFFFFF000  }
0x1d1: {  	_ =	swait.ge [sflag:s1], $0x1000  }
0x1d2: {  	s2 =	rddreg [dreg:$0x16]  }
0x1d3: {  	s0 =	rddreg [dreg:$0x14];
	s2 =	sadd.s32 $0x1, s2  }
0x1d4: {  	p0 =	sne.s32 s2, s0  }
.Ltmp3:
0x1d5: {  	_ = 	snop;
	(pc) =	sbr.rel @p0 .LBB2_1-.Ltmp3, $3  }
0x1d6: {  	_ =	sdelay $0x1  }
0x1d7: {  	[sflag:s1] =	ssyncset.done $0x0  }
0x1d8: {  	[sflag:s1] =	ssyncadd.s32 $0xFFFFF000  }
0x1d9: {  	_ =	sfence.sel $0x180000  }
0x1da: {  	[bflag:$0x0] =	sbarrier.arrive $0xFFFF  }
0x1db: {  	_ =	strace $0x90000047  }
0x1dc: {  	s0 =	stileid.u32;
	[bflag:$0x2] =	sbarrier.arrive $0xFFFF  }
0x1dd: {  	p0 =	sne.s32 s0, $0x0;
	s0 =	rddreg [dreg:$0x3]  }
0x1de: {  	s0 =	sadd.s32 @!p0 $0x100000, s0  }
0x1df: {  	[sflag:s0] =	ssyncadd.tile.s32 @!p0 $0x1;
	_ =	shalt  }
.Lfunc_end2:
_tile_overlayer_lowered:
.L_overlay_start_2:
0x1e0: {  	(tag) =	ssettag $0x2  }
0x1e1: {  	s0 =	rddreg [dreg:$0x0];
	s2 =	stileid.u32  }
0x1e2: {  	s1 =	rddreg [dreg:$0x1];
	p0 =	sne.s32 s2, $0x0  }
0x1e3: {  	s3 =	rddreg [dreg:$0x2];
	[bflag:$0x3] =	sbarrier.arrive $0xFFFF;
	s2 =	simm.s32 @!p0 $0x1C05  }
0x1e4: {  	[timem:s3], [sflag:s2] =	dma.local @!p0 [hbm:s0], s1  }
0x1e5: {  	s0 =	simm.s32 @!p0 $0x5  }
0x1e6: {  	_ =	swait.ge @!p0 [sflag:s0], s1  }
0x1e7: {  	s1 =	ssub.s32 @!p0 $0x0, s1;
	[sflag:s0] =	ssyncset.done @!p0 $0x0  }
0x1e8: {  	[sflag:s0] =	ssyncadd.s32 @!p0 s1  }
0x1e9: {  	[bflag:$0x3] =	sbarrier.arrive $0xFFFF  }
0x1ea: {  	_ =	shalt  }

</sc_bundles>
